<compile_context>
chip_gen: v7x
topology: tpu7x:2x2x1
jax: 0.10.2.dev20260603
libtpu: 0.0.44.dev20260713+nightly
codegen_flags: <defaults>
</compile_context>

<pallas_src>
import functools

import jax
import jax.numpy as jnp
from jax import lax
from jax.experimental import pallas as pl
from jax.experimental.pallas import tpu as pltpu
from jax.experimental.pallas import tpu_sc as plsc

NN = 10000
EE = 320000
HH = 128
HF = 64
CC = 10
GG = 64

NC = 2
NS = 16
EPT = EE // NS
CK = 80
NCH = EPT // CK
EPTP = NCH * CK
DDEP = 10
DCK = 80
DNCH = EPT // DCK

ARW = NN
RPT = ARW // NS

NH = NN // 2
DROWS = NH + 8
DRPT = DROWS // NS

MBLK = 1000
NBLK = NN // MBLK

_mesh = plsc.VectorSubcoreMesh(core_axis_name="c", subcore_axis_name="s")



@functools.partial(
    pl.kernel,
    mesh=_mesh,
    compiler_params=pltpu.CompilerParams(use_tc_tiling_on_sc=False),
    out_type=jax.ShapeDtypeStruct((NC, NS, DRPT, 16), jnp.float32),
    scratch_types=[
        pltpu.VMEM((DNCH, DCK), jnp.int32),
        pltpu.VMEM((DCK, 16), jnp.float32),
        pltpu.VMEM((DRPT, 16), jnp.float32),
        pltpu.VMEM_SHARED((DROWS, 16), jnp.float32),
    ] + [pltpu.SemaphoreType.DMA] * DDEP,
)
def _sc_degree(rdst_hbm, ones_hbm, zeros_hbm, out_hbm, didx, ones_v, stage, acc,
               *sems):
    c = lax.axis_index("c")
    s = lax.axis_index("s")
    pltpu.sync_copy(zeros_hbm, stage)
    pltpu.sync_copy(stage, acc.at[pl.ds(s * DRPT, DRPT)])
    pltpu.sync_copy(ones_hbm, ones_v)
    pltpu.sync_copy(rdst_hbm.at[c, s], didx)
    plsc.subcore_barrier()

    def body(k, carry):
        for b in range(DDEP):
            @pl.when(k > 0)
            def _drain():
                pltpu.make_async_copy(ones_hbm, ones_v, sems[b]).wait()

            pltpu.async_copy(ones_v, acc.at[didx.at[DDEP * k + b]], sems[b],
                             add=True)
        return carry

    lax.fori_loop(0, DNCH // DDEP, body, 0)
    for b in range(DDEP):
        pltpu.make_async_copy(ones_hbm, ones_v, sems[b]).wait()
    plsc.subcore_barrier()
    pltpu.sync_copy(acc.at[pl.ds(s * DRPT, DRPT)], stage)
    pltpu.sync_copy(stage, out_hbm.at[c, s])


@functools.partial(
    pl.kernel,
    mesh=_mesh,
    compiler_params=pltpu.CompilerParams(use_tc_tiling_on_sc=False),
    out_type=jax.ShapeDtypeStruct((ARW, NC, HF), jnp.float32),
    scratch_types=[
        pltpu.VMEM((EPTP,), jnp.int32),
        pltpu.VMEM((NCH, CK), jnp.int32),
        pltpu.VMEM((CK, HF), jnp.float32),
        pltpu.VMEM((CK, HF), jnp.float32),
        pltpu.VMEM((RPT, HF), jnp.float32),
        pltpu.VMEM_SHARED((ARW, HF), jnp.float32),
        pltpu.SemaphoreType.DMA,
        pltpu.SemaphoreType.DMA,
    ],
)
def _sc_aggregate(q_hbm, gsrc_hbm, dst_hbm, zeros_hbm, out_hbm,
                  gidx, didx, rows0, rows1, stage, acc, g0, g1):
    c = lax.axis_index("c")
    s = lax.axis_index("s")
    pltpu.sync_copy(zeros_hbm, stage)
    pltpu.sync_copy(stage, acc.at[pl.ds(s * RPT, RPT)])
    pltpu.sync_copy(gsrc_hbm.at[c, s], gidx)
    pltpu.sync_copy(dst_hbm.at[s], didx)
    pltpu.async_copy(q_hbm.at[gidx.at[pl.ds(0, CK)]], rows0, g0)
    plsc.subcore_barrier()

    def body(i2, carry):
        i0 = 2 * i2
        i1 = i0 + 1
        h1 = pltpu.async_copy(q_hbm.at[gidx.at[pl.ds(i1 * CK, CK)]], rows1, g1)
        pltpu.make_async_copy(q_hbm.at[pl.ds(0, CK)], rows0, g0).wait()
        pltpu.sync_copy(rows0, acc.at[didx.at[i0]], add=True)
        inext = jnp.minimum((i0 + 2) * CK, (NCH - 1) * CK)
        pltpu.async_copy(q_hbm.at[gidx.at[pl.ds(inext, CK)]], rows0, g0)
        h1.wait()
        pltpu.sync_copy(rows1, acc.at[didx.at[i1]], add=True)
        return carry

    lax.fori_loop(0, NCH // 2, body, 0)
    pltpu.make_async_copy(q_hbm.at[pl.ds(0, CK)], rows0, g0).wait()
    plsc.subcore_barrier()
    pltpu.sync_copy(acc.at[pl.ds(s * RPT, RPT)], stage)
    pltpu.sync_copy(stage, out_hbm.at[pl.ds(s * RPT, RPT), c])



def _tc_first_body(cnt_ref, x_ref, w_ref, q_ref, dinv_ref):
    deg = cnt_ref[...][:, :1] + 1.0
    dinv = lax.rsqrt(deg)
    p = jnp.dot(x_ref[...], w_ref[...], preferred_element_type=jnp.float32)
    q_ref[...] = p * dinv
    dinv_ref[...] = dinv


_tc_first = pl.pallas_call(
    _tc_first_body,
    grid=(NBLK,),
    in_specs=[
        pl.BlockSpec((MBLK, 16), lambda i: (i, 0)),
        pl.BlockSpec((MBLK, HH), lambda i: (i, 0)),
        pl.BlockSpec((HH, HH), lambda i: (0, 0)),
    ],
    out_specs=[
        pl.BlockSpec((MBLK, HH), lambda i: (i, 0)),
        pl.BlockSpec((MBLK, 1), lambda i: (i, 0)),
    ],
    out_shape=[
        jax.ShapeDtypeStruct((NN, HH), jnp.float32),
        jax.ShapeDtypeStruct((NN, 1), jnp.float32),
    ],
)


def _tc_mid_body(acc_ref, q_ref, dinv_ref, b_ref, w_ref, qn_ref):
    z = (acc_ref[...] + q_ref[...]) * dinv_ref[...] + b_ref[...]
    h = jnp.maximum(z, 0.0)
    qn = jnp.dot(h, w_ref[...], preferred_element_type=jnp.float32)
    qn_ref[...] = qn * dinv_ref[...]


_tc_mid = pl.pallas_call(
    _tc_mid_body,
    grid=(NBLK,),
    in_specs=[
        pl.BlockSpec((MBLK, HH), lambda i: (i, 0)),
        pl.BlockSpec((MBLK, HH), lambda i: (i, 0)),
        pl.BlockSpec((MBLK, 1), lambda i: (i, 0)),
        pl.BlockSpec((1, HH), lambda i: (0, 0)),
        pl.BlockSpec((HH, HH), lambda i: (0, 0)),
    ],
    out_specs=pl.BlockSpec((MBLK, HH), lambda i: (i, 0)),
    out_shape=jax.ShapeDtypeStruct((NN, HH), jnp.float32),
)


def _tc_final_body(acc_ref, q_ref, dinv_ref, b_ref, batch_ref, wl_ref, bl_ref,
                   out_ref, pool_scr, cnt_scr):
    i = pl.program_id(0)

    @pl.when(i == 0)
    def _init():
        pool_scr[...] = jnp.zeros_like(pool_scr)
        cnt_scr[...] = jnp.zeros_like(cnt_scr)

    z = (acc_ref[...] + q_ref[...]) * dinv_ref[...] + b_ref[...]
    h = jnp.maximum(z, 0.0)
    bb = batch_ref[0, 0, :]
    gids = lax.broadcasted_iota(jnp.int32, (GG, MBLK), 0)
    oh = (bb[None, :] == gids).astype(jnp.float32)
    pool_scr[...] += jnp.dot(oh, h, preferred_element_type=jnp.float32)
    cnt_scr[...] += jnp.sum(oh, axis=1, keepdims=True)

    @pl.when(i == NBLK - 1)
    def _fin():
        pooled = pool_scr[...] / jnp.maximum(cnt_scr[...], 1.0)
        out_ref[...] = (
            jnp.dot(pooled, wl_ref[...], preferred_element_type=jnp.float32)
            + bl_ref[...]
        )


_tc_final = pl.pallas_call(
    _tc_final_body,
    grid=(NBLK,),
    in_specs=[
        pl.BlockSpec((MBLK, HH), lambda i: (i, 0)),
        pl.BlockSpec((MBLK, HH), lambda i: (i, 0)),
        pl.BlockSpec((MBLK, 1), lambda i: (i, 0)),
        pl.BlockSpec((1, HH), lambda i: (0, 0)),
        pl.BlockSpec((1, 1, MBLK), lambda i: (i, 0, 0)),
        pl.BlockSpec((HH, CC), lambda i: (0, 0)),
        pl.BlockSpec((1, CC), lambda i: (0, 0)),
    ],
    out_specs=pl.BlockSpec((GG, CC), lambda i: (0, 0)),
    out_shape=jax.ShapeDtypeStruct((GG, CC), jnp.float32),
    scratch_shapes=[
        pltpu.VMEM((GG, HH), jnp.float32),
        pltpu.VMEM((GG, 1), jnp.float32),
    ],
)



def kernel(x, edge_index, batch, W1, b1, W2, b2, W3, b3, Wl, bl):
    src = edge_index[0].reshape(NS, EPT)
    dst = edge_index[1].reshape(NS, EPT)
    gsrc = jnp.stack([src * 2, src * 2 + 1])
    dst_c = dst.reshape(NS, NCH, CK)
    dump = NH + (dst & 7)
    in0 = dst < NH
    r0 = jnp.where(in0, dst, dump)
    r1 = jnp.where(in0, dump, dst - NH)
    rdst = jnp.stack([r0, r1]).reshape(NC, NS, DNCH, DCK)

    zeros_h = jnp.zeros((RPT, HF), jnp.float32)
    zeros_d = jnp.zeros((DRPT, 16), jnp.float32)
    ones_d = jnp.ones((DCK, 16), jnp.float32)

    deg = _sc_degree(rdst, ones_d, zeros_d)
    deg = deg.reshape(NC, DROWS, 16)
    cnt = jnp.concatenate([deg[0, :NH], deg[1, :NH]], axis=0)
    q1, dinv = _tc_first(cnt, x, W1)

    def agg(q):
        a = _sc_aggregate(q.reshape(2 * NN, HF), gsrc, dst_c, zeros_h)
        return a[:NN].reshape(NN, HH)

    a1 = agg(q1)
    q2 = _tc_mid(a1, q1, dinv, b1.reshape(1, HH), W2)
    a2 = agg(q2)
    q3 = _tc_mid(a2, q2, dinv, b2.reshape(1, HH), W3)
    a3 = agg(q3)
    out = _tc_final(a3, q3, dinv, b3.reshape(1, HH),
                    batch.reshape(NBLK, 1, MBLK), Wl, bl.reshape(1, CC))
    return out

# --- scband reference (transcript-rebuilt; emitter-appended) ---
"""Pipeline reference for scband-gcn-46145128628406 (READ-ONLY COPY).

The authoritative reference and input builder live on the scoring server;
editing this copy changes nothing except your own understanding.
"""

import jax, jax.numpy as jnp
import numpy as np

N = 10000
E = 320000
D = 128
H = 128
C = 10
G = 64

def setup_inputs(seed: int = 0):
    key = jax.random.key(seed)
    ks = jax.random.split(key, 12)
    x = jax.random.normal(ks[0], (N, D), dtype=jnp.float32)
    edge_index = jax.random.randint(ks[1], (2, E), 0, N, dtype=jnp.int32)
    batch = jnp.sort(jax.random.randint(ks[2], (N,), 0, G, dtype=jnp.int32))
    W1 = jax.random.normal(ks[3], (D, H), dtype=jnp.float32) * (1.0 / np.sqrt(D))
    b1 = jnp.zeros((H,), dtype=jnp.float32)
    W2 = jax.random.normal(ks[4], (H, H), dtype=jnp.float32) * (1.0 / np.sqrt(H))
    b2 = jnp.zeros((H,), dtype=jnp.float32)
    W3 = jax.random.normal(ks[5], (H, H), dtype=jnp.float32) * (1.0 / np.sqrt(H))
    b3 = jnp.zeros((H,), dtype=jnp.float32)
    Wl = jax.random.normal(ks[6], (H, C), dtype=jnp.float32) * (1.0 / np.sqrt(H))
    bl = jnp.zeros((C,), dtype=jnp.float32)
    return {"x": x, "edge_index": edge_index, "batch": batch,
            "W1": W1, "b1": b1, "W2": W2, "b2": b2, "W3": W3, "b3": b3,
            "Wl": Wl, "bl": bl}


def gcn_conv(x, edge_index, W, b, num_nodes):
    # GCNConv: x' = D^{-1/2} (A + I) D^{-1/2} (x W) + b
    h = x @ W
    src = edge_index[0]
    dst = edge_index[1]
    loop = jnp.arange(num_nodes, dtype=src.dtype)
    src = jnp.concatenate([src, loop])
    dst = jnp.concatenate([dst, loop])
    deg = jnp.zeros((num_nodes,), dtype=h.dtype).at[dst].add(1.0)
    dinv = 1.0 / jnp.sqrt(jnp.clip(deg, 1.0))
    norm = dinv[src] * dinv[dst]
    msg = h[src] * norm[:, None]
    out = jnp.zeros_like(h).at[dst].add(msg)
    return out + b


def global_mean_pool(x, batch, num_graphs):
    sums = jax.ops.segment_sum(x, batch, num_segments=num_graphs)
    cnts = jax.ops.segment_sum(jnp.ones((x.shape[0],), dtype=x.dtype), batch, num_segments=num_graphs)
    return sums / jnp.clip(cnts, 1.0)[:, None]


def reference(x, edge_index, batch, W1, b1, W2, b2, W3, b3, Wl, bl):
    h = jax.nn.relu(gcn_conv(x, edge_index, W1, b1, N))
    h = jax.nn.relu(gcn_conv(h, edge_index, W2, b2, N))
    h = jax.nn.relu(gcn_conv(h, edge_index, W3, b3, N))
    g = global_mean_pool(h, batch, G)
    # dropout is identity in eval mode
    out = g @ Wl + bl
    return out

if __name__ == "__main__":
    import jax
    _d = setup_inputs()
    print(jax.jit(kernel)(*tuple(_d.values())))

</pallas_src>

<mosaic_0001>
#map = affine_map<(d0, d1) -> (0, 0, 0, 0)>
#map1 = affine_map<(d0, d1) -> (0, 0)>
module attributes {stable_mosaic.version = 14 : i64} {
  func.func @_sc_degree(%arg0: i32, %arg1: i32, %arg2: memref<2x16x250x80xi32, #tpu.memory_space<hbm>>, %arg3: memref<80x16xf32, #tpu.memory_space<hbm>>, %arg4: memref<313x16xf32, #tpu.memory_space<hbm>>, %arg5: memref<2x16x313x16xf32, #tpu.memory_space<hbm>>, %arg6: memref<250x80xi32, #tpu.memory_space<vmem>>, %arg7: memref<80x16xf32, #tpu.memory_space<vmem>>, %arg8: memref<313x16xf32, #tpu.memory_space<vmem>>, %arg9: memref<5008x16xf32, #tpu.memory_space<vmem_shared>>, %arg10: memref<!tpu.dma_semaphore, #tpu.memory_space<semaphore_mem>>, %arg11: memref<!tpu.dma_semaphore, #tpu.memory_space<semaphore_mem>>, %arg12: memref<!tpu.dma_semaphore, #tpu.memory_space<semaphore_mem>>, %arg13: memref<!tpu.dma_semaphore, #tpu.memory_space<semaphore_mem>>, %arg14: memref<!tpu.dma_semaphore, #tpu.memory_space<semaphore_mem>>, %arg15: memref<!tpu.dma_semaphore, #tpu.memory_space<semaphore_mem>>, %arg16: memref<!tpu.dma_semaphore, #tpu.memory_space<semaphore_mem>>, %arg17: memref<!tpu.dma_semaphore, #tpu.memory_space<semaphore_mem>>, %arg18: memref<!tpu.dma_semaphore, #tpu.memory_space<semaphore_mem>>, %arg19: memref<!tpu.dma_semaphore, #tpu.memory_space<semaphore_mem>>) attributes {dimension_semantics = [#tpu.dimension_semantics<core_parallel>, #tpu.dimension_semantics<subcore_parallel>], iteration_bounds = array<i64: 2, 16>, scalar_prefetch = 0 : i64, scratch_operands = 14 : i64, tpu.core_type = #tpu.core_type<sc_vector_subcore>, window_params = [{transform_indices = #map}, {transform_indices = #map1}, {transform_indices = #map1}, {transform_indices = #map}]} {
    "tpu.region"() ({
      %run_scoped3A = tpu.sem_alloc : memref<!tpu.dma_semaphore, #tpu.memory_space<semaphore_mem>>
      tpu.enqueue_dma source(%arg4 : memref<313x16xf32, #tpu.memory_space<hbm>>) target(%arg8 : memref<313x16xf32, #tpu.memory_space<vmem>>) target_semaphore(%run_scoped3A : memref<!tpu.dma_semaphore, #tpu.memory_space<semaphore_mem>>)
      tpu.wait_dma2 semaphore(%run_scoped3A : memref<!tpu.dma_semaphore, #tpu.memory_space<semaphore_mem>>) src(%arg4 : memref<313x16xf32, #tpu.memory_space<hbm>>) dst(%arg8 : memref<313x16xf32, #tpu.memory_space<vmem>>)
      tpu.yield
    }) : () -> ()
    %mul3A = arith.constant 313 : i32
    %mul3A_0 = arith.muli %arg1, %mul3A : i32
    "tpu.region"() ({
      %run_scoped3A = tpu.sem_alloc : memref<!tpu.dma_semaphore, #tpu.memory_space<semaphore_mem>>
      %dma_start3A = arith.constant 0 : i32
      %dma_start3A_9 = tpu.memref_slice %arg9[%mul3A_0, %dma_start3A] : memref<5008x16xf32, #tpu.memory_space<vmem_shared>> -> memref<313x16xf32, #tpu.memory_space<vmem_shared>>
      %dma_start3A_10 = arith.constant 0 : i32
      %dma_start3A_11 = tpu.memref_slice %arg9[%mul3A_0, %dma_start3A_10] : memref<5008x16xf32, #tpu.memory_space<vmem_shared>> -> memref<313x16xf32, #tpu.memory_space<vmem_shared>>
      tpu.enqueue_dma source(%arg8 : memref<313x16xf32, #tpu.memory_space<vmem>>) target(%dma_start3A_11 : memref<313x16xf32, #tpu.memory_space<vmem_shared>>) target_semaphore(%run_scoped3A : memref<!tpu.dma_semaphore, #tpu.memory_space<semaphore_mem>>)
      %dma_wait3A = arith.constant 0 : i32
      %dma_wait3A_12 = tpu.memref_slice %arg9[%mul3A_0, %dma_wait3A] : memref<5008x16xf32, #tpu.memory_space<vmem_shared>> -> memref<313x16xf32, #tpu.memory_space<vmem_shared>>
      %dma_wait3A_13 = arith.constant 0 : i32
      %dma_wait3A_14 = tpu.memref_slice %arg9[%mul3A_0, %dma_wait3A_13] : memref<5008x16xf32, #tpu.memory_space<vmem_shared>> -> memref<313x16xf32, #tpu.memory_space<vmem_shared>>
      tpu.wait_dma2 semaphore(%run_scoped3A : memref<!tpu.dma_semaphore, #tpu.memory_space<semaphore_mem>>) src(%arg8 : memref<313x16xf32, #tpu.memory_space<vmem>>) dst(%dma_wait3A_14 : memref<313x16xf32, #tpu.memory_space<vmem_shared>>)
      tpu.yield
    }) : () -> ()
    "tpu.region"() ({
      %run_scoped3A = tpu.sem_alloc : memref<!tpu.dma_semaphore, #tpu.memory_space<semaphore_mem>>
      tpu.enqueue_dma source(%arg3 : memref<80x16xf32, #tpu.memory_space<hbm>>) target(%arg7 : memref<80x16xf32, #tpu.memory_space<vmem>>) target_semaphore(%run_scoped3A : memref<!tpu.dma_semaphore, #tpu.memory_space<semaphore_mem>>)
      tpu.wait_dma2 semaphore(%run_scoped3A : memref<!tpu.dma_semaphore, #tpu.memory_space<semaphore_mem>>) src(%arg3 : memref<80x16xf32, #tpu.memory_space<hbm>>) dst(%arg7 : memref<80x16xf32, #tpu.memory_space<vmem>>)
      tpu.yield
    }) : () -> ()
    "tpu.region"() ({
      %run_scoped3A = tpu.sem_alloc : memref<!tpu.dma_semaphore, #tpu.memory_space<semaphore_mem>>
      %dma_start3A = arith.constant 0 : i32
      %dma_start3A_9 = arith.constant 0 : i32
      %dma_start3A_10 = tpu.memref_slice %arg2[%arg0, %arg1, %dma_start3A, %dma_start3A_9] : memref<2x16x250x80xi32, #tpu.memory_space<hbm>> -> memref<1x1x250x80xi32, #tpu.memory_space<hbm>>
      %dma_start3A_11 = tpu.memref_squeeze %dma_start3A_10 : memref<1x1x250x80xi32, #tpu.memory_space<hbm>> -> memref<250x80xi32, #tpu.memory_space<hbm>>
      %dma_start3A_12 = arith.constant 0 : i32
      %dma_start3A_13 = arith.constant 0 : i32
      %dma_start3A_14 = tpu.memref_slice %arg2[%arg0, %arg1, %dma_start3A_12, %dma_start3A_13] : memref<2x16x250x80xi32, #tpu.memory_space<hbm>> -> memref<1x1x250x80xi32, #tpu.memory_space<hbm>>
      %dma_start3A_15 = tpu.memref_squeeze %dma_start3A_14 : memref<1x1x250x80xi32, #tpu.memory_space<hbm>> -> memref<250x80xi32, #tpu.memory_space<hbm>>
      tpu.enqueue_dma source(%dma_start3A_15 : memref<250x80xi32, #tpu.memory_space<hbm>>) target(%arg6 : memref<250x80xi32, #tpu.memory_space<vmem>>) target_semaphore(%run_scoped3A : memref<!tpu.dma_semaphore, #tpu.memory_space<semaphore_mem>>)
      %dma_wait3A = arith.constant 0 : i32
      %dma_wait3A_16 = arith.constant 0 : i32
      %dma_wait3A_17 = tpu.memref_slice %arg2[%arg0, %arg1, %dma_wait3A, %dma_wait3A_16] : memref<2x16x250x80xi32, #tpu.memory_space<hbm>> -> memref<1x1x250x80xi32, #tpu.memory_space<hbm>>
      %dma_wait3A_18 = tpu.memref_squeeze %dma_wait3A_17 : memref<1x1x250x80xi32, #tpu.memory_space<hbm>> -> memref<250x80xi32, #tpu.memory_space<hbm>>
      %dma_wait3A_19 = arith.constant 0 : i32
      %dma_wait3A_20 = arith.constant 0 : i32
      %dma_wait3A_21 = tpu.memref_slice %arg2[%arg0, %arg1, %dma_wait3A_19, %dma_wait3A_20] : memref<2x16x250x80xi32, #tpu.memory_space<hbm>> -> memref<1x1x250x80xi32, #tpu.memory_space<hbm>>
      %dma_wait3A_22 = tpu.memref_squeeze %dma_wait3A_21 : memref<1x1x250x80xi32, #tpu.memory_space<hbm>> -> memref<250x80xi32, #tpu.memory_space<hbm>>
      tpu.wait_dma2 semaphore(%run_scoped3A : memref<!tpu.dma_semaphore, #tpu.memory_space<semaphore_mem>>) src(%dma_wait3A_22 : memref<250x80xi32, #tpu.memory_space<hbm>>) dst(%arg6 : memref<250x80xi32, #tpu.memory_space<vmem>>)
      tpu.yield
    }) : () -> ()
    %barrier3A = arith.constant 0 : index
    tpu.barrier barrier_id(%barrier3A)
    %scan3A = arith.constant 0 : i32
    %scan3A_1 = arith.constant 0 : i32
    %scan3A_2 = arith.constant 25 : i32
    %scan3A_3 = arith.addi %scan3A_1, %scan3A_2 : i32
    %scan3A_4 = arith.constant 1 : i32
    scf.for %scan3A_9 = %scan3A_1 to %scan3A_3 step %scan3A_4  : i32 {
      %gt3A = arith.constant 0 : i32
      %gt3A_10 = arith.cmpi sgt, %scan3A_9, %gt3A : i32
      %convert_element_type3A = arith.extui %gt3A_10 : i1 to i32
      %cond3A = arith.constant 0 : i32
      %cond3A_11 = arith.cmpi ne, %convert_element_type3A, %cond3A : i32
      scf.if %cond3A_11 {
        tpu.wait_dma2 semaphore(%arg10 : memref<!tpu.dma_semaphore, #tpu.memory_space<semaphore_mem>>) src(%arg3 : memref<80x16xf32, #tpu.memory_space<hbm>>) dst(%arg7 : memref<80x16xf32, #tpu.memory_space<vmem>>)
      } else {
      }
      %mul3A_12 = arith.constant 10 : i32
      %mul3A_13 = arith.muli %mul3A_12, %scan3A_9 : i32
      %add3A = arith.constant 0 : i32
      %add3A_14 = arith.addi %mul3A_13, %add3A : i32
      %dma_start3A = arith.constant 0 : i32
      %dma_start3A_15 = tpu.memref_slice %arg6[%add3A_14, %dma_start3A] : memref<250x80xi32, #tpu.memory_space<vmem>> -> memref<1x80xi32, #tpu.memory_space<vmem>>
      %dma_start3A_16 = tpu.memref_squeeze %dma_start3A_15 : memref<1x80xi32, #tpu.memory_space<vmem>> -> memref<80xi32, #tpu.memory_space<vmem>>
      %dma_start3A_17 = arith.constant 0 : i32
      %dma_start3A_18 = arith.constant 0 : i32
      %dma_start3A_19 = tpu.memref_slice %arg9[%dma_start3A_17, %dma_start3A_18] : memref<5008x16xf32, #tpu.memory_space<vmem_shared>> -> memref<5008x16xf32, #tpu.memory_space<vmem_shared>>
      tpu.enqueue_indirect_dma source(%arg7 : memref<80x16xf32, #tpu.memory_space<vmem>>) target(%dma_start3A_19 : memref<5008x16xf32, #tpu.memory_space<vmem_shared>>) offsets(%dma_start3A_16 : memref<80xi32, #tpu.memory_space<vmem>>) semaphore(%arg10 : memref<!tpu.dma_semaphore, #tpu.memory_space<semaphore_mem>>) {add = true}
      %gt3A_20 = arith.constant 0 : i32
      %gt3A_21 = arith.cmpi sgt, %scan3A_9, %gt3A_20 : i32
      %convert_element_type3A_22 = arith.extui %gt3A_21 : i1 to i32
      %cond3A_23 = arith.constant 0 : i32
      %cond3A_24 = arith.cmpi ne, %convert_element_type3A_22, %cond3A_23 : i32
      scf.if %cond3A_24 {
        tpu.wait_dma2 semaphore(%arg11 : memref<!tpu.dma_semaphore, #tpu.memory_space<semaphore_mem>>) src(%arg3 : memref<80x16xf32, #tpu.memory_space<hbm>>) dst(%arg7 : memref<80x16xf32, #tpu.memory_space<vmem>>)
      } else {
      }
      %mul3A_25 = arith.constant 10 : i32
      %mul3A_26 = arith.muli %mul3A_25, %scan3A_9 : i32
      %add3A_27 = arith.constant 1 : i32
      %add3A_28 = arith.addi %mul3A_26, %add3A_27 : i32
      %dma_start3A_29 = arith.constant 0 : i32
      %dma_start3A_30 = tpu.memref_slice %arg6[%add3A_28, %dma_start3A_29] : memref<250x80xi32, #tpu.memory_space<vmem>> -> memref<1x80xi32, #tpu.memory_space<vmem>>
      %dma_start3A_31 = tpu.memref_squeeze %dma_start3A_30 : memref<1x80xi32, #tpu.memory_space<vmem>> -> memref<80xi32, #tpu.memory_space<vmem>>
      %dma_start3A_32 = arith.constant 0 : i32
      %dma_start3A_33 = arith.constant 0 : i32
      %dma_start3A_34 = tpu.memref_slice %arg9[%dma_start3A_32, %dma_start3A_33] : memref<5008x16xf32, #tpu.memory_space<vmem_shared>> -> memref<5008x16xf32, #tpu.memory_space<vmem_shared>>
      tpu.enqueue_indirect_dma source(%arg7 : memref<80x16xf32, #tpu.memory_space<vmem>>) target(%dma_start3A_34 : memref<5008x16xf32, #tpu.memory_space<vmem_shared>>) offsets(%dma_start3A_31 : memref<80xi32, #tpu.memory_space<vmem>>) semaphore(%arg11 : memref<!tpu.dma_semaphore, #tpu.memory_space<semaphore_mem>>) {add = true}
      %gt3A_35 = arith.constant 0 : i32
      %gt3A_36 = arith.cmpi sgt, %scan3A_9, %gt3A_35 : i32
      %convert_element_type3A_37 = arith.extui %gt3A_36 : i1 to i32
      %cond3A_38 = arith.constant 0 : i32
      %cond3A_39 = arith.cmpi ne, %convert_element_type3A_37, %cond3A_38 : i32
      scf.if %cond3A_39 {
        tpu.wait_dma2 semaphore(%arg12 : memref<!tpu.dma_semaphore, #tpu.memory_space<semaphore_mem>>) src(%arg3 : memref<80x16xf32, #tpu.memory_space<hbm>>) dst(%arg7 : memref<80x16xf32, #tpu.memory_space<vmem>>)
      } else {
      }
      %mul3A_40 = arith.constant 10 : i32
      %mul3A_41 = arith.muli %mul3A_40, %scan3A_9 : i32
      %add3A_42 = arith.constant 2 : i32
      %add3A_43 = arith.addi %mul3A_41, %add3A_42 : i32
      %dma_start3A_44 = arith.constant 0 : i32
      %dma_start3A_45 = tpu.memref_slice %arg6[%add3A_43, %dma_start3A_44] : memref<250x80xi32, #tpu.memory_space<vmem>> -> memref<1x80xi32, #tpu.memory_space<vmem>>
      %dma_start3A_46 = tpu.memref_squeeze %dma_start3A_45 : memref<1x80xi32, #tpu.memory_space<vmem>> -> memref<80xi32, #tpu.memory_space<vmem>>
      %dma_start3A_47 = arith.constant 0 : i32
      %dma_start3A_48 = arith.constant 0 : i32
      %dma_start3A_49 = tpu.memref_slice %arg9[%dma_start3A_47, %dma_start3A_48] : memref<5008x16xf32, #tpu.memory_space<vmem_shared>> -> memref<5008x16xf32, #tpu.memory_space<vmem_shared>>
      tpu.enqueue_indirect_dma source(%arg7 : memref<80x16xf32, #tpu.memory_space<vmem>>) target(%dma_start3A_49 : memref<5008x16xf32, #tpu.memory_space<vmem_shared>>) offsets(%dma_start3A_46 : memref<80xi32, #tpu.memory_space<vmem>>) semaphore(%arg12 : memref<!tpu.dma_semaphore, #tpu.memory_space<semaphore_mem>>) {add = true}
      %gt3A_50 = arith.constant 0 : i32
      %gt3A_51 = arith.cmpi sgt, %scan3A_9, %gt3A_50 : i32
      %convert_element_type3A_52 = arith.extui %gt3A_51 : i1 to i32
      %cond3A_53 = arith.constant 0 : i32
      %cond3A_54 = arith.cmpi ne, %convert_element_type3A_52, %cond3A_53 : i32
      scf.if %cond3A_54 {
        tpu.wait_dma2 semaphore(%arg13 : memref<!tpu.dma_semaphore, #tpu.memory_space<semaphore_mem>>) src(%arg3 : memref<80x16xf32, #tpu.memory_space<hbm>>) dst(%arg7 : memref<80x16xf32, #tpu.memory_space<vmem>>)
      } else {
      }
      %mul3A_55 = arith.constant 10 : i32
      %mul3A_56 = arith.muli %mul3A_55, %scan3A_9 : i32
      %add3A_57 = arith.constant 3 : i32
      %add3A_58 = arith.addi %mul3A_56, %add3A_57 : i32
      %dma_start3A_59 = arith.constant 0 : i32
      %dma_start3A_60 = tpu.memref_slice %arg6[%add3A_58, %dma_start3A_59] : memref<250x80xi32, #tpu.memory_space<vmem>> -> memref<1x80xi32, #tpu.memory_space<vmem>>
      %dma_start3A_61 = tpu.memref_squeeze %dma_start3A_60 : memref<1x80xi32, #tpu.memory_space<vmem>> -> memref<80xi32, #tpu.memory_space<vmem>>
      %dma_start3A_62 = arith.constant 0 : i32
      %dma_start3A_63 = arith.constant 0 : i32
      %dma_start3A_64 = tpu.memref_slice %arg9[%dma_start3A_62, %dma_start3A_63] : memref<5008x16xf32, #tpu.memory_space<vmem_shared>> -> memref<5008x16xf32, #tpu.memory_space<vmem_shared>>
      tpu.enqueue_indirect_dma source(%arg7 : memref<80x16xf32, #tpu.memory_space<vmem>>) target(%dma_start3A_64 : memref<5008x16xf32, #tpu.memory_space<vmem_shared>>) offsets(%dma_start3A_61 : memref<80xi32, #tpu.memory_space<vmem>>) semaphore(%arg13 : memref<!tpu.dma_semaphore, #tpu.memory_space<semaphore_mem>>) {add = true}
      %gt3A_65 = arith.constant 0 : i32
      %gt3A_66 = arith.cmpi sgt, %scan3A_9, %gt3A_65 : i32
      %convert_element_type3A_67 = arith.extui %gt3A_66 : i1 to i32
      %cond3A_68 = arith.constant 0 : i32
      %cond3A_69 = arith.cmpi ne, %convert_element_type3A_67, %cond3A_68 : i32
      scf.if %cond3A_69 {
        tpu.wait_dma2 semaphore(%arg14 : memref<!tpu.dma_semaphore, #tpu.memory_space<semaphore_mem>>) src(%arg3 : memref<80x16xf32, #tpu.memory_space<hbm>>) dst(%arg7 : memref<80x16xf32, #tpu.memory_space<vmem>>)
      } else {
      }
      %mul3A_70 = arith.constant 10 : i32
      %mul3A_71 = arith.muli %mul3A_70, %scan3A_9 : i32
      %add3A_72 = arith.constant 4 : i32
      %add3A_73 = arith.addi %mul3A_71, %add3A_72 : i32
      %dma_start3A_74 = arith.constant 0 : i32
      %dma_start3A_75 = tpu.memref_slice %arg6[%add3A_73, %dma_start3A_74] : memref<250x80xi32, #tpu.memory_space<vmem>> -> memref<1x80xi32, #tpu.memory_space<vmem>>
      %dma_start3A_76 = tpu.memref_squeeze %dma_start3A_75 : memref<1x80xi32, #tpu.memory_space<vmem>> -> memref<80xi32, #tpu.memory_space<vmem>>
      %dma_start3A_77 = arith.constant 0 : i32
      %dma_start3A_78 = arith.constant 0 : i32
      %dma_start3A_79 = tpu.memref_slice %arg9[%dma_start3A_77, %dma_start3A_78] : memref<5008x16xf32, #tpu.memory_space<vmem_shared>> -> memref<5008x16xf32, #tpu.memory_space<vmem_shared>>
      tpu.enqueue_indirect_dma source(%arg7 : memref<80x16xf32, #tpu.memory_space<vmem>>) target(%dma_start3A_79 : memref<5008x16xf32, #tpu.memory_space<vmem_shared>>) offsets(%dma_start3A_76 : memref<80xi32, #tpu.memory_space<vmem>>) semaphore(%arg14 : memref<!tpu.dma_semaphore, #tpu.memory_space<semaphore_mem>>) {add = true}
      %gt3A_80 = arith.constant 0 : i32
      %gt3A_81 = arith.cmpi sgt, %scan3A_9, %gt3A_80 : i32
      %convert_element_type3A_82 = arith.extui %gt3A_81 : i1 to i32
      %cond3A_83 = arith.constant 0 : i32
      %cond3A_84 = arith.cmpi ne, %convert_element_type3A_82, %cond3A_83 : i32
      scf.if %cond3A_84 {
        tpu.wait_dma2 semaphore(%arg15 : memref<!tpu.dma_semaphore, #tpu.memory_space<semaphore_mem>>) src(%arg3 : memref<80x16xf32, #tpu.memory_space<hbm>>) dst(%arg7 : memref<80x16xf32, #tpu.memory_space<vmem>>)
      } else {
      }
      %mul3A_85 = arith.constant 10 : i32
      %mul3A_86 = arith.muli %mul3A_85, %scan3A_9 : i32
      %add3A_87 = arith.constant 5 : i32
      %add3A_88 = arith.addi %mul3A_86, %add3A_87 : i32
      %dma_start3A_89 = arith.constant 0 : i32
      %dma_start3A_90 = tpu.memref_slice %arg6[%add3A_88, %dma_start3A_89] : memref<250x80xi32, #tpu.memory_space<vmem>> -> memref<1x80xi32, #tpu.memory_space<vmem>>
      %dma_start3A_91 = tpu.memref_squeeze %dma_start3A_90 : memref<1x80xi32, #tpu.memory_space<vmem>> -> memref<80xi32, #tpu.memory_space<vmem>>
      %dma_start3A_92 = arith.constant 0 : i32
      %dma_start3A_93 = arith.constant 0 : i32
      %dma_start3A_94 = tpu.memref_slice %arg9[%dma_start3A_92, %dma_start3A_93] : memref<5008x16xf32, #tpu.memory_space<vmem_shared>> -> memref<5008x16xf32, #tpu.memory_space<vmem_shared>>
      tpu.enqueue_indirect_dma source(%arg7 : memref<80x16xf32, #tpu.memory_space<vmem>>) target(%dma_start3A_94 : memref<5008x16xf32, #tpu.memory_space<vmem_shared>>) offsets(%dma_start3A_91 : memref<80xi32, #tpu.memory_space<vmem>>) semaphore(%arg15 : memref<!tpu.dma_semaphore, #tpu.memory_space<semaphore_mem>>) {add = true}
      %gt3A_95 = arith.constant 0 : i32
      %gt3A_96 = arith.cmpi sgt, %scan3A_9, %gt3A_95 : i32
      %convert_element_type3A_97 = arith.extui %gt3A_96 : i1 to i32
      %cond3A_98 = arith.constant 0 : i32
      %cond3A_99 = arith.cmpi ne, %convert_element_type3A_97, %cond3A_98 : i32
      scf.if %cond3A_99 {
        tpu.wait_dma2 semaphore(%arg16 : memref<!tpu.dma_semaphore, #tpu.memory_space<semaphore_mem>>) src(%arg3 : memref<80x16xf32, #tpu.memory_space<hbm>>) dst(%arg7 : memref<80x16xf32, #tpu.memory_space<vmem>>)
      } else {
      }
      %mul3A_100 = arith.constant 10 : i32
      %mul3A_101 = arith.muli %mul3A_100, %scan3A_9 : i32
      %add3A_102 = arith.constant 6 : i32
      %add3A_103 = arith.addi %mul3A_101, %add3A_102 : i32
      %dma_start3A_104 = arith.constant 0 : i32
      %dma_start3A_105 = tpu.memref_slice %arg6[%add3A_103, %dma_start3A_104] : memref<250x80xi32, #tpu.memory_space<vmem>> -> memref<1x80xi32, #tpu.memory_space<vmem>>
      %dma_start3A_106 = tpu.memref_squeeze %dma_start3A_105 : memref<1x80xi32, #tpu.memory_space<vmem>> -> memref<80xi32, #tpu.memory_space<vmem>>
      %dma_start3A_107 = arith.constant 0 : i32
      %dma_start3A_108 = arith.constant 0 : i32
      %dma_start3A_109 = tpu.memref_slice %arg9[%dma_start3A_107, %dma_start3A_108] : memref<5008x16xf32, #tpu.memory_space<vmem_shared>> -> memref<5008x16xf32, #tpu.memory_space<vmem_shared>>
      tpu.enqueue_indirect_dma source(%arg7 : memref<80x16xf32, #tpu.memory_space<vmem>>) target(%dma_start3A_109 : memref<5008x16xf32, #tpu.memory_space<vmem_shared>>) offsets(%dma_start3A_106 : memref<80xi32, #tpu.memory_space<vmem>>) semaphore(%arg16 : memref<!tpu.dma_semaphore, #tpu.memory_space<semaphore_mem>>) {add = true}
      %gt3A_110 = arith.constant 0 : i32
      %gt3A_111 = arith.cmpi sgt, %scan3A_9, %gt3A_110 : i32
      %convert_element_type3A_112 = arith.extui %gt3A_111 : i1 to i32
      %cond3A_113 = arith.constant 0 : i32
      %cond3A_114 = arith.cmpi ne, %convert_element_type3A_112, %cond3A_113 : i32
      scf.if %cond3A_114 {
        tpu.wait_dma2 semaphore(%arg17 : memref<!tpu.dma_semaphore, #tpu.memory_space<semaphore_mem>>) src(%arg3 : memref<80x16xf32, #tpu.memory_space<hbm>>) dst(%arg7 : memref<80x16xf32, #tpu.memory_space<vmem>>)
      } else {
      }
      %mul3A_115 = arith.constant 10 : i32
      %mul3A_116 = arith.muli %mul3A_115, %scan3A_9 : i32
      %add3A_117 = arith.constant 7 : i32
      %add3A_118 = arith.addi %mul3A_116, %add3A_117 : i32
      %dma_start3A_119 = arith.constant 0 : i32
      %dma_start3A_120 = tpu.memref_slice %arg6[%add3A_118, %dma_start3A_119] : memref<250x80xi32, #tpu.memory_space<vmem>> -> memref<1x80xi32, #tpu.memory_space<vmem>>
      %dma_start3A_121 = tpu.memref_squeeze %dma_start3A_120 : memref<1x80xi32, #tpu.memory_space<vmem>> -> memref<80xi32, #tpu.memory_space<vmem>>
      %dma_start3A_122 = arith.constant 0 : i32
      %dma_start3A_123 = arith.constant 0 : i32
      %dma_start3A_124 = tpu.memref_slice %arg9[%dma_start3A_122, %dma_start3A_123] : memref<5008x16xf32, #tpu.memory_space<vmem_shared>> -> memref<5008x16xf32, #tpu.memory_space<vmem_shared>>
      tpu.enqueue_indirect_dma source(%arg7 : memref<80x16xf32, #tpu.memory_space<vmem>>) target(%dma_start3A_124 : memref<5008x16xf32, #tpu.memory_space<vmem_shared>>) offsets(%dma_start3A_121 : memref<80xi32, #tpu.memory_space<vmem>>) semaphore(%arg17 : memref<!tpu.dma_semaphore, #tpu.memory_space<semaphore_mem>>) {add = true}
      %gt3A_125 = arith.constant 0 : i32
      %gt3A_126 = arith.cmpi sgt, %scan3A_9, %gt3A_125 : i32
      %convert_element_type3A_127 = arith.extui %gt3A_126 : i1 to i32
      %cond3A_128 = arith.constant 0 : i32
      %cond3A_129 = arith.cmpi ne, %convert_element_type3A_127, %cond3A_128 : i32
      scf.if %cond3A_129 {
        tpu.wait_dma2 semaphore(%arg18 : memref<!tpu.dma_semaphore, #tpu.memory_space<semaphore_mem>>) src(%arg3 : memref<80x16xf32, #tpu.memory_space<hbm>>) dst(%arg7 : memref<80x16xf32, #tpu.memory_space<vmem>>)
      } else {
      }
      %mul3A_130 = arith.constant 10 : i32
      %mul3A_131 = arith.muli %mul3A_130, %scan3A_9 : i32
      %add3A_132 = arith.constant 8 : i32
      %add3A_133 = arith.addi %mul3A_131, %add3A_132 : i32
      %dma_start3A_134 = arith.constant 0 : i32
      %dma_start3A_135 = tpu.memref_slice %arg6[%add3A_133, %dma_start3A_134] : memref<250x80xi32, #tpu.memory_space<vmem>> -> memref<1x80xi32, #tpu.memory_space<vmem>>
      %dma_start3A_136 = tpu.memref_squeeze %dma_start3A_135 : memref<1x80xi32, #tpu.memory_space<vmem>> -> memref<80xi32, #tpu.memory_space<vmem>>
      %dma_start3A_137 = arith.constant 0 : i32
      %dma_start3A_138 = arith.constant 0 : i32
      %dma_start3A_139 = tpu.memref_slice %arg9[%dma_start3A_137, %dma_start3A_138] : memref<5008x16xf32, #tpu.memory_space<vmem_shared>> -> memref<5008x16xf32, #tpu.memory_space<vmem_shared>>
      tpu.enqueue_indirect_dma source(%arg7 : memref<80x16xf32, #tpu.memory_space<vmem>>) target(%dma_start3A_139 : memref<5008x16xf32, #tpu.memory_space<vmem_shared>>) offsets(%dma_start3A_136 : memref<80xi32, #tpu.memory_space<vmem>>) semaphore(%arg18 : memref<!tpu.dma_semaphore, #tpu.memory_space<semaphore_mem>>) {add = true}
      %gt3A_140 = arith.constant 0 : i32
      %gt3A_141 = arith.cmpi sgt, %scan3A_9, %gt3A_140 : i32
      %convert_element_type3A_142 = arith.extui %gt3A_141 : i1 to i32
      %cond3A_143 = arith.constant 0 : i32
      %cond3A_144 = arith.cmpi ne, %convert_element_type3A_142, %cond3A_143 : i32
      scf.if %cond3A_144 {
        tpu.wait_dma2 semaphore(%arg19 : memref<!tpu.dma_semaphore, #tpu.memory_space<semaphore_mem>>) src(%arg3 : memref<80x16xf32, #tpu.memory_space<hbm>>) dst(%arg7 : memref<80x16xf32, #tpu.memory_space<vmem>>)
      } else {
      }
      %mul3A_145 = arith.constant 10 : i32
      %mul3A_146 = arith.muli %mul3A_145, %scan3A_9 : i32
      %add3A_147 = arith.constant 9 : i32
      %add3A_148 = arith.addi %mul3A_146, %add3A_147 : i32
      %dma_start3A_149 = arith.constant 0 : i32
      %dma_start3A_150 = tpu.memref_slice %arg6[%add3A_148, %dma_start3A_149] : memref<250x80xi32, #tpu.memory_space<vmem>> -> memref<1x80xi32, #tpu.memory_space<vmem>>
      %dma_start3A_151 = tpu.memref_squeeze %dma_start3A_150 : memref<1x80xi32, #tpu.memory_space<vmem>> -> memref<80xi32, #tpu.memory_space<vmem>>
      %dma_start3A_152 = arith.constant 0 : i32
      %dma_start3A_153 = arith.constant 0 : i32
      %dma_start3A_154 = tpu.memref_slice %arg9[%dma_start3A_152, %dma_start3A_153] : memref<5008x16xf32, #tpu.memory_space<vmem_shared>> -> memref<5008x16xf32, #tpu.memory_space<vmem_shared>>
      tpu.enqueue_indirect_dma source(%arg7 : memref<80x16xf32, #tpu.memory_space<vmem>>) target(%dma_start3A_154 : memref<5008x16xf32, #tpu.memory_space<vmem_shared>>) offsets(%dma_start3A_151 : memref<80xi32, #tpu.memory_space<vmem>>) semaphore(%arg19 : memref<!tpu.dma_semaphore, #tpu.memory_space<semaphore_mem>>) {add = true}
    }
    %scan3A_5 = arith.constant 25 : i32
    tpu.wait_dma2 semaphore(%arg10 : memref<!tpu.dma_semaphore, #tpu.memory_space<semaphore_mem>>) src(%arg3 : memref<80x16xf32, #tpu.memory_space<hbm>>) dst(%arg7 : memref<80x16xf32, #tpu.memory_space<vmem>>)
    tpu.wait_dma2 semaphore(%arg11 : memref<!tpu.dma_semaphore, #tpu.memory_space<semaphore_mem>>) src(%arg3 : memref<80x16xf32, #tpu.memory_space<hbm>>) dst(%arg7 : memref<80x16xf32, #tpu.memory_space<vmem>>)
    tpu.wait_dma2 semaphore(%arg12 : memref<!tpu.dma_semaphore, #tpu.memory_space<semaphore_mem>>) src(%arg3 : memref<80x16xf32, #tpu.memory_space<hbm>>) dst(%arg7 : memref<80x16xf32, #tpu.memory_space<vmem>>)
    tpu.wait_dma2 semaphore(%arg13 : memref<!tpu.dma_semaphore, #tpu.memory_space<semaphore_mem>>) src(%arg3 : memref<80x16xf32, #tpu.memory_space<hbm>>) dst(%arg7 : memref<80x16xf32, #tpu.memory_space<vmem>>)
    tpu.wait_dma2 semaphore(%arg14 : memref<!tpu.dma_semaphore, #tpu.memory_space<semaphore_mem>>) src(%arg3 : memref<80x16xf32, #tpu.memory_space<hbm>>) dst(%arg7 : memref<80x16xf32, #tpu.memory_space<vmem>>)
    tpu.wait_dma2 semaphore(%arg15 : memref<!tpu.dma_semaphore, #tpu.memory_space<semaphore_mem>>) src(%arg3 : memref<80x16xf32, #tpu.memory_space<hbm>>) dst(%arg7 : memref<80x16xf32, #tpu.memory_space<vmem>>)
    tpu.wait_dma2 semaphore(%arg16 : memref<!tpu.dma_semaphore, #tpu.memory_space<semaphore_mem>>) src(%arg3 : memref<80x16xf32, #tpu.memory_space<hbm>>) dst(%arg7 : memref<80x16xf32, #tpu.memory_space<vmem>>)
    tpu.wait_dma2 semaphore(%arg17 : memref<!tpu.dma_semaphore, #tpu.memory_space<semaphore_mem>>) src(%arg3 : memref<80x16xf32, #tpu.memory_space<hbm>>) dst(%arg7 : memref<80x16xf32, #tpu.memory_space<vmem>>)
    tpu.wait_dma2 semaphore(%arg18 : memref<!tpu.dma_semaphore, #tpu.memory_space<semaphore_mem>>) src(%arg3 : memref<80x16xf32, #tpu.memory_space<hbm>>) dst(%arg7 : memref<80x16xf32, #tpu.memory_space<vmem>>)
    tpu.wait_dma2 semaphore(%arg19 : memref<!tpu.dma_semaphore, #tpu.memory_space<semaphore_mem>>) src(%arg3 : memref<80x16xf32, #tpu.memory_space<hbm>>) dst(%arg7 : memref<80x16xf32, #tpu.memory_space<vmem>>)
    %barrier3A_6 = arith.constant 0 : index
    tpu.barrier barrier_id(%barrier3A_6)
    %mul3A_7 = arith.constant 313 : i32
    %mul3A_8 = arith.muli %arg1, %mul3A_7 : i32
    "tpu.region"() ({
      %run_scoped3A = tpu.sem_alloc : memref<!tpu.dma_semaphore, #tpu.memory_space<semaphore_mem>>
      %dma_start3A = arith.constant 0 : i32
      %dma_start3A_9 = tpu.memref_slice %arg9[%mul3A_8, %dma_start3A] : memref<5008x16xf32, #tpu.memory_space<vmem_shared>> -> memref<313x16xf32, #tpu.memory_space<vmem_shared>>
      %dma_start3A_10 = arith.constant 0 : i32
      %dma_start3A_11 = tpu.memref_slice %arg9[%mul3A_8, %dma_start3A_10] : memref<5008x16xf32, #tpu.memory_space<vmem_shared>> -> memref<313x16xf32, #tpu.memory_space<vmem_shared>>
      tpu.enqueue_dma source(%dma_start3A_11 : memref<313x16xf32, #tpu.memory_space<vmem_shared>>) target(%arg8 : memref<313x16xf32, #tpu.memory_space<vmem>>) target_semaphore(%run_scoped3A : memref<!tpu.dma_semaphore, #tpu.memory_space<semaphore_mem>>)
      %dma_wait3A = arith.constant 0 : i32
      %dma_wait3A_12 = tpu.memref_slice %arg9[%mul3A_8, %dma_wait3A] : memref<5008x16xf32, #tpu.memory_space<vmem_shared>> -> memref<313x16xf32, #tpu.memory_space<vmem_shared>>
      %dma_wait3A_13 = arith.constant 0 : i32
      %dma_wait3A_14 = tpu.memref_slice %arg9[%mul3A_8, %dma_wait3A_13] : memref<5008x16xf32, #tpu.memory_space<vmem_shared>> -> memref<313x16xf32, #tpu.memory_space<vmem_shared>>
      tpu.wait_dma2 semaphore(%run_scoped3A : memref<!tpu.dma_semaphore, #tpu.memory_space<semaphore_mem>>) src(%dma_wait3A_14 : memref<313x16xf32, #tpu.memory_space<vmem_shared>>) dst(%arg8 : memref<313x16xf32, #tpu.memory_space<vmem>>)
      tpu.yield
    }) : () -> ()
    "tpu.region"() ({
      %run_scoped3A = tpu.sem_alloc : memref<!tpu.dma_semaphore, #tpu.memory_space<semaphore_mem>>
      %dma_start3A = arith.constant 0 : i32
      %dma_start3A_9 = arith.constant 0 : i32
      %dma_start3A_10 = tpu.memref_slice %arg5[%arg0, %arg1, %dma_start3A, %dma_start3A_9] : memref<2x16x313x16xf32, #tpu.memory_space<hbm>> -> memref<1x1x313x16xf32, #tpu.memory_space<hbm>>
      %dma_start3A_11 = tpu.memref_squeeze %dma_start3A_10 : memref<1x1x313x16xf32, #tpu.memory_space<hbm>> -> memref<313x16xf32, #tpu.memory_space<hbm>>
      %dma_start3A_12 = arith.constant 0 : i32
      %dma_start3A_13 = arith.constant 0 : i32
      %dma_start3A_14 = tpu.memref_slice %arg5[%arg0, %arg1, %dma_start3A_12, %dma_start3A_13] : memref<2x16x313x16xf32, #tpu.memory_space<hbm>> -> memref<1x1x313x16xf32, #tpu.memory_space<hbm>>
      %dma_start3A_15 = tpu.memref_squeeze %dma_start3A_14 : memref<1x1x313x16xf32, #tpu.memory_space<hbm>> -> memref<313x16xf32, #tpu.memory_space<hbm>>
      tpu.enqueue_dma source(%arg8 : memref<313x16xf32, #tpu.memory_space<vmem>>) target(%dma_start3A_15 : memref<313x16xf32, #tpu.memory_space<hbm>>) target_semaphore(%run_scoped3A : memref<!tpu.dma_semaphore, #tpu.memory_space<semaphore_mem>>)
      %dma_wait3A = arith.constant 0 : i32
      %dma_wait3A_16 = arith.constant 0 : i32
      %dma_wait3A_17 = tpu.memref_slice %arg5[%arg0, %arg1, %dma_wait3A, %dma_wait3A_16] : memref<2x16x313x16xf32, #tpu.memory_space<hbm>> -> memref<1x1x313x16xf32, #tpu.memory_space<hbm>>
      %dma_wait3A_18 = tpu.memref_squeeze %dma_wait3A_17 : memref<1x1x313x16xf32, #tpu.memory_space<hbm>> -> memref<313x16xf32, #tpu.memory_space<hbm>>
      %dma_wait3A_19 = arith.constant 0 : i32
      %dma_wait3A_20 = arith.constant 0 : i32
      %dma_wait3A_21 = tpu.memref_slice %arg5[%arg0, %arg1, %dma_wait3A_19, %dma_wait3A_20] : memref<2x16x313x16xf32, #tpu.memory_space<hbm>> -> memref<1x1x313x16xf32, #tpu.memory_space<hbm>>
      %dma_wait3A_22 = tpu.memref_squeeze %dma_wait3A_21 : memref<1x1x313x16xf32, #tpu.memory_space<hbm>> -> memref<313x16xf32, #tpu.memory_space<hbm>>
      tpu.wait_dma2 semaphore(%run_scoped3A : memref<!tpu.dma_semaphore, #tpu.memory_space<semaphore_mem>>) src(%arg8 : memref<313x16xf32, #tpu.memory_space<vmem>>) dst(%dma_wait3A_22 : memref<313x16xf32, #tpu.memory_space<hbm>>)
      tpu.yield
    }) : () -> ()
    return
  }
}

#map = affine_map<(d0, d1) -> (0, 0)>
#map1 = affine_map<(d0, d1) -> (0, 0, 0)>
module attributes {stable_mosaic.version = 14 : i64} {
  func.func @_sc_aggregate(%arg0: i32, %arg1: i32, %arg2: memref<20000x64xf32, #tpu.memory_space<hbm>>, %arg3: memref<2x16x20000xi32, #tpu.memory_space<hbm>>, %arg4: memref<16x250x80xi32, #tpu.memory_space<hbm>>, %arg5: memref<625x64xf32, #tpu.memory_space<hbm>>, %arg6: memref<10000x2x64xf32, #tpu.memory_space<hbm>>, %arg7: memref<20000xi32, #tpu.memory_space<vmem>>, %arg8: memref<250x80xi32, #tpu.memory_space<vmem>>, %arg9: memref<80x64xf32, #tpu.memory_space<vmem>>, %arg10: memref<80x64xf32, #tpu.memory_space<vmem>>, %arg11: memref<625x64xf32, #tpu.memory_space<vmem>>, %arg12: memref<10000x64xf32, #tpu.memory_space<vmem_shared>>, %arg13: memref<!tpu.dma_semaphore, #tpu.memory_space<semaphore_mem>>, %arg14: memref<!tpu.dma_semaphore, #tpu.memory_space<semaphore_mem>>) attributes {dimension_semantics = [#tpu.dimension_semantics<core_parallel>, #tpu.dimension_semantics<subcore_parallel>], iteration_bounds = array<i64: 2, 16>, scalar_prefetch = 0 : i64, scratch_operands = 8 : i64, tpu.core_type = #tpu.core_type<sc_vector_subcore>, window_params = [{transform_indices = #map}, {transform_indices = #map1}, {transform_indices = #map1}, {transform_indices = #map}, {transform_indices = #map1}]} {
    "tpu.region"() ({
      %run_scoped3A = tpu.sem_alloc : memref<!tpu.dma_semaphore, #tpu.memory_space<semaphore_mem>>
      tpu.enqueue_dma source(%arg5 : memref<625x64xf32, #tpu.memory_space<hbm>>) target(%arg11 : memref<625x64xf32, #tpu.memory_space<vmem>>) target_semaphore(%run_scoped3A : memref<!tpu.dma_semaphore, #tpu.memory_space<semaphore_mem>>)
      tpu.wait_dma2 semaphore(%run_scoped3A : memref<!tpu.dma_semaphore, #tpu.memory_space<semaphore_mem>>) src(%arg5 : memref<625x64xf32, #tpu.memory_space<hbm>>) dst(%arg11 : memref<625x64xf32, #tpu.memory_space<vmem>>)
      tpu.yield
    }) : () -> ()
    %mul3A = arith.constant 625 : i32
    %mul3A_0 = arith.muli %arg1, %mul3A : i32
    "tpu.region"() ({
      %run_scoped3A = tpu.sem_alloc : memref<!tpu.dma_semaphore, #tpu.memory_space<semaphore_mem>>
      %dma_start3A_20 = arith.constant 0 : i32
      %dma_start3A_21 = tpu.memref_slice %arg12[%mul3A_0, %dma_start3A_20] : memref<10000x64xf32, #tpu.memory_space<vmem_shared>> -> memref<625x64xf32, #tpu.memory_space<vmem_shared>>
      %dma_start3A_22 = arith.constant 0 : i32
      %dma_start3A_23 = tpu.memref_slice %arg12[%mul3A_0, %dma_start3A_22] : memref<10000x64xf32, #tpu.memory_space<vmem_shared>> -> memref<625x64xf32, #tpu.memory_space<vmem_shared>>
      tpu.enqueue_dma source(%arg11 : memref<625x64xf32, #tpu.memory_space<vmem>>) target(%dma_start3A_23 : memref<625x64xf32, #tpu.memory_space<vmem_shared>>) target_semaphore(%run_scoped3A : memref<!tpu.dma_semaphore, #tpu.memory_space<semaphore_mem>>)
      %dma_wait3A_24 = arith.constant 0 : i32
      %dma_wait3A_25 = tpu.memref_slice %arg12[%mul3A_0, %dma_wait3A_24] : memref<10000x64xf32, #tpu.memory_space<vmem_shared>> -> memref<625x64xf32, #tpu.memory_space<vmem_shared>>
      %dma_wait3A_26 = arith.constant 0 : i32
      %dma_wait3A_27 = tpu.memref_slice %arg12[%mul3A_0, %dma_wait3A_26] : memref<10000x64xf32, #tpu.memory_space<vmem_shared>> -> memref<625x64xf32, #tpu.memory_space<vmem_shared>>
      tpu.wait_dma2 semaphore(%run_scoped3A : memref<!tpu.dma_semaphore, #tpu.memory_space<semaphore_mem>>) src(%arg11 : memref<625x64xf32, #tpu.memory_space<vmem>>) dst(%dma_wait3A_27 : memref<625x64xf32, #tpu.memory_space<vmem_shared>>)
      tpu.yield
    }) : () -> ()
    "tpu.region"() ({
      %run_scoped3A = tpu.sem_alloc : memref<!tpu.dma_semaphore, #tpu.memory_space<semaphore_mem>>
      %dma_start3A_20 = arith.constant 0 : i32
      %dma_start3A_21 = tpu.memref_slice %arg3[%arg0, %arg1, %dma_start3A_20] : memref<2x16x20000xi32, #tpu.memory_space<hbm>> -> memref<1x1x20000xi32, #tpu.memory_space<hbm>>
      %dma_start3A_22 = tpu.memref_squeeze %dma_start3A_21 : memref<1x1x20000xi32, #tpu.memory_space<hbm>> -> memref<20000xi32, #tpu.memory_space<hbm>>
      %dma_start3A_23 = arith.constant 0 : i32
      %dma_start3A_24 = tpu.memref_slice %arg3[%arg0, %arg1, %dma_start3A_23] : memref<2x16x20000xi32, #tpu.memory_space<hbm>> -> memref<1x1x20000xi32, #tpu.memory_space<hbm>>
      %dma_start3A_25 = tpu.memref_squeeze %dma_start3A_24 : memref<1x1x20000xi32, #tpu.memory_space<hbm>> -> memref<20000xi32, #tpu.memory_space<hbm>>
      tpu.enqueue_dma source(%dma_start3A_25 : memref<20000xi32, #tpu.memory_space<hbm>>) target(%arg7 : memref<20000xi32, #tpu.memory_space<vmem>>) target_semaphore(%run_scoped3A : memref<!tpu.dma_semaphore, #tpu.memory_space<semaphore_mem>>)
      %dma_wait3A_26 = arith.constant 0 : i32
      %dma_wait3A_27 = tpu.memref_slice %arg3[%arg0, %arg1, %dma_wait3A_26] : memref<2x16x20000xi32, #tpu.memory_space<hbm>> -> memref<1x1x20000xi32, #tpu.memory_space<hbm>>
      %dma_wait3A_28 = tpu.memref_squeeze %dma_wait3A_27 : memref<1x1x20000xi32, #tpu.memory_space<hbm>> -> memref<20000xi32, #tpu.memory_space<hbm>>
      %dma_wait3A_29 = arith.constant 0 : i32
      %dma_wait3A_30 = tpu.memref_slice %arg3[%arg0, %arg1, %dma_wait3A_29] : memref<2x16x20000xi32, #tpu.memory_space<hbm>> -> memref<1x1x20000xi32, #tpu.memory_space<hbm>>
      %dma_wait3A_31 = tpu.memref_squeeze %dma_wait3A_30 : memref<1x1x20000xi32, #tpu.memory_space<hbm>> -> memref<20000xi32, #tpu.memory_space<hbm>>
      tpu.wait_dma2 semaphore(%run_scoped3A : memref<!tpu.dma_semaphore, #tpu.memory_space<semaphore_mem>>) src(%dma_wait3A_31 : memref<20000xi32, #tpu.memory_space<hbm>>) dst(%arg7 : memref<20000xi32, #tpu.memory_space<vmem>>)
      tpu.yield
    }) : () -> ()
    "tpu.region"() ({
      %run_scoped3A = tpu.sem_alloc : memref<!tpu.dma_semaphore, #tpu.memory_space<semaphore_mem>>
      %dma_start3A_20 = arith.constant 0 : i32
      %dma_start3A_21 = arith.constant 0 : i32
      %dma_start3A_22 = tpu.memref_slice %arg4[%arg1, %dma_start3A_20, %dma_start3A_21] : memref<16x250x80xi32, #tpu.memory_space<hbm>> -> memref<1x250x80xi32, #tpu.memory_space<hbm>>
      %dma_start3A_23 = tpu.memref_squeeze %dma_start3A_22 : memref<1x250x80xi32, #tpu.memory_space<hbm>> -> memref<250x80xi32, #tpu.memory_space<hbm>>
      %dma_start3A_24 = arith.constant 0 : i32
      %dma_start3A_25 = arith.constant 0 : i32
      %dma_start3A_26 = tpu.memref_slice %arg4[%arg1, %dma_start3A_24, %dma_start3A_25] : memref<16x250x80xi32, #tpu.memory_space<hbm>> -> memref<1x250x80xi32, #tpu.memory_space<hbm>>
      %dma_start3A_27 = tpu.memref_squeeze %dma_start3A_26 : memref<1x250x80xi32, #tpu.memory_space<hbm>> -> memref<250x80xi32, #tpu.memory_space<hbm>>
      tpu.enqueue_dma source(%dma_start3A_27 : memref<250x80xi32, #tpu.memory_space<hbm>>) target(%arg8 : memref<250x80xi32, #tpu.memory_space<vmem>>) target_semaphore(%run_scoped3A : memref<!tpu.dma_semaphore, #tpu.memory_space<semaphore_mem>>)
      %dma_wait3A_28 = arith.constant 0 : i32
      %dma_wait3A_29 = arith.constant 0 : i32
      %dma_wait3A_30 = tpu.memref_slice %arg4[%arg1, %dma_wait3A_28, %dma_wait3A_29] : memref<16x250x80xi32, #tpu.memory_space<hbm>> -> memref<1x250x80xi32, #tpu.memory_space<hbm>>
      %dma_wait3A_31 = tpu.memref_squeeze %dma_wait3A_30 : memref<1x250x80xi32, #tpu.memory_space<hbm>> -> memref<250x80xi32, #tpu.memory_space<hbm>>
      %dma_wait3A_32 = arith.constant 0 : i32
      %dma_wait3A_33 = arith.constant 0 : i32
      %dma_wait3A_34 = tpu.memref_slice %arg4[%arg1, %dma_wait3A_32, %dma_wait3A_33] : memref<16x250x80xi32, #tpu.memory_space<hbm>> -> memref<1x250x80xi32, #tpu.memory_space<hbm>>
      %dma_wait3A_35 = tpu.memref_squeeze %dma_wait3A_34 : memref<1x250x80xi32, #tpu.memory_space<hbm>> -> memref<250x80xi32, #tpu.memory_space<hbm>>
      tpu.wait_dma2 semaphore(%run_scoped3A : memref<!tpu.dma_semaphore, #tpu.memory_space<semaphore_mem>>) src(%dma_wait3A_35 : memref<250x80xi32, #tpu.memory_space<hbm>>) dst(%arg8 : memref<250x80xi32, #tpu.memory_space<vmem>>)
      tpu.yield
    }) : () -> ()
    %dma_start3A = arith.constant 0 : i32
    %dma_start3A_1 = tpu.memref_slice %arg7[%dma_start3A] : memref<20000xi32, #tpu.memory_space<vmem>> -> memref<80xi32, #tpu.memory_space<vmem>>
    %dma_start3A_2 = arith.constant 0 : i32
    %dma_start3A_3 = arith.constant 0 : i32
    %dma_start3A_4 = tpu.memref_slice %arg2[%dma_start3A_2, %dma_start3A_3] : memref<20000x64xf32, #tpu.memory_space<hbm>> -> memref<20000x64xf32, #tpu.memory_space<hbm>>
    tpu.enqueue_indirect_dma source(%dma_start3A_4 : memref<20000x64xf32, #tpu.memory_space<hbm>>) target(%arg9 : memref<80x64xf32, #tpu.memory_space<vmem>>) offsets(%dma_start3A_1 : memref<80xi32, #tpu.memory_space<vmem>>) semaphore(%arg13 : memref<!tpu.dma_semaphore, #tpu.memory_space<semaphore_mem>>)
    %barrier3A = arith.constant 0 : index
    tpu.barrier barrier_id(%barrier3A)
    %scan3A = arith.constant 0 : i32
    %scan3A_5 = arith.constant 0 : i32
    %scan3A_6 = arith.constant 125 : i32
    %scan3A_7 = arith.addi %scan3A_5, %scan3A_6 : i32
    %scan3A_8 = arith.constant 1 : i32
    scf.for %scan3A_20 = %scan3A_5 to %scan3A_7 step %scan3A_8  : i32 {
      %mul3A_21 = arith.constant 2 : i32
      %mul3A_22 = arith.muli %mul3A_21, %scan3A_20 : i32
      %add3A = arith.constant 1 : i32
      %add3A_23 = arith.addi %mul3A_22, %add3A : i32
      %mul3A_24 = arith.constant 80 : i32
      %mul3A_25 = arith.muli %add3A_23, %mul3A_24 : i32
      %dma_start3A_26 = tpu.memref_slice %arg7[%mul3A_25] : memref<20000xi32, #tpu.memory_space<vmem>> -> memref<80xi32, #tpu.memory_space<vmem>>
      %dma_start3A_27 = arith.constant 0 : i32
      %dma_start3A_28 = arith.constant 0 : i32
      %dma_start3A_29 = tpu.memref_slice %arg2[%dma_start3A_27, %dma_start3A_28] : memref<20000x64xf32, #tpu.memory_space<hbm>> -> memref<20000x64xf32, #tpu.memory_space<hbm>>
      tpu.enqueue_indirect_dma source(%dma_start3A_29 : memref<20000x64xf32, #tpu.memory_space<hbm>>) target(%arg10 : memref<80x64xf32, #tpu.memory_space<vmem>>) offsets(%dma_start3A_26 : memref<80xi32, #tpu.memory_space<vmem>>) semaphore(%arg14 : memref<!tpu.dma_semaphore, #tpu.memory_space<semaphore_mem>>)
      %dma_wait3A_30 = arith.constant 0 : i32
      %dma_wait3A_31 = arith.constant 0 : i32
      %dma_wait3A_32 = tpu.memref_slice %arg2[%dma_wait3A_30, %dma_wait3A_31] : memref<20000x64xf32, #tpu.memory_space<hbm>> -> memref<80x64xf32, #tpu.memory_space<hbm>>
      %dma_wait3A_33 = arith.constant 0 : i32
      %dma_wait3A_34 = arith.constant 0 : i32
      %dma_wait3A_35 = tpu.memref_slice %arg2[%dma_wait3A_33, %dma_wait3A_34] : memref<20000x64xf32, #tpu.memory_space<hbm>> -> memref<80x64xf32, #tpu.memory_space<hbm>>
      tpu.wait_dma2 semaphore(%arg13 : memref<!tpu.dma_semaphore, #tpu.memory_space<semaphore_mem>>) src(%dma_wait3A_35 : memref<80x64xf32, #tpu.memory_space<hbm>>) dst(%arg9 : memref<80x64xf32, #tpu.memory_space<vmem>>)
      "tpu.region"() ({
        %run_scoped3A = tpu.sem_alloc : memref<!tpu.dma_semaphore, #tpu.memory_space<semaphore_mem>>
        %dma_start3A_49 = arith.constant 0 : i32
        %dma_start3A_50 = tpu.memref_slice %arg8[%mul3A_22, %dma_start3A_49] : memref<250x80xi32, #tpu.memory_space<vmem>> -> memref<1x80xi32, #tpu.memory_space<vmem>>
        %dma_start3A_51 = tpu.memref_squeeze %dma_start3A_50 : memref<1x80xi32, #tpu.memory_space<vmem>> -> memref<80xi32, #tpu.memory_space<vmem>>
        %dma_start3A_52 = arith.constant 0 : i32
        %dma_start3A_53 = arith.constant 0 : i32
        %dma_start3A_54 = tpu.memref_slice %arg12[%dma_start3A_52, %dma_start3A_53] : memref<10000x64xf32, #tpu.memory_space<vmem_shared>> -> memref<10000x64xf32, #tpu.memory_space<vmem_shared>>
        tpu.enqueue_indirect_dma source(%arg9 : memref<80x64xf32, #tpu.memory_space<vmem>>) target(%dma_start3A_54 : memref<10000x64xf32, #tpu.memory_space<vmem_shared>>) offsets(%dma_start3A_51 : memref<80xi32, #tpu.memory_space<vmem>>) semaphore(%run_scoped3A : memref<!tpu.dma_semaphore, #tpu.memory_space<semaphore_mem>>) {add = true}
        %dma_wait3A_55 = arith.constant 0 : i32
        %dma_wait3A_56 = tpu.memref_slice %arg8[%mul3A_22, %dma_wait3A_55] : memref<250x80xi32, #tpu.memory_space<vmem>> -> memref<1x80xi32, #tpu.memory_space<vmem>>
        %dma_wait3A_57 = tpu.memref_squeeze %dma_wait3A_56 : memref<1x80xi32, #tpu.memory_space<vmem>> -> memref<80xi32, #tpu.memory_space<vmem>>
        %dma_wait3A_58 = arith.constant 0 : i32
        %dma_wait3A_59 = arith.constant 0 : i32
        %dma_wait3A_60 = tpu.memref_slice %arg12[%dma_wait3A_58, %dma_wait3A_59] : memref<10000x64xf32, #tpu.memory_space<vmem_shared>> -> memref<10000x64xf32, #tpu.memory_space<vmem_shared>>
        tpu.wait_indirect_dma semaphore(%run_scoped3A : memref<!tpu.dma_semaphore, #tpu.memory_space<semaphore_mem>>) src(%arg9 : memref<80x64xf32, #tpu.memory_space<vmem>>) dst(%dma_wait3A_60 : memref<10000x64xf32, #tpu.memory_space<vmem_shared>>)
        tpu.yield
      }) : () -> ()
      %add3A_36 = arith.constant 2 : i32
      %add3A_37 = arith.addi %mul3A_22, %add3A_36 : i32
      %mul3A_38 = arith.constant 80 : i32
      %mul3A_39 = arith.muli %add3A_37, %mul3A_38 : i32
      %min3A = arith.constant 19920 : i32
      %min3A_40 = arith.minsi %mul3A_39, %min3A : i32
      %dma_start3A_41 = tpu.memref_slice %arg7[%min3A_40] : memref<20000xi32, #tpu.memory_space<vmem>> -> memref<80xi32, #tpu.memory_space<vmem>>
      %dma_start3A_42 = arith.constant 0 : i32
      %dma_start3A_43 = arith.constant 0 : i32
      %dma_start3A_44 = tpu.memref_slice %arg2[%dma_start3A_42, %dma_start3A_43] : memref<20000x64xf32, #tpu.memory_space<hbm>> -> memref<20000x64xf32, #tpu.memory_space<hbm>>
      tpu.enqueue_indirect_dma source(%dma_start3A_44 : memref<20000x64xf32, #tpu.memory_space<hbm>>) target(%arg9 : memref<80x64xf32, #tpu.memory_space<vmem>>) offsets(%dma_start3A_41 : memref<80xi32, #tpu.memory_space<vmem>>) semaphore(%arg13 : memref<!tpu.dma_semaphore, #tpu.memory_space<semaphore_mem>>)
      %dma_wait3A_45 = tpu.memref_slice %arg7[%mul3A_25] : memref<20000xi32, #tpu.memory_space<vmem>> -> memref<80xi32, #tpu.memory_space<vmem>>
      %dma_wait3A_46 = arith.constant 0 : i32
      %dma_wait3A_47 = arith.constant 0 : i32
      %dma_wait3A_48 = tpu.memref_slice %arg2[%dma_wait3A_46, %dma_wait3A_47] : memref<20000x64xf32, #tpu.memory_space<hbm>> -> memref<20000x64xf32, #tpu.memory_space<hbm>>
      tpu.wait_indirect_dma semaphore(%arg14 : memref<!tpu.dma_semaphore, #tpu.memory_space<semaphore_mem>>) src(%dma_wait3A_48 : memref<20000x64xf32, #tpu.memory_space<hbm>>) dst(%arg10 : memref<80x64xf32, #tpu.memory_space<vmem>>)
      "tpu.region"() ({
        %run_scoped3A = tpu.sem_alloc : memref<!tpu.dma_semaphore, #tpu.memory_space<semaphore_mem>>
        %dma_start3A_49 = arith.constant 0 : i32
        %dma_start3A_50 = tpu.memref_slice %arg8[%add3A_23, %dma_start3A_49] : memref<250x80xi32, #tpu.memory_space<vmem>> -> memref<1x80xi32, #tpu.memory_space<vmem>>
        %dma_start3A_51 = tpu.memref_squeeze %dma_start3A_50 : memref<1x80xi32, #tpu.memory_space<vmem>> -> memref<80xi32, #tpu.memory_space<vmem>>
        %dma_start3A_52 = arith.constant 0 : i32
        %dma_start3A_53 = arith.constant 0 : i32
        %dma_start3A_54 = tpu.memref_slice %arg12[%dma_start3A_52, %dma_start3A_53] : memref<10000x64xf32, #tpu.memory_space<vmem_shared>> -> memref<10000x64xf32, #tpu.memory_space<vmem_shared>>
        tpu.enqueue_indirect_dma source(%arg10 : memref<80x64xf32, #tpu.memory_space<vmem>>) target(%dma_start3A_54 : memref<10000x64xf32, #tpu.memory_space<vmem_shared>>) offsets(%dma_start3A_51 : memref<80xi32, #tpu.memory_space<vmem>>) semaphore(%run_scoped3A : memref<!tpu.dma_semaphore, #tpu.memory_space<semaphore_mem>>) {add = true}
        %dma_wait3A_55 = arith.constant 0 : i32
        %dma_wait3A_56 = tpu.memref_slice %arg8[%add3A_23, %dma_wait3A_55] : memref<250x80xi32, #tpu.memory_space<vmem>> -> memref<1x80xi32, #tpu.memory_space<vmem>>
        %dma_wait3A_57 = tpu.memref_squeeze %dma_wait3A_56 : memref<1x80xi32, #tpu.memory_space<vmem>> -> memref<80xi32, #tpu.memory_space<vmem>>
        %dma_wait3A_58 = arith.constant 0 : i32
        %dma_wait3A_59 = arith.constant 0 : i32
        %dma_wait3A_60 = tpu.memref_slice %arg12[%dma_wait3A_58, %dma_wait3A_59] : memref<10000x64xf32, #tpu.memory_space<vmem_shared>> -> memref<10000x64xf32, #tpu.memory_space<vmem_shared>>
        tpu.wait_indirect_dma semaphore(%run_scoped3A : memref<!tpu.dma_semaphore, #tpu.memory_space<semaphore_mem>>) src(%arg10 : memref<80x64xf32, #tpu.memory_space<vmem>>) dst(%dma_wait3A_60 : memref<10000x64xf32, #tpu.memory_space<vmem_shared>>)
        tpu.yield
      }) : () -> ()
    }
    %scan3A_9 = arith.constant 125 : i32
    %dma_wait3A = arith.constant 0 : i32
    %dma_wait3A_10 = arith.constant 0 : i32
    %dma_wait3A_11 = tpu.memref_slice %arg2[%dma_wait3A, %dma_wait3A_10] : memref<20000x64xf32, #tpu.memory_space<hbm>> -> memref<80x64xf32, #tpu.memory_space<hbm>>
    %dma_wait3A_12 = arith.constant 0 : i32
    %dma_wait3A_13 = arith.constant 0 : i32
    %dma_wait3A_14 = tpu.memref_slice %arg2[%dma_wait3A_12, %dma_wait3A_13] : memref<20000x64xf32, #tpu.memory_space<hbm>> -> memref<80x64xf32, #tpu.memory_space<hbm>>
    tpu.wait_dma2 semaphore(%arg13 : memref<!tpu.dma_semaphore, #tpu.memory_space<semaphore_mem>>) src(%dma_wait3A_14 : memref<80x64xf32, #tpu.memory_space<hbm>>) dst(%arg9 : memref<80x64xf32, #tpu.memory_space<vmem>>)
    %barrier3A_15 = arith.constant 0 : index
    tpu.barrier barrier_id(%barrier3A_15)
    %mul3A_16 = arith.constant 625 : i32
    %mul3A_17 = arith.muli %arg1, %mul3A_16 : i32
    "tpu.region"() ({
      %run_scoped3A = tpu.sem_alloc : memref<!tpu.dma_semaphore, #tpu.memory_space<semaphore_mem>>
      %dma_start3A_20 = arith.constant 0 : i32
      %dma_start3A_21 = tpu.memref_slice %arg12[%mul3A_17, %dma_start3A_20] : memref<10000x64xf32, #tpu.memory_space<vmem_shared>> -> memref<625x64xf32, #tpu.memory_space<vmem_shared>>
      %dma_start3A_22 = arith.constant 0 : i32
      %dma_start3A_23 = tpu.memref_slice %arg12[%mul3A_17, %dma_start3A_22] : memref<10000x64xf32, #tpu.memory_space<vmem_shared>> -> memref<625x64xf32, #tpu.memory_space<vmem_shared>>
      tpu.enqueue_dma source(%dma_start3A_23 : memref<625x64xf32, #tpu.memory_space<vmem_shared>>) target(%arg11 : memref<625x64xf32, #tpu.memory_space<vmem>>) target_semaphore(%run_scoped3A : memref<!tpu.dma_semaphore, #tpu.memory_space<semaphore_mem>>)
      %dma_wait3A_24 = arith.constant 0 : i32
      %dma_wait3A_25 = tpu.memref_slice %arg12[%mul3A_17, %dma_wait3A_24] : memref<10000x64xf32, #tpu.memory_space<vmem_shared>> -> memref<625x64xf32, #tpu.memory_space<vmem_shared>>
      %dma_wait3A_26 = arith.constant 0 : i32
      %dma_wait3A_27 = tpu.memref_slice %arg12[%mul3A_17, %dma_wait3A_26] : memref<10000x64xf32, #tpu.memory_space<vmem_shared>> -> memref<625x64xf32, #tpu.memory_space<vmem_shared>>
      tpu.wait_dma2 semaphore(%run_scoped3A : memref<!tpu.dma_semaphore, #tpu.memory_space<semaphore_mem>>) src(%dma_wait3A_27 : memref<625x64xf32, #tpu.memory_space<vmem_shared>>) dst(%arg11 : memref<625x64xf32, #tpu.memory_space<vmem>>)
      tpu.yield
    }) : () -> ()
    %mul3A_18 = arith.constant 625 : i32
    %mul3A_19 = arith.muli %arg1, %mul3A_18 : i32
    "tpu.region"() ({
      %run_scoped3A = tpu.sem_alloc : memref<!tpu.dma_semaphore, #tpu.memory_space<semaphore_mem>>
      %dma_start3A_20 = arith.constant 0 : i32
      %dma_start3A_21 = tpu.memref_slice %arg6[%mul3A_19, %arg0, %dma_start3A_20] : memref<10000x2x64xf32, #tpu.memory_space<hbm>> -> memref<625x1x64xf32, #tpu.memory_space<hbm>>
      %dma_start3A_22 = tpu.memref_squeeze %dma_start3A_21 : memref<625x1x64xf32, #tpu.memory_space<hbm>> -> memref<625x64xf32, #tpu.memory_space<hbm>>
      %dma_start3A_23 = arith.constant 0 : i32
      %dma_start3A_24 = tpu.memref_slice %arg6[%mul3A_19, %arg0, %dma_start3A_23] : memref<10000x2x64xf32, #tpu.memory_space<hbm>> -> memref<625x1x64xf32, #tpu.memory_space<hbm>>
      %dma_start3A_25 = tpu.memref_squeeze %dma_start3A_24 : memref<625x1x64xf32, #tpu.memory_space<hbm>> -> memref<625x64xf32, #tpu.memory_space<hbm>>
      tpu.enqueue_dma source(%arg11 : memref<625x64xf32, #tpu.memory_space<vmem>>) target(%dma_start3A_25 : memref<625x64xf32, #tpu.memory_space<hbm>>) target_semaphore(%run_scoped3A : memref<!tpu.dma_semaphore, #tpu.memory_space<semaphore_mem>>)
      %dma_wait3A_26 = arith.constant 0 : i32
      %dma_wait3A_27 = tpu.memref_slice %arg6[%mul3A_19, %arg0, %dma_wait3A_26] : memref<10000x2x64xf32, #tpu.memory_space<hbm>> -> memref<625x1x64xf32, #tpu.memory_space<hbm>>
      %dma_wait3A_28 = tpu.memref_squeeze %dma_wait3A_27 : memref<625x1x64xf32, #tpu.memory_space<hbm>> -> memref<625x64xf32, #tpu.memory_space<hbm>>
      %dma_wait3A_29 = arith.constant 0 : i32
      %dma_wait3A_30 = tpu.memref_slice %arg6[%mul3A_19, %arg0, %dma_wait3A_29] : memref<10000x2x64xf32, #tpu.memory_space<hbm>> -> memref<625x1x64xf32, #tpu.memory_space<hbm>>
      %dma_wait3A_31 = tpu.memref_squeeze %dma_wait3A_30 : memref<625x1x64xf32, #tpu.memory_space<hbm>> -> memref<625x64xf32, #tpu.memory_space<hbm>>
      tpu.wait_dma2 semaphore(%run_scoped3A : memref<!tpu.dma_semaphore, #tpu.memory_space<semaphore_mem>>) src(%arg11 : memref<625x64xf32, #tpu.memory_space<vmem>>) dst(%dma_wait3A_31 : memref<625x64xf32, #tpu.memory_space<hbm>>)
      tpu.yield
    }) : () -> ()
    return
  }
}

#map = affine_map<(d0, d1) -> (0, 0)>
#map1 = affine_map<(d0, d1) -> (0, 0, 0)>
module attributes {stable_mosaic.version = 14 : i64} {
  func.func @_sc_aggregate(%arg0: i32, %arg1: i32, %arg2: memref<20000x64xf32, #tpu.memory_space<hbm>>, %arg3: memref<2x16x20000xi32, #tpu.memory_space<hbm>>, %arg4: memref<16x250x80xi32, #tpu.memory_space<hbm>>, %arg5: memref<625x64xf32, #tpu.memory_space<hbm>>, %arg6: memref<10000x2x64xf32, #tpu.memory_space<hbm>>, %arg7: memref<20000xi32, #tpu.memory_space<vmem>>, %arg8: memref<250x80xi32, #tpu.memory_space<vmem>>, %arg9: memref<80x64xf32, #tpu.memory_space<vmem>>, %arg10: memref<80x64xf32, #tpu.memory_space<vmem>>, %arg11: memref<625x64xf32, #tpu.memory_space<vmem>>, %arg12: memref<10000x64xf32, #tpu.memory_space<vmem_shared>>, %arg13: memref<!tpu.dma_semaphore, #tpu.memory_space<semaphore_mem>>, %arg14: memref<!tpu.dma_semaphore, #tpu.memory_space<semaphore_mem>>) attributes {dimension_semantics = [#tpu.dimension_semantics<core_parallel>, #tpu.dimension_semantics<subcore_parallel>], iteration_bounds = array<i64: 2, 16>, scalar_prefetch = 0 : i64, scratch_operands = 8 : i64, tpu.core_type = #tpu.core_type<sc_vector_subcore>, window_params = [{transform_indices = #map}, {transform_indices = #map1}, {transform_indices = #map1}, {transform_indices = #map}, {transform_indices = #map1}]} {
    "tpu.region"() ({
      %run_scoped3A = tpu.sem_alloc : memref<!tpu.dma_semaphore, #tpu.memory_space<semaphore_mem>>
      tpu.enqueue_dma source(%arg5 : memref<625x64xf32, #tpu.memory_space<hbm>>) target(%arg11 : memref<625x64xf32, #tpu.memory_space<vmem>>) target_semaphore(%run_scoped3A : memref<!tpu.dma_semaphore, #tpu.memory_space<semaphore_mem>>)
      tpu.wait_dma2 semaphore(%run_scoped3A : memref<!tpu.dma_semaphore, #tpu.memory_space<semaphore_mem>>) src(%arg5 : memref<625x64xf32, #tpu.memory_space<hbm>>) dst(%arg11 : memref<625x64xf32, #tpu.memory_space<vmem>>)
      tpu.yield
    }) : () -> ()
    %mul3A = arith.constant 625 : i32
    %mul3A_0 = arith.muli %arg1, %mul3A : i32
    "tpu.region"() ({
      %run_scoped3A = tpu.sem_alloc : memref<!tpu.dma_semaphore, #tpu.memory_space<semaphore_mem>>
      %dma_start3A_20 = arith.constant 0 : i32
      %dma_start3A_21 = tpu.memref_slice %arg12[%mul3A_0, %dma_start3A_20] : memref<10000x64xf32, #tpu.memory_space<vmem_shared>> -> memref<625x64xf32, #tpu.memory_space<vmem_shared>>
      %dma_start3A_22 = arith.constant 0 : i32
      %dma_start3A_23 = tpu.memref_slice %arg12[%mul3A_0, %dma_start3A_22] : memref<10000x64xf32, #tpu.memory_space<vmem_shared>> -> memref<625x64xf32, #tpu.memory_space<vmem_shared>>
      tpu.enqueue_dma source(%arg11 : memref<625x64xf32, #tpu.memory_space<vmem>>) target(%dma_start3A_23 : memref<625x64xf32, #tpu.memory_space<vmem_shared>>) target_semaphore(%run_scoped3A : memref<!tpu.dma_semaphore, #tpu.memory_space<semaphore_mem>>)
      %dma_wait3A_24 = arith.constant 0 : i32
      %dma_wait3A_25 = tpu.memref_slice %arg12[%mul3A_0, %dma_wait3A_24] : memref<10000x64xf32, #tpu.memory_space<vmem_shared>> -> memref<625x64xf32, #tpu.memory_space<vmem_shared>>
      %dma_wait3A_26 = arith.constant 0 : i32
      %dma_wait3A_27 = tpu.memref_slice %arg12[%mul3A_0, %dma_wait3A_26] : memref<10000x64xf32, #tpu.memory_space<vmem_shared>> -> memref<625x64xf32, #tpu.memory_space<vmem_shared>>
      tpu.wait_dma2 semaphore(%run_scoped3A : memref<!tpu.dma_semaphore, #tpu.memory_space<semaphore_mem>>) src(%arg11 : memref<625x64xf32, #tpu.memory_space<vmem>>) dst(%dma_wait3A_27 : memref<625x64xf32, #tpu.memory_space<vmem_shared>>)
      tpu.yield
    }) : () -> ()
    "tpu.region"() ({
      %run_scoped3A = tpu.sem_alloc : memref<!tpu.dma_semaphore, #tpu.memory_space<semaphore_mem>>
      %dma_start3A_20 = arith.constant 0 : i32
      %dma_start3A_21 = tpu.memref_slice %arg3[%arg0, %arg1, %dma_start3A_20] : memref<2x16x20000xi32, #tpu.memory_space<hbm>> -> memref<1x1x20000xi32, #tpu.memory_space<hbm>>
      %dma_start3A_22 = tpu.memref_squeeze %dma_start3A_21 : memref<1x1x20000xi32, #tpu.memory_space<hbm>> -> memref<20000xi32, #tpu.memory_space<hbm>>
      %dma_start3A_23 = arith.constant 0 : i32
      %dma_start3A_24 = tpu.memref_slice %arg3[%arg0, %arg1, %dma_start3A_23] : memref<2x16x20000xi32, #tpu.memory_space<hbm>> -> memref<1x1x20000xi32, #tpu.memory_space<hbm>>
      %dma_start3A_25 = tpu.memref_squeeze %dma_start3A_24 : memref<1x1x20000xi32, #tpu.memory_space<hbm>> -> memref<20000xi32, #tpu.memory_space<hbm>>
      tpu.enqueue_dma source(%dma_start3A_25 : memref<20000xi32, #tpu.memory_space<hbm>>) target(%arg7 : memref<20000xi32, #tpu.memory_space<vmem>>) target_semaphore(%run_scoped3A : memref<!tpu.dma_semaphore, #tpu.memory_space<semaphore_mem>>)
      %dma_wait3A_26 = arith.constant 0 : i32
      %dma_wait3A_27 = tpu.memref_slice %arg3[%arg0, %arg1, %dma_wait3A_26] : memref<2x16x20000xi32, #tpu.memory_space<hbm>> -> memref<1x1x20000xi32, #tpu.memory_space<hbm>>
      %dma_wait3A_28 = tpu.memref_squeeze %dma_wait3A_27 : memref<1x1x20000xi32, #tpu.memory_space<hbm>> -> memref<20000xi32, #tpu.memory_space<hbm>>
      %dma_wait3A_29 = arith.constant 0 : i32
      %dma_wait3A_30 = tpu.memref_slice %arg3[%arg0, %arg1, %dma_wait3A_29] : memref<2x16x20000xi32, #tpu.memory_space<hbm>> -> memref<1x1x20000xi32, #tpu.memory_space<hbm>>
      %dma_wait3A_31 = tpu.memref_squeeze %dma_wait3A_30 : memref<1x1x20000xi32, #tpu.memory_space<hbm>> -> memref<20000xi32, #tpu.memory_space<hbm>>
      tpu.wait_dma2 semaphore(%run_scoped3A : memref<!tpu.dma_semaphore, #tpu.memory_space<semaphore_mem>>) src(%dma_wait3A_31 : memref<20000xi32, #tpu.memory_space<hbm>>) dst(%arg7 : memref<20000xi32, #tpu.memory_space<vmem>>)
      tpu.yield
    }) : () -> ()
    "tpu.region"() ({
      %run_scoped3A = tpu.sem_alloc : memref<!tpu.dma_semaphore, #tpu.memory_space<semaphore_mem>>
      %dma_start3A_20 = arith.constant 0 : i32
      %dma_start3A_21 = arith.constant 0 : i32
      %dma_start3A_22 = tpu.memref_slice %arg4[%arg1, %dma_start3A_20, %dma_start3A_21] : memref<16x250x80xi32, #tpu.memory_space<hbm>> -> memref<1x250x80xi32, #tpu.memory_space<hbm>>
      %dma_start3A_23 = tpu.memref_squeeze %dma_start3A_22 : memref<1x250x80xi32, #tpu.memory_space<hbm>> -> memref<250x80xi32, #tpu.memory_space<hbm>>
      %dma_start3A_24 = arith.constant 0 : i32
      %dma_start3A_25 = arith.constant 0 : i32
      %dma_start3A_26 = tpu.memref_slice %arg4[%arg1, %dma_start3A_24, %dma_start3A_25] : memref<16x250x80xi32, #tpu.memory_space<hbm>> -> memref<1x250x80xi32, #tpu.memory_space<hbm>>
      %dma_start3A_27 = tpu.memref_squeeze %dma_start3A_26 : memref<1x250x80xi32, #tpu.memory_space<hbm>> -> memref<250x80xi32, #tpu.memory_space<hbm>>
      tpu.enqueue_dma source(%dma_start3A_27 : memref<250x80xi32, #tpu.memory_space<hbm>>) target(%arg8 : memref<250x80xi32, #tpu.memory_space<vmem>>) target_semaphore(%run_scoped3A : memref<!tpu.dma_semaphore, #tpu.memory_space<semaphore_mem>>)
      %dma_wait3A_28 = arith.constant 0 : i32
      %dma_wait3A_29 = arith.constant 0 : i32
      %dma_wait3A_30 = tpu.memref_slice %arg4[%arg1, %dma_wait3A_28, %dma_wait3A_29] : memref<16x250x80xi32, #tpu.memory_space<hbm>> -> memref<1x250x80xi32, #tpu.memory_space<hbm>>
      %dma_wait3A_31 = tpu.memref_squeeze %dma_wait3A_30 : memref<1x250x80xi32, #tpu.memory_space<hbm>> -> memref<250x80xi32, #tpu.memory_space<hbm>>
      %dma_wait3A_32 = arith.constant 0 : i32
      %dma_wait3A_33 = arith.constant 0 : i32
      %dma_wait3A_34 = tpu.memref_slice %arg4[%arg1, %dma_wait3A_32, %dma_wait3A_33] : memref<16x250x80xi32, #tpu.memory_space<hbm>> -> memref<1x250x80xi32, #tpu.memory_space<hbm>>
      %dma_wait3A_35 = tpu.memref_squeeze %dma_wait3A_34 : memref<1x250x80xi32, #tpu.memory_space<hbm>> -> memref<250x80xi32, #tpu.memory_space<hbm>>
      tpu.wait_dma2 semaphore(%run_scoped3A : memref<!tpu.dma_semaphore, #tpu.memory_space<semaphore_mem>>) src(%dma_wait3A_35 : memref<250x80xi32, #tpu.memory_space<hbm>>) dst(%arg8 : memref<250x80xi32, #tpu.memory_space<vmem>>)
      tpu.yield
    }) : () -> ()
    %dma_start3A = arith.constant 0 : i32
    %dma_start3A_1 = tpu.memref_slice %arg7[%dma_start3A] : memref<20000xi32, #tpu.memory_space<vmem>> -> memref<80xi32, #tpu.memory_space<vmem>>
    %dma_start3A_2 = arith.constant 0 : i32
    %dma_start3A_3 = arith.constant 0 : i32
    %dma_start3A_4 = tpu.memref_slice %arg2[%dma_start3A_2, %dma_start3A_3] : memref<20000x64xf32, #tpu.memory_space<hbm>> -> memref<20000x64xf32, #tpu.memory_space<hbm>>
    tpu.enqueue_indirect_dma source(%dma_start3A_4 : memref<20000x64xf32, #tpu.memory_space<hbm>>) target(%arg9 : memref<80x64xf32, #tpu.memory_space<vmem>>) offsets(%dma_start3A_1 : memref<80xi32, #tpu.memory_space<vmem>>) semaphore(%arg13 : memref<!tpu.dma_semaphore, #tpu.memory_space<semaphore_mem>>)
    %barrier3A = arith.constant 0 : index
    tpu.barrier barrier_id(%barrier3A)
    %scan3A = arith.constant 0 : i32
    %scan3A_5 = arith.constant 0 : i32
    %scan3A_6 = arith.constant 125 : i32
    %scan3A_7 = arith.addi %scan3A_5, %scan3A_6 : i32
    %scan3A_8 = arith.constant 1 : i32
    scf.for %scan3A_20 = %scan3A_5 to %scan3A_7 step %scan3A_8  : i32 {
      %mul3A_21 = arith.constant 2 : i32
      %mul3A_22 = arith.muli %mul3A_21, %scan3A_20 : i32
      %add3A = arith.constant 1 : i32
      %add3A_23 = arith.addi %mul3A_22, %add3A : i32
      %mul3A_24 = arith.constant 80 : i32
      %mul3A_25 = arith.muli %add3A_23, %mul3A_24 : i32
      %dma_start3A_26 = tpu.memref_slice %arg7[%mul3A_25] : memref<20000xi32, #tpu.memory_space<vmem>> -> memref<80xi32, #tpu.memory_space<vmem>>
      %dma_start3A_27 = arith.constant 0 : i32
      %dma_start3A_28 = arith.constant 0 : i32
      %dma_start3A_29 = tpu.memref_slice %arg2[%dma_start3A_27, %dma_start3A_28] : memref<20000x64xf32, #tpu.memory_space<hbm>> -> memref<20000x64xf32, #tpu.memory_space<hbm>>
      tpu.enqueue_indirect_dma source(%dma_start3A_29 : memref<20000x64xf32, #tpu.memory_space<hbm>>) target(%arg10 : memref<80x64xf32, #tpu.memory_space<vmem>>) offsets(%dma_start3A_26 : memref<80xi32, #tpu.memory_space<vmem>>) semaphore(%arg14 : memref<!tpu.dma_semaphore, #tpu.memory_space<semaphore_mem>>)
      %dma_wait3A_30 = arith.constant 0 : i32
      %dma_wait3A_31 = arith.constant 0 : i32
      %dma_wait3A_32 = tpu.memref_slice %arg2[%dma_wait3A_30, %dma_wait3A_31] : memref<20000x64xf32, #tpu.memory_space<hbm>> -> memref<80x64xf32, #tpu.memory_space<hbm>>
      %dma_wait3A_33 = arith.constant 0 : i32
      %dma_wait3A_34 = arith.constant 0 : i32
      %dma_wait3A_35 = tpu.memref_slice %arg2[%dma_wait3A_33, %dma_wait3A_34] : memref<20000x64xf32, #tpu.memory_space<hbm>> -> memref<80x64xf32, #tpu.memory_space<hbm>>
      tpu.wait_dma2 semaphore(%arg13 : memref<!tpu.dma_semaphore, #tpu.memory_space<semaphore_mem>>) src(%dma_wait3A_35 : memref<80x64xf32, #tpu.memory_space<hbm>>) dst(%arg9 : memref<80x64xf32, #tpu.memory_space<vmem>>)
      "tpu.region"() ({
        %run_scoped3A = tpu.sem_alloc : memref<!tpu.dma_semaphore, #tpu.memory_space<semaphore_mem>>
        %dma_start3A_49 = arith.constant 0 : i32
        %dma_start3A_50 = tpu.memref_slice %arg8[%mul3A_22, %dma_start3A_49] : memref<250x80xi32, #tpu.memory_space<vmem>> -> memref<1x80xi32, #tpu.memory_space<vmem>>
        %dma_start3A_51 = tpu.memref_squeeze %dma_start3A_50 : memref<1x80xi32, #tpu.memory_space<vmem>> -> memref<80xi32, #tpu.memory_space<vmem>>
        %dma_start3A_52 = arith.constant 0 : i32
        %dma_start3A_53 = arith.constant 0 : i32
        %dma_start3A_54 = tpu.memref_slice %arg12[%dma_start3A_52, %dma_start3A_53] : memref<10000x64xf32, #tpu.memory_space<vmem_shared>> -> memref<10000x64xf32, #tpu.memory_space<vmem_shared>>
        tpu.enqueue_indirect_dma source(%arg9 : memref<80x64xf32, #tpu.memory_space<vmem>>) target(%dma_start3A_54 : memref<10000x64xf32, #tpu.memory_space<vmem_shared>>) offsets(%dma_start3A_51 : memref<80xi32, #tpu.memory_space<vmem>>) semaphore(%run_scoped3A : memref<!tpu.dma_semaphore, #tpu.memory_space<semaphore_mem>>) {add = true}
        %dma_wait3A_55 = arith.constant 0 : i32
        %dma_wait3A_56 = tpu.memref_slice %arg8[%mul3A_22, %dma_wait3A_55] : memref<250x80xi32, #tpu.memory_space<vmem>> -> memref<1x80xi32, #tpu.memory_space<vmem>>
        %dma_wait3A_57 = tpu.memref_squeeze %dma_wait3A_56 : memref<1x80xi32, #tpu.memory_space<vmem>> -> memref<80xi32, #tpu.memory_space<vmem>>
        %dma_wait3A_58 = arith.constant 0 : i32
        %dma_wait3A_59 = arith.constant 0 : i32
        %dma_wait3A_60 = tpu.memref_slice %arg12[%dma_wait3A_58, %dma_wait3A_59] : memref<10000x64xf32, #tpu.memory_space<vmem_shared>> -> memref<10000x64xf32, #tpu.memory_space<vmem_shared>>
        tpu.wait_indirect_dma semaphore(%run_scoped3A : memref<!tpu.dma_semaphore, #tpu.memory_space<semaphore_mem>>) src(%arg9 : memref<80x64xf32, #tpu.memory_space<vmem>>) dst(%dma_wait3A_60 : memref<10000x64xf32, #tpu.memory_space<vmem_shared>>)
        tpu.yield
      }) : () -> ()
      %add3A_36 = arith.constant 2 : i32
      %add3A_37 = arith.addi %mul3A_22, %add3A_36 : i32
      %mul3A_38 = arith.constant 80 : i32
      %mul3A_39 = arith.muli %add3A_37, %mul3A_38 : i32
      %min3A = arith.constant 19920 : i32
      %min3A_40 = arith.minsi %mul3A_39, %min3A : i32
      %dma_start3A_41 = tpu.memref_slice %arg7[%min3A_40] : memref<20000xi32, #tpu.memory_space<vmem>> -> memref<80xi32, #tpu.memory_space<vmem>>
      %dma_start3A_42 = arith.constant 0 : i32
      %dma_start3A_43 = arith.constant 0 : i32
      %dma_start3A_44 = tpu.memref_slice %arg2[%dma_start3A_42, %dma_start3A_43] : memref<20000x64xf32, #tpu.memory_space<hbm>> -> memref<20000x64xf32, #tpu.memory_space<hbm>>
      tpu.enqueue_indirect_dma source(%dma_start3A_44 : memref<20000x64xf32, #tpu.memory_space<hbm>>) target(%arg9 : memref<80x64xf32, #tpu.memory_space<vmem>>) offsets(%dma_start3A_41 : memref<80xi32, #tpu.memory_space<vmem>>) semaphore(%arg13 : memref<!tpu.dma_semaphore, #tpu.memory_space<semaphore_mem>>)
      %dma_wait3A_45 = tpu.memref_slice %arg7[%mul3A_25] : memref<20000xi32, #tpu.memory_space<vmem>> -> memref<80xi32, #tpu.memory_space<vmem>>
      %dma_wait3A_46 = arith.constant 0 : i32
      %dma_wait3A_47 = arith.constant 0 : i32
      %dma_wait3A_48 = tpu.memref_slice %arg2[%dma_wait3A_46, %dma_wait3A_47] : memref<20000x64xf32, #tpu.memory_space<hbm>> -> memref<20000x64xf32, #tpu.memory_space<hbm>>
      tpu.wait_indirect_dma semaphore(%arg14 : memref<!tpu.dma_semaphore, #tpu.memory_space<semaphore_mem>>) src(%dma_wait3A_48 : memref<20000x64xf32, #tpu.memory_space<hbm>>) dst(%arg10 : memref<80x64xf32, #tpu.memory_space<vmem>>)
      "tpu.region"() ({
        %run_scoped3A = tpu.sem_alloc : memref<!tpu.dma_semaphore, #tpu.memory_space<semaphore_mem>>
        %dma_start3A_49 = arith.constant 0 : i32
        %dma_start3A_50 = tpu.memref_slice %arg8[%add3A_23, %dma_start3A_49] : memref<250x80xi32, #tpu.memory_space<vmem>> -> memref<1x80xi32, #tpu.memory_space<vmem>>
        %dma_start3A_51 = tpu.memref_squeeze %dma_start3A_50 : memref<1x80xi32, #tpu.memory_space<vmem>> -> memref<80xi32, #tpu.memory_space<vmem>>
        %dma_start3A_52 = arith.constant 0 : i32
        %dma_start3A_53 = arith.constant 0 : i32
        %dma_start3A_54 = tpu.memref_slice %arg12[%dma_start3A_52, %dma_start3A_53] : memref<10000x64xf32, #tpu.memory_space<vmem_shared>> -> memref<10000x64xf32, #tpu.memory_space<vmem_shared>>
        tpu.enqueue_indirect_dma source(%arg10 : memref<80x64xf32, #tpu.memory_space<vmem>>) target(%dma_start3A_54 : memref<10000x64xf32, #tpu.memory_space<vmem_shared>>) offsets(%dma_start3A_51 : memref<80xi32, #tpu.memory_space<vmem>>) semaphore(%run_scoped3A : memref<!tpu.dma_semaphore, #tpu.memory_space<semaphore_mem>>) {add = true}
        %dma_wait3A_55 = arith.constant 0 : i32
        %dma_wait3A_56 = tpu.memref_slice %arg8[%add3A_23, %dma_wait3A_55] : memref<250x80xi32, #tpu.memory_space<vmem>> -> memref<1x80xi32, #tpu.memory_space<vmem>>
        %dma_wait3A_57 = tpu.memref_squeeze %dma_wait3A_56 : memref<1x80xi32, #tpu.memory_space<vmem>> -> memref<80xi32, #tpu.memory_space<vmem>>
        %dma_wait3A_58 = arith.constant 0 : i32
        %dma_wait3A_59 = arith.constant 0 : i32
        %dma_wait3A_60 = tpu.memref_slice %arg12[%dma_wait3A_58, %dma_wait3A_59] : memref<10000x64xf32, #tpu.memory_space<vmem_shared>> -> memref<10000x64xf32, #tpu.memory_space<vmem_shared>>
        tpu.wait_indirect_dma semaphore(%run_scoped3A : memref<!tpu.dma_semaphore, #tpu.memory_space<semaphore_mem>>) src(%arg10 : memref<80x64xf32, #tpu.memory_space<vmem>>) dst(%dma_wait3A_60 : memref<10000x64xf32, #tpu.memory_space<vmem_shared>>)
        tpu.yield
      }) : () -> ()
    }
    %scan3A_9 = arith.constant 125 : i32
    %dma_wait3A = arith.constant 0 : i32
    %dma_wait3A_10 = arith.constant 0 : i32
    %dma_wait3A_11 = tpu.memref_slice %arg2[%dma_wait3A, %dma_wait3A_10] : memref<20000x64xf32, #tpu.memory_space<hbm>> -> memref<80x64xf32, #tpu.memory_space<hbm>>
    %dma_wait3A_12 = arith.constant 0 : i32
    %dma_wait3A_13 = arith.constant 0 : i32
    %dma_wait3A_14 = tpu.memref_slice %arg2[%dma_wait3A_12, %dma_wait3A_13] : memref<20000x64xf32, #tpu.memory_space<hbm>> -> memref<80x64xf32, #tpu.memory_space<hbm>>
    tpu.wait_dma2 semaphore(%arg13 : memref<!tpu.dma_semaphore, #tpu.memory_space<semaphore_mem>>) src(%dma_wait3A_14 : memref<80x64xf32, #tpu.memory_space<hbm>>) dst(%arg9 : memref<80x64xf32, #tpu.memory_space<vmem>>)
    %barrier3A_15 = arith.constant 0 : index
    tpu.barrier barrier_id(%barrier3A_15)
    %mul3A_16 = arith.constant 625 : i32
    %mul3A_17 = arith.muli %arg1, %mul3A_16 : i32
    "tpu.region"() ({
      %run_scoped3A = tpu.sem_alloc : memref<!tpu.dma_semaphore, #tpu.memory_space<semaphore_mem>>
      %dma_start3A_20 = arith.constant 0 : i32
      %dma_start3A_21 = tpu.memref_slice %arg12[%mul3A_17, %dma_start3A_20] : memref<10000x64xf32, #tpu.memory_space<vmem_shared>> -> memref<625x64xf32, #tpu.memory_space<vmem_shared>>
      %dma_start3A_22 = arith.constant 0 : i32
      %dma_start3A_23 = tpu.memref_slice %arg12[%mul3A_17, %dma_start3A_22] : memref<10000x64xf32, #tpu.memory_space<vmem_shared>> -> memref<625x64xf32, #tpu.memory_space<vmem_shared>>
      tpu.enqueue_dma source(%dma_start3A_23 : memref<625x64xf32, #tpu.memory_space<vmem_shared>>) target(%arg11 : memref<625x64xf32, #tpu.memory_space<vmem>>) target_semaphore(%run_scoped3A : memref<!tpu.dma_semaphore, #tpu.memory_space<semaphore_mem>>)
      %dma_wait3A_24 = arith.constant 0 : i32
      %dma_wait3A_25 = tpu.memref_slice %arg12[%mul3A_17, %dma_wait3A_24] : memref<10000x64xf32, #tpu.memory_space<vmem_shared>> -> memref<625x64xf32, #tpu.memory_space<vmem_shared>>
      %dma_wait3A_26 = arith.constant 0 : i32
      %dma_wait3A_27 = tpu.memref_slice %arg12[%mul3A_17, %dma_wait3A_26] : memref<10000x64xf32, #tpu.memory_space<vmem_shared>> -> memref<625x64xf32, #tpu.memory_space<vmem_shared>>
      tpu.wait_dma2 semaphore(%run_scoped3A : memref<!tpu.dma_semaphore, #tpu.memory_space<semaphore_mem>>) src(%dma_wait3A_27 : memref<625x64xf32, #tpu.memory_space<vmem_shared>>) dst(%arg11 : memref<625x64xf32, #tpu.memory_space<vmem>>)
      tpu.yield
    }) : () -> ()
    %mul3A_18 = arith.constant 625 : i32
    %mul3A_19 = arith.muli %arg1, %mul3A_18 : i32
    "tpu.region"() ({
      %run_scoped3A = tpu.sem_alloc : memref<!tpu.dma_semaphore, #tpu.memory_space<semaphore_mem>>
      %dma_start3A_20 = arith.constant 0 : i32
      %dma_start3A_21 = tpu.memref_slice %arg6[%mul3A_19, %arg0, %dma_start3A_20] : memref<10000x2x64xf32, #tpu.memory_space<hbm>> -> memref<625x1x64xf32, #tpu.memory_space<hbm>>
      %dma_start3A_22 = tpu.memref_squeeze %dma_start3A_21 : memref<625x1x64xf32, #tpu.memory_space<hbm>> -> memref<625x64xf32, #tpu.memory_space<hbm>>
      %dma_start3A_23 = arith.constant 0 : i32
      %dma_start3A_24 = tpu.memref_slice %arg6[%mul3A_19, %arg0, %dma_start3A_23] : memref<10000x2x64xf32, #tpu.memory_space<hbm>> -> memref<625x1x64xf32, #tpu.memory_space<hbm>>
      %dma_start3A_25 = tpu.memref_squeeze %dma_start3A_24 : memref<625x1x64xf32, #tpu.memory_space<hbm>> -> memref<625x64xf32, #tpu.memory_space<hbm>>
      tpu.enqueue_dma source(%arg11 : memref<625x64xf32, #tpu.memory_space<vmem>>) target(%dma_start3A_25 : memref<625x64xf32, #tpu.memory_space<hbm>>) target_semaphore(%run_scoped3A : memref<!tpu.dma_semaphore, #tpu.memory_space<semaphore_mem>>)
      %dma_wait3A_26 = arith.constant 0 : i32
      %dma_wait3A_27 = tpu.memref_slice %arg6[%mul3A_19, %arg0, %dma_wait3A_26] : memref<10000x2x64xf32, #tpu.memory_space<hbm>> -> memref<625x1x64xf32, #tpu.memory_space<hbm>>
      %dma_wait3A_28 = tpu.memref_squeeze %dma_wait3A_27 : memref<625x1x64xf32, #tpu.memory_space<hbm>> -> memref<625x64xf32, #tpu.memory_space<hbm>>
      %dma_wait3A_29 = arith.constant 0 : i32
      %dma_wait3A_30 = tpu.memref_slice %arg6[%mul3A_19, %arg0, %dma_wait3A_29] : memref<10000x2x64xf32, #tpu.memory_space<hbm>> -> memref<625x1x64xf32, #tpu.memory_space<hbm>>
      %dma_wait3A_31 = tpu.memref_squeeze %dma_wait3A_30 : memref<625x1x64xf32, #tpu.memory_space<hbm>> -> memref<625x64xf32, #tpu.memory_space<hbm>>
      tpu.wait_dma2 semaphore(%run_scoped3A : memref<!tpu.dma_semaphore, #tpu.memory_space<semaphore_mem>>) src(%arg11 : memref<625x64xf32, #tpu.memory_space<vmem>>) dst(%dma_wait3A_31 : memref<625x64xf32, #tpu.memory_space<hbm>>)
      tpu.yield
    }) : () -> ()
    return
  }
}

#map = affine_map<(d0, d1) -> (0, 0)>
#map1 = affine_map<(d0, d1) -> (0, 0, 0)>
module attributes {stable_mosaic.version = 14 : i64} {
  func.func @_sc_aggregate(%arg0: i32, %arg1: i32, %arg2: memref<20000x64xf32, #tpu.memory_space<hbm>>, %arg3: memref<2x16x20000xi32, #tpu.memory_space<hbm>>, %arg4: memref<16x250x80xi32, #tpu.memory_space<hbm>>, %arg5: memref<625x64xf32, #tpu.memory_space<hbm>>, %arg6: memref<10000x2x64xf32, #tpu.memory_space<hbm>>, %arg7: memref<20000xi32, #tpu.memory_space<vmem>>, %arg8: memref<250x80xi32, #tpu.memory_space<vmem>>, %arg9: memref<80x64xf32, #tpu.memory_space<vmem>>, %arg10: memref<80x64xf32, #tpu.memory_space<vmem>>, %arg11: memref<625x64xf32, #tpu.memory_space<vmem>>, %arg12: memref<10000x64xf32, #tpu.memory_space<vmem_shared>>, %arg13: memref<!tpu.dma_semaphore, #tpu.memory_space<semaphore_mem>>, %arg14: memref<!tpu.dma_semaphore, #tpu.memory_space<semaphore_mem>>) attributes {dimension_semantics = [#tpu.dimension_semantics<core_parallel>, #tpu.dimension_semantics<subcore_parallel>], iteration_bounds = array<i64: 2, 16>, scalar_prefetch = 0 : i64, scratch_operands = 8 : i64, tpu.core_type = #tpu.core_type<sc_vector_subcore>, window_params = [{transform_indices = #map}, {transform_indices = #map1}, {transform_indices = #map1}, {transform_indices = #map}, {transform_indices = #map1}]} {
    "tpu.region"() ({
      %run_scoped3A = tpu.sem_alloc : memref<!tpu.dma_semaphore, #tpu.memory_space<semaphore_mem>>
      tpu.enqueue_dma source(%arg5 : memref<625x64xf32, #tpu.memory_space<hbm>>) target(%arg11 : memref<625x64xf32, #tpu.memory_space<vmem>>) target_semaphore(%run_scoped3A : memref<!tpu.dma_semaphore, #tpu.memory_space<semaphore_mem>>)
      tpu.wait_dma2 semaphore(%run_scoped3A : memref<!tpu.dma_semaphore, #tpu.memory_space<semaphore_mem>>) src(%arg5 : memref<625x64xf32, #tpu.memory_space<hbm>>) dst(%arg11 : memref<625x64xf32, #tpu.memory_space<vmem>>)
      tpu.yield
    }) : () -> ()
    %mul3A = arith.constant 625 : i32
    %mul3A_0 = arith.muli %arg1, %mul3A : i32
    "tpu.region"() ({
      %run_scoped3A = tpu.sem_alloc : memref<!tpu.dma_semaphore, #tpu.memory_space<semaphore_mem>>
      %dma_start3A_20 = arith.constant 0 : i32
      %dma_start3A_21 = tpu.memref_slice %arg12[%mul3A_0, %dma_start3A_20] : memref<10000x64xf32, #tpu.memory_space<vmem_shared>> -> memref<625x64xf32, #tpu.memory_space<vmem_shared>>
      %dma_start3A_22 = arith.constant 0 : i32
      %dma_start3A_23 = tpu.memref_slice %arg12[%mul3A_0, %dma_start3A_22] : memref<10000x64xf32, #tpu.memory_space<vmem_shared>> -> memref<625x64xf32, #tpu.memory_space<vmem_shared>>
      tpu.enqueue_dma source(%arg11 : memref<625x64xf32, #tpu.memory_space<vmem>>) target(%dma_start3A_23 : memref<625x64xf32, #tpu.memory_space<vmem_shared>>) target_semaphore(%run_scoped3A : memref<!tpu.dma_semaphore, #tpu.memory_space<semaphore_mem>>)
      %dma_wait3A_24 = arith.constant 0 : i32
      %dma_wait3A_25 = tpu.memref_slice %arg12[%mul3A_0, %dma_wait3A_24] : memref<10000x64xf32, #tpu.memory_space<vmem_shared>> -> memref<625x64xf32, #tpu.memory_space<vmem_shared>>
      %dma_wait3A_26 = arith.constant 0 : i32
      %dma_wait3A_27 = tpu.memref_slice %arg12[%mul3A_0, %dma_wait3A_26] : memref<10000x64xf32, #tpu.memory_space<vmem_shared>> -> memref<625x64xf32, #tpu.memory_space<vmem_shared>>
      tpu.wait_dma2 semaphore(%run_scoped3A : memref<!tpu.dma_semaphore, #tpu.memory_space<semaphore_mem>>) src(%arg11 : memref<625x64xf32, #tpu.memory_space<vmem>>) dst(%dma_wait3A_27 : memref<625x64xf32, #tpu.memory_space<vmem_shared>>)
      tpu.yield
    }) : () -> ()
    "tpu.region"() ({
      %run_scoped3A = tpu.sem_alloc : memref<!tpu.dma_semaphore, #tpu.memory_space<semaphore_mem>>
      %dma_start3A_20 = arith.constant 0 : i32
      %dma_start3A_21 = tpu.memref_slice %arg3[%arg0, %arg1, %dma_start3A_20] : memref<2x16x20000xi32, #tpu.memory_space<hbm>> -> memref<1x1x20000xi32, #tpu.memory_space<hbm>>
      %dma_start3A_22 = tpu.memref_squeeze %dma_start3A_21 : memref<1x1x20000xi32, #tpu.memory_space<hbm>> -> memref<20000xi32, #tpu.memory_space<hbm>>
      %dma_start3A_23 = arith.constant 0 : i32
      %dma_start3A_24 = tpu.memref_slice %arg3[%arg0, %arg1, %dma_start3A_23] : memref<2x16x20000xi32, #tpu.memory_space<hbm>> -> memref<1x1x20000xi32, #tpu.memory_space<hbm>>
      %dma_start3A_25 = tpu.memref_squeeze %dma_start3A_24 : memref<1x1x20000xi32, #tpu.memory_space<hbm>> -> memref<20000xi32, #tpu.memory_space<hbm>>
      tpu.enqueue_dma source(%dma_start3A_25 : memref<20000xi32, #tpu.memory_space<hbm>>) target(%arg7 : memref<20000xi32, #tpu.memory_space<vmem>>) target_semaphore(%run_scoped3A : memref<!tpu.dma_semaphore, #tpu.memory_space<semaphore_mem>>)
      %dma_wait3A_26 = arith.constant 0 : i32
      %dma_wait3A_27 = tpu.memref_slice %arg3[%arg0, %arg1, %dma_wait3A_26] : memref<2x16x20000xi32, #tpu.memory_space<hbm>> -> memref<1x1x20000xi32, #tpu.memory_space<hbm>>
      %dma_wait3A_28 = tpu.memref_squeeze %dma_wait3A_27 : memref<1x1x20000xi32, #tpu.memory_space<hbm>> -> memref<20000xi32, #tpu.memory_space<hbm>>
      %dma_wait3A_29 = arith.constant 0 : i32
      %dma_wait3A_30 = tpu.memref_slice %arg3[%arg0, %arg1, %dma_wait3A_29] : memref<2x16x20000xi32, #tpu.memory_space<hbm>> -> memref<1x1x20000xi32, #tpu.memory_space<hbm>>
      %dma_wait3A_31 = tpu.memref_squeeze %dma_wait3A_30 : memref<1x1x20000xi32, #tpu.memory_space<hbm>> -> memref<20000xi32, #tpu.memory_space<hbm>>
      tpu.wait_dma2 semaphore(%run_scoped3A : memref<!tpu.dma_semaphore, #tpu.memory_space<semaphore_mem>>) src(%dma_wait3A_31 : memref<20000xi32, #tpu.memory_space<hbm>>) dst(%arg7 : memref<20000xi32, #tpu.memory_space<vmem>>)
      tpu.yield
    }) : () -> ()
    "tpu.region"() ({
      %run_scoped3A = tpu.sem_alloc : memref<!tpu.dma_semaphore, #tpu.memory_space<semaphore_mem>>
      %dma_start3A_20 = arith.constant 0 : i32
      %dma_start3A_21 = arith.constant 0 : i32
      %dma_start3A_22 = tpu.memref_slice %arg4[%arg1, %dma_start3A_20, %dma_start3A_21] : memref<16x250x80xi32, #tpu.memory_space<hbm>> -> memref<1x250x80xi32, #tpu.memory_space<hbm>>
      %dma_start3A_23 = tpu.memref_squeeze %dma_start3A_22 : memref<1x250x80xi32, #tpu.memory_space<hbm>> -> memref<250x80xi32, #tpu.memory_space<hbm>>
      %dma_start3A_24 = arith.constant 0 : i32
      %dma_start3A_25 = arith.constant 0 : i32
      %dma_start3A_26 = tpu.memref_slice %arg4[%arg1, %dma_start3A_24, %dma_start3A_25] : memref<16x250x80xi32, #tpu.memory_space<hbm>> -> memref<1x250x80xi32, #tpu.memory_space<hbm>>
      %dma_start3A_27 = tpu.memref_squeeze %dma_start3A_26 : memref<1x250x80xi32, #tpu.memory_space<hbm>> -> memref<250x80xi32, #tpu.memory_space<hbm>>
      tpu.enqueue_dma source(%dma_start3A_27 : memref<250x80xi32, #tpu.memory_space<hbm>>) target(%arg8 : memref<250x80xi32, #tpu.memory_space<vmem>>) target_semaphore(%run_scoped3A : memref<!tpu.dma_semaphore, #tpu.memory_space<semaphore_mem>>)
      %dma_wait3A_28 = arith.constant 0 : i32
      %dma_wait3A_29 = arith.constant 0 : i32
      %dma_wait3A_30 = tpu.memref_slice %arg4[%arg1, %dma_wait3A_28, %dma_wait3A_29] : memref<16x250x80xi32, #tpu.memory_space<hbm>> -> memref<1x250x80xi32, #tpu.memory_space<hbm>>
      %dma_wait3A_31 = tpu.memref_squeeze %dma_wait3A_30 : memref<1x250x80xi32, #tpu.memory_space<hbm>> -> memref<250x80xi32, #tpu.memory_space<hbm>>
      %dma_wait3A_32 = arith.constant 0 : i32
      %dma_wait3A_33 = arith.constant 0 : i32
      %dma_wait3A_34 = tpu.memref_slice %arg4[%arg1, %dma_wait3A_32, %dma_wait3A_33] : memref<16x250x80xi32, #tpu.memory_space<hbm>> -> memref<1x250x80xi32, #tpu.memory_space<hbm>>
      %dma_wait3A_35 = tpu.memref_squeeze %dma_wait3A_34 : memref<1x250x80xi32, #tpu.memory_space<hbm>> -> memref<250x80xi32, #tpu.memory_space<hbm>>
      tpu.wait_dma2 semaphore(%run_scoped3A : memref<!tpu.dma_semaphore, #tpu.memory_space<semaphore_mem>>) src(%dma_wait3A_35 : memref<250x80xi32, #tpu.memory_space<hbm>>) dst(%arg8 : memref<250x80xi32, #tpu.memory_space<vmem>>)
      tpu.yield
    }) : () -> ()
    %dma_start3A = arith.constant 0 : i32
    %dma_start3A_1 = tpu.memref_slice %arg7[%dma_start3A] : memref<20000xi32, #tpu.memory_space<vmem>> -> memref<80xi32, #tpu.memory_space<vmem>>
    %dma_start3A_2 = arith.constant 0 : i32
    %dma_start3A_3 = arith.constant 0 : i32
    %dma_start3A_4 = tpu.memref_slice %arg2[%dma_start3A_2, %dma_start3A_3] : memref<20000x64xf32, #tpu.memory_space<hbm>> -> memref<20000x64xf32, #tpu.memory_space<hbm>>
    tpu.enqueue_indirect_dma source(%dma_start3A_4 : memref<20000x64xf32, #tpu.memory_space<hbm>>) target(%arg9 : memref<80x64xf32, #tpu.memory_space<vmem>>) offsets(%dma_start3A_1 : memref<80xi32, #tpu.memory_space<vmem>>) semaphore(%arg13 : memref<!tpu.dma_semaphore, #tpu.memory_space<semaphore_mem>>)
    %barrier3A = arith.constant 0 : index
    tpu.barrier barrier_id(%barrier3A)
    %scan3A = arith.constant 0 : i32
    %scan3A_5 = arith.constant 0 : i32
    %scan3A_6 = arith.constant 125 : i32
    %scan3A_7 = arith.addi %scan3A_5, %scan3A_6 : i32
    %scan3A_8 = arith.constant 1 : i32
    scf.for %scan3A_20 = %scan3A_5 to %scan3A_7 step %scan3A_8  : i32 {
      %mul3A_21 = arith.constant 2 : i32
      %mul3A_22 = arith.muli %mul3A_21, %scan3A_20 : i32
      %add3A = arith.constant 1 : i32
      %add3A_23 = arith.addi %mul3A_22, %add3A : i32
      %mul3A_24 = arith.constant 80 : i32
      %mul3A_25 = arith.muli %add3A_23, %mul3A_24 : i32
      %dma_start3A_26 = tpu.memref_slice %arg7[%mul3A_25] : memref<20000xi32, #tpu.memory_space<vmem>> -> memref<80xi32, #tpu.memory_space<vmem>>
      %dma_start3A_27 = arith.constant 0 : i32
      %dma_start3A_28 = arith.constant 0 : i32
      %dma_start3A_29 = tpu.memref_slice %arg2[%dma_start3A_27, %dma_start3A_28] : memref<20000x64xf32, #tpu.memory_space<hbm>> -> memref<20000x64xf32, #tpu.memory_space<hbm>>
      tpu.enqueue_indirect_dma source(%dma_start3A_29 : memref<20000x64xf32, #tpu.memory_space<hbm>>) target(%arg10 : memref<80x64xf32, #tpu.memory_space<vmem>>) offsets(%dma_start3A_26 : memref<80xi32, #tpu.memory_space<vmem>>) semaphore(%arg14 : memref<!tpu.dma_semaphore, #tpu.memory_space<semaphore_mem>>)
      %dma_wait3A_30 = arith.constant 0 : i32
      %dma_wait3A_31 = arith.constant 0 : i32
      %dma_wait3A_32 = tpu.memref_slice %arg2[%dma_wait3A_30, %dma_wait3A_31] : memref<20000x64xf32, #tpu.memory_space<hbm>> -> memref<80x64xf32, #tpu.memory_space<hbm>>
      %dma_wait3A_33 = arith.constant 0 : i32
      %dma_wait3A_34 = arith.constant 0 : i32
      %dma_wait3A_35 = tpu.memref_slice %arg2[%dma_wait3A_33, %dma_wait3A_34] : memref<20000x64xf32, #tpu.memory_space<hbm>> -> memref<80x64xf32, #tpu.memory_space<hbm>>
      tpu.wait_dma2 semaphore(%arg13 : memref<!tpu.dma_semaphore, #tpu.memory_space<semaphore_mem>>) src(%dma_wait3A_35 : memref<80x64xf32, #tpu.memory_space<hbm>>) dst(%arg9 : memref<80x64xf32, #tpu.memory_space<vmem>>)
      "tpu.region"() ({
        %run_scoped3A = tpu.sem_alloc : memref<!tpu.dma_semaphore, #tpu.memory_space<semaphore_mem>>
        %dma_start3A_49 = arith.constant 0 : i32
        %dma_start3A_50 = tpu.memref_slice %arg8[%mul3A_22, %dma_start3A_49] : memref<250x80xi32, #tpu.memory_space<vmem>> -> memref<1x80xi32, #tpu.memory_space<vmem>>
        %dma_start3A_51 = tpu.memref_squeeze %dma_start3A_50 : memref<1x80xi32, #tpu.memory_space<vmem>> -> memref<80xi32, #tpu.memory_space<vmem>>
        %dma_start3A_52 = arith.constant 0 : i32
        %dma_start3A_53 = arith.constant 0 : i32
        %dma_start3A_54 = tpu.memref_slice %arg12[%dma_start3A_52, %dma_start3A_53] : memref<10000x64xf32, #tpu.memory_space<vmem_shared>> -> memref<10000x64xf32, #tpu.memory_space<vmem_shared>>
        tpu.enqueue_indirect_dma source(%arg9 : memref<80x64xf32, #tpu.memory_space<vmem>>) target(%dma_start3A_54 : memref<10000x64xf32, #tpu.memory_space<vmem_shared>>) offsets(%dma_start3A_51 : memref<80xi32, #tpu.memory_space<vmem>>) semaphore(%run_scoped3A : memref<!tpu.dma_semaphore, #tpu.memory_space<semaphore_mem>>) {add = true}
        %dma_wait3A_55 = arith.constant 0 : i32
        %dma_wait3A_56 = tpu.memref_slice %arg8[%mul3A_22, %dma_wait3A_55] : memref<250x80xi32, #tpu.memory_space<vmem>> -> memref<1x80xi32, #tpu.memory_space<vmem>>
        %dma_wait3A_57 = tpu.memref_squeeze %dma_wait3A_56 : memref<1x80xi32, #tpu.memory_space<vmem>> -> memref<80xi32, #tpu.memory_space<vmem>>
        %dma_wait3A_58 = arith.constant 0 : i32
        %dma_wait3A_59 = arith.constant 0 : i32
        %dma_wait3A_60 = tpu.memref_slice %arg12[%dma_wait3A_58, %dma_wait3A_59] : memref<10000x64xf32, #tpu.memory_space<vmem_shared>> -> memref<10000x64xf32, #tpu.memory_space<vmem_shared>>
        tpu.wait_indirect_dma semaphore(%run_scoped3A : memref<!tpu.dma_semaphore, #tpu.memory_space<semaphore_mem>>) src(%arg9 : memref<80x64xf32, #tpu.memory_space<vmem>>) dst(%dma_wait3A_60 : memref<10000x64xf32, #tpu.memory_space<vmem_shared>>)
        tpu.yield
      }) : () -> ()
      %add3A_36 = arith.constant 2 : i32
      %add3A_37 = arith.addi %mul3A_22, %add3A_36 : i32
      %mul3A_38 = arith.constant 80 : i32
      %mul3A_39 = arith.muli %add3A_37, %mul3A_38 : i32
      %min3A = arith.constant 19920 : i32
      %min3A_40 = arith.minsi %mul3A_39, %min3A : i32
      %dma_start3A_41 = tpu.memref_slice %arg7[%min3A_40] : memref<20000xi32, #tpu.memory_space<vmem>> -> memref<80xi32, #tpu.memory_space<vmem>>
      %dma_start3A_42 = arith.constant 0 : i32
      %dma_start3A_43 = arith.constant 0 : i32
      %dma_start3A_44 = tpu.memref_slice %arg2[%dma_start3A_42, %dma_start3A_43] : memref<20000x64xf32, #tpu.memory_space<hbm>> -> memref<20000x64xf32, #tpu.memory_space<hbm>>
      tpu.enqueue_indirect_dma source(%dma_start3A_44 : memref<20000x64xf32, #tpu.memory_space<hbm>>) target(%arg9 : memref<80x64xf32, #tpu.memory_space<vmem>>) offsets(%dma_start3A_41 : memref<80xi32, #tpu.memory_space<vmem>>) semaphore(%arg13 : memref<!tpu.dma_semaphore, #tpu.memory_space<semaphore_mem>>)
      %dma_wait3A_45 = tpu.memref_slice %arg7[%mul3A_25] : memref<20000xi32, #tpu.memory_space<vmem>> -> memref<80xi32, #tpu.memory_space<vmem>>
      %dma_wait3A_46 = arith.constant 0 : i32
      %dma_wait3A_47 = arith.constant 0 : i32
      %dma_wait3A_48 = tpu.memref_slice %arg2[%dma_wait3A_46, %dma_wait3A_47] : memref<20000x64xf32, #tpu.memory_space<hbm>> -> memref<20000x64xf32, #tpu.memory_space<hbm>>
      tpu.wait_indirect_dma semaphore(%arg14 : memref<!tpu.dma_semaphore, #tpu.memory_space<semaphore_mem>>) src(%dma_wait3A_48 : memref<20000x64xf32, #tpu.memory_space<hbm>>) dst(%arg10 : memref<80x64xf32, #tpu.memory_space<vmem>>)
      "tpu.region"() ({
        %run_scoped3A = tpu.sem_alloc : memref<!tpu.dma_semaphore, #tpu.memory_space<semaphore_mem>>
        %dma_start3A_49 = arith.constant 0 : i32
        %dma_start3A_50 = tpu.memref_slice %arg8[%add3A_23, %dma_start3A_49] : memref<250x80xi32, #tpu.memory_space<vmem>> -> memref<1x80xi32, #tpu.memory_space<vmem>>
        %dma_start3A_51 = tpu.memref_squeeze %dma_start3A_50 : memref<1x80xi32, #tpu.memory_space<vmem>> -> memref<80xi32, #tpu.memory_space<vmem>>
        %dma_start3A_52 = arith.constant 0 : i32
        %dma_start3A_53 = arith.constant 0 : i32
        %dma_start3A_54 = tpu.memref_slice %arg12[%dma_start3A_52, %dma_start3A_53] : memref<10000x64xf32, #tpu.memory_space<vmem_shared>> -> memref<10000x64xf32, #tpu.memory_space<vmem_shared>>
        tpu.enqueue_indirect_dma source(%arg10 : memref<80x64xf32, #tpu.memory_space<vmem>>) target(%dma_start3A_54 : memref<10000x64xf32, #tpu.memory_space<vmem_shared>>) offsets(%dma_start3A_51 : memref<80xi32, #tpu.memory_space<vmem>>) semaphore(%run_scoped3A : memref<!tpu.dma_semaphore, #tpu.memory_space<semaphore_mem>>) {add = true}
        %dma_wait3A_55 = arith.constant 0 : i32
        %dma_wait3A_56 = tpu.memref_slice %arg8[%add3A_23, %dma_wait3A_55] : memref<250x80xi32, #tpu.memory_space<vmem>> -> memref<1x80xi32, #tpu.memory_space<vmem>>
        %dma_wait3A_57 = tpu.memref_squeeze %dma_wait3A_56 : memref<1x80xi32, #tpu.memory_space<vmem>> -> memref<80xi32, #tpu.memory_space<vmem>>
        %dma_wait3A_58 = arith.constant 0 : i32
        %dma_wait3A_59 = arith.constant 0 : i32
        %dma_wait3A_60 = tpu.memref_slice %arg12[%dma_wait3A_58, %dma_wait3A_59] : memref<10000x64xf32, #tpu.memory_space<vmem_shared>> -> memref<10000x64xf32, #tpu.memory_space<vmem_shared>>
        tpu.wait_indirect_dma semaphore(%run_scoped3A : memref<!tpu.dma_semaphore, #tpu.memory_space<semaphore_mem>>) src(%arg10 : memref<80x64xf32, #tpu.memory_space<vmem>>) dst(%dma_wait3A_60 : memref<10000x64xf32, #tpu.memory_space<vmem_shared>>)
        tpu.yield
      }) : () -> ()
    }
    %scan3A_9 = arith.constant 125 : i32
    %dma_wait3A = arith.constant 0 : i32
    %dma_wait3A_10 = arith.constant 0 : i32
    %dma_wait3A_11 = tpu.memref_slice %arg2[%dma_wait3A, %dma_wait3A_10] : memref<20000x64xf32, #tpu.memory_space<hbm>> -> memref<80x64xf32, #tpu.memory_space<hbm>>
    %dma_wait3A_12 = arith.constant 0 : i32
    %dma_wait3A_13 = arith.constant 0 : i32
    %dma_wait3A_14 = tpu.memref_slice %arg2[%dma_wait3A_12, %dma_wait3A_13] : memref<20000x64xf32, #tpu.memory_space<hbm>> -> memref<80x64xf32, #tpu.memory_space<hbm>>
    tpu.wait_dma2 semaphore(%arg13 : memref<!tpu.dma_semaphore, #tpu.memory_space<semaphore_mem>>) src(%dma_wait3A_14 : memref<80x64xf32, #tpu.memory_space<hbm>>) dst(%arg9 : memref<80x64xf32, #tpu.memory_space<vmem>>)
    %barrier3A_15 = arith.constant 0 : index
    tpu.barrier barrier_id(%barrier3A_15)
    %mul3A_16 = arith.constant 625 : i32
    %mul3A_17 = arith.muli %arg1, %mul3A_16 : i32
    "tpu.region"() ({
      %run_scoped3A = tpu.sem_alloc : memref<!tpu.dma_semaphore, #tpu.memory_space<semaphore_mem>>
      %dma_start3A_20 = arith.constant 0 : i32
      %dma_start3A_21 = tpu.memref_slice %arg12[%mul3A_17, %dma_start3A_20] : memref<10000x64xf32, #tpu.memory_space<vmem_shared>> -> memref<625x64xf32, #tpu.memory_space<vmem_shared>>
      %dma_start3A_22 = arith.constant 0 : i32
      %dma_start3A_23 = tpu.memref_slice %arg12[%mul3A_17, %dma_start3A_22] : memref<10000x64xf32, #tpu.memory_space<vmem_shared>> -> memref<625x64xf32, #tpu.memory_space<vmem_shared>>
      tpu.enqueue_dma source(%dma_start3A_23 : memref<625x64xf32, #tpu.memory_space<vmem_shared>>) target(%arg11 : memref<625x64xf32, #tpu.memory_space<vmem>>) target_semaphore(%run_scoped3A : memref<!tpu.dma_semaphore, #tpu.memory_space<semaphore_mem>>)
      %dma_wait3A_24 = arith.constant 0 : i32
      %dma_wait3A_25 = tpu.memref_slice %arg12[%mul3A_17, %dma_wait3A_24] : memref<10000x64xf32, #tpu.memory_space<vmem_shared>> -> memref<625x64xf32, #tpu.memory_space<vmem_shared>>
      %dma_wait3A_26 = arith.constant 0 : i32
      %dma_wait3A_27 = tpu.memref_slice %arg12[%mul3A_17, %dma_wait3A_26] : memref<10000x64xf32, #tpu.memory_space<vmem_shared>> -> memref<625x64xf32, #tpu.memory_space<vmem_shared>>
      tpu.wait_dma2 semaphore(%run_scoped3A : memref<!tpu.dma_semaphore, #tpu.memory_space<semaphore_mem>>) src(%dma_wait3A_27 : memref<625x64xf32, #tpu.memory_space<vmem_shared>>) dst(%arg11 : memref<625x64xf32, #tpu.memory_space<vmem>>)
      tpu.yield
    }) : () -> ()
    %mul3A_18 = arith.constant 625 : i32
    %mul3A_19 = arith.muli %arg1, %mul3A_18 : i32
    "tpu.region"() ({
      %run_scoped3A = tpu.sem_alloc : memref<!tpu.dma_semaphore, #tpu.memory_space<semaphore_mem>>
      %dma_start3A_20 = arith.constant 0 : i32
      %dma_start3A_21 = tpu.memref_slice %arg6[%mul3A_19, %arg0, %dma_start3A_20] : memref<10000x2x64xf32, #tpu.memory_space<hbm>> -> memref<625x1x64xf32, #tpu.memory_space<hbm>>
      %dma_start3A_22 = tpu.memref_squeeze %dma_start3A_21 : memref<625x1x64xf32, #tpu.memory_space<hbm>> -> memref<625x64xf32, #tpu.memory_space<hbm>>
      %dma_start3A_23 = arith.constant 0 : i32
      %dma_start3A_24 = tpu.memref_slice %arg6[%mul3A_19, %arg0, %dma_start3A_23] : memref<10000x2x64xf32, #tpu.memory_space<hbm>> -> memref<625x1x64xf32, #tpu.memory_space<hbm>>
      %dma_start3A_25 = tpu.memref_squeeze %dma_start3A_24 : memref<625x1x64xf32, #tpu.memory_space<hbm>> -> memref<625x64xf32, #tpu.memory_space<hbm>>
      tpu.enqueue_dma source(%arg11 : memref<625x64xf32, #tpu.memory_space<vmem>>) target(%dma_start3A_25 : memref<625x64xf32, #tpu.memory_space<hbm>>) target_semaphore(%run_scoped3A : memref<!tpu.dma_semaphore, #tpu.memory_space<semaphore_mem>>)
      %dma_wait3A_26 = arith.constant 0 : i32
      %dma_wait3A_27 = tpu.memref_slice %arg6[%mul3A_19, %arg0, %dma_wait3A_26] : memref<10000x2x64xf32, #tpu.memory_space<hbm>> -> memref<625x1x64xf32, #tpu.memory_space<hbm>>
      %dma_wait3A_28 = tpu.memref_squeeze %dma_wait3A_27 : memref<625x1x64xf32, #tpu.memory_space<hbm>> -> memref<625x64xf32, #tpu.memory_space<hbm>>
      %dma_wait3A_29 = arith.constant 0 : i32
      %dma_wait3A_30 = tpu.memref_slice %arg6[%mul3A_19, %arg0, %dma_wait3A_29] : memref<10000x2x64xf32, #tpu.memory_space<hbm>> -> memref<625x1x64xf32, #tpu.memory_space<hbm>>
      %dma_wait3A_31 = tpu.memref_squeeze %dma_wait3A_30 : memref<625x1x64xf32, #tpu.memory_space<hbm>> -> memref<625x64xf32, #tpu.memory_space<hbm>>
      tpu.wait_dma2 semaphore(%run_scoped3A : memref<!tpu.dma_semaphore, #tpu.memory_space<semaphore_mem>>) src(%arg11 : memref<625x64xf32, #tpu.memory_space<vmem>>) dst(%dma_wait3A_31 : memref<625x64xf32, #tpu.memory_space<hbm>>)
      tpu.yield
    }) : () -> ()
    return
  }
}

module attributes {stable_mosaic.version = 14 : i64} {
  func.func @_tc_first_body(%arg0: i32, %arg1: memref<1000x16xf32, #tpu.memory_space<vmem>>, %arg2: memref<1000x128xf32, #tpu.memory_space<vmem>>, %arg3: memref<128x128xf32, #tpu.memory_space<vmem>>, %arg4: memref<1000x128xf32, #tpu.memory_space<vmem>>, %arg5: memref<1000x1xf32, #tpu.memory_space<vmem>>) attributes {dimension_semantics = [#tpu.dimension_semantics<arbitrary>], iteration_bounds = array<i64: 10>, scalar_prefetch = 0 : i64, scratch_operands = 0 : i64, tpu.core_type = #tpu.core_type<tc>, window_params = [{transform_indices = @transform_0, window_bounds = array<i64: 1000, 16>}, {transform_indices = @transform_1, window_bounds = array<i64: 1000, 128>}, {pipeline_mode = #tpu.pipeline_mode<synchronous>, transform_indices = @transform_2, window_bounds = array<i64: 128, 128>}, {transform_indices = @transform_3, window_bounds = array<i64: 1000, 128>}, {transform_indices = @transform_4, window_bounds = array<i64: 1000, 1>}]} {
    %get3A = arith.constant 0 : index
    %get3A_0 = arith.constant 0 : index
    %get3A_1 = vector.load %arg1[%get3A, %get3A_0] : memref<1000x16xf32, #tpu.memory_space<vmem>>, vector<1000x16xf32>
    %slice3A = vector.extract_strided_slice %get3A_1 {offsets = [0, 0], sizes = [1000, 1], strides = [1, 1]} : vector<1000x16xf32> to vector<1000x1xf32>
    %add3A = arith.constant 1.000000e+00 : f32
    %add3A_2 = vector.broadcast %add3A : f32 to vector<1000x1xf32>
    %add3A_3 = arith.addf %slice3A, %add3A_2 : vector<1000x1xf32>
    %rsqrt3A = math.rsqrt %add3A_3 : vector<1000x1xf32>
    %get3A_4 = arith.constant 0 : index
    %get3A_5 = arith.constant 0 : index
    %get3A_6 = vector.load %arg2[%get3A_4, %get3A_5] : memref<1000x128xf32, #tpu.memory_space<vmem>>, vector<1000x128xf32>
    %get3A_7 = arith.constant 0 : index
    %get3A_8 = arith.constant 0 : index
    %get3A_9 = vector.load %arg3[%get3A_7, %get3A_8] : memref<128x128xf32, #tpu.memory_space<vmem>>, vector<128x128xf32>
    %dot_general3A = arith.constant dense<0.000000e+00> : vector<1000x128xf32>
    %dot_general3A_10 = tpu.matmul %get3A_6, %get3A_9, %dot_general3A {dimension_numbers = #tpu.dot_dimension_numbers<[1], [0], [0], [1], [0, 0, 1, 1], [], []>, transpose_lhs_hint = false} : vector<1000x128xf32>, vector<128x128xf32>, vector<1000x128xf32> -> vector<1000x128xf32>
    %mul3A = vector.broadcast %rsqrt3A : vector<1000x1xf32> to vector<1000x128xf32>
    %mul3A_11 = arith.mulf %dot_general3A_10, %mul3A : vector<1000x128xf32>
    %swap3A = arith.constant 0 : index
    %swap3A_12 = arith.constant 0 : index
    %swap3A_13 = vector.load %arg4[%swap3A, %swap3A_12] : memref<1000x128xf32, #tpu.memory_space<vmem>>, vector<1000x128xf32>
    tpu.vector_store %arg4[%swap3A, %swap3A_12], %mul3A_11 {strides = array<i32>} : memref<1000x128xf32, #tpu.memory_space<vmem>>, vector<1000x128xf32>,
    %swap3A_14 = arith.constant 0 : index
    %swap3A_15 = arith.constant 0 : index
    %swap3A_16 = vector.load %arg5[%swap3A_14, %swap3A_15] : memref<1000x1xf32, #tpu.memory_space<vmem>>, vector<1000x1xf32>
    tpu.vector_store %arg5[%swap3A_14, %swap3A_15], %rsqrt3A {strides = array<i32>} : memref<1000x1xf32, #tpu.memory_space<vmem>>, vector<1000x1xf32>,
    return
  }
  func.func @transform_0(%arg0: i32) -> (i32, i32) {
    %c0_i32 = arith.constant 0 : i32
    %c0_i32_0 = arith.constant 0 : i32
    return %arg0, %c0_i32 : i32, i32
  }
  func.func @transform_1(%arg0: i32) -> (i32, i32) {
    %c0_i32 = arith.constant 0 : i32
    %c0_i32_0 = arith.constant 0 : i32
    return %arg0, %c0_i32 : i32, i32
  }
  func.func @transform_2(%arg0: i32) -> (i32, i32) {
    %c0_i32 = arith.constant 0 : i32
    %c0_i32_0 = arith.constant 0 : i32
    %c0_i32_1 = arith.constant 0 : i32
    return %c0_i32, %c0_i32_0 : i32, i32
  }
  func.func @transform_3(%arg0: i32) -> (i32, i32) {
    %c0_i32 = arith.constant 0 : i32
    %c0_i32_0 = arith.constant 0 : i32
    return %arg0, %c0_i32 : i32, i32
  }
  func.func @transform_4(%arg0: i32) -> (i32, i32) {
    %c0_i32 = arith.constant 0 : i32
    %c0_i32_0 = arith.constant 0 : i32
    return %arg0, %c0_i32 : i32, i32
  }
}

module attributes {stable_mosaic.version = 14 : i64} {
  func.func @_tc_mid_body(%arg0: i32, %arg1: memref<1000x128xf32, #tpu.memory_space<vmem>>, %arg2: memref<1000x128xf32, #tpu.memory_space<vmem>>, %arg3: memref<1000x1xf32, #tpu.memory_space<vmem>>, %arg4: memref<1x128xf32, #tpu.memory_space<vmem>>, %arg5: memref<128x128xf32, #tpu.memory_space<vmem>>, %arg6: memref<1000x128xf32, #tpu.memory_space<vmem>>) attributes {dimension_semantics = [#tpu.dimension_semantics<arbitrary>], iteration_bounds = array<i64: 10>, scalar_prefetch = 0 : i64, scratch_operands = 0 : i64, tpu.core_type = #tpu.core_type<tc>, window_params = [{transform_indices = @transform_0, window_bounds = array<i64: 1000, 128>}, {transform_indices = @transform_1, window_bounds = array<i64: 1000, 128>}, {transform_indices = @transform_2, window_bounds = array<i64: 1000, 1>}, {pipeline_mode = #tpu.pipeline_mode<synchronous>, transform_indices = @transform_3, window_bounds = array<i64: 1, 128>}, {pipeline_mode = #tpu.pipeline_mode<synchronous>, transform_indices = @transform_4, window_bounds = array<i64: 128, 128>}, {transform_indices = @transform_5, window_bounds = array<i64: 1000, 128>}]} {
    %get3A = arith.constant 0 : index
    %get3A_0 = arith.constant 0 : index
    %get3A_1 = vector.load %arg1[%get3A, %get3A_0] : memref<1000x128xf32, #tpu.memory_space<vmem>>, vector<1000x128xf32>
    %get3A_2 = arith.constant 0 : index
    %get3A_3 = arith.constant 0 : index
    %get3A_4 = vector.load %arg2[%get3A_2, %get3A_3] : memref<1000x128xf32, #tpu.memory_space<vmem>>, vector<1000x128xf32>
    %add3A = arith.addf %get3A_1, %get3A_4 : vector<1000x128xf32>
    %get3A_5 = arith.constant 0 : index
    %get3A_6 = arith.constant 0 : index
    %get3A_7 = vector.load %arg3[%get3A_5, %get3A_6] : memref<1000x1xf32, #tpu.memory_space<vmem>>, vector<1000x1xf32>
    %mul3A = vector.broadcast %get3A_7 : vector<1000x1xf32> to vector<1000x128xf32>
    %mul3A_8 = arith.mulf %add3A, %mul3A : vector<1000x128xf32>
    %get3A_9 = arith.constant 0 : index
    %get3A_10 = arith.constant 0 : index
    %get3A_11 = vector.load %arg4[%get3A_9, %get3A_10] : memref<1x128xf32, #tpu.memory_space<vmem>>, vector<1x128xf32>
    %add3A_12 = vector.broadcast %get3A_11 : vector<1x128xf32> to vector<1000x128xf32>
    %add3A_13 = arith.addf %mul3A_8, %add3A_12 : vector<1000x128xf32>
    %max3A = arith.constant 0.000000e+00 : f32
    %max3A_14 = vector.broadcast %max3A : f32 to vector<1000x128xf32>
    %max3A_15 = arith.maximumf %add3A_13, %max3A_14 : vector<1000x128xf32>
    %get3A_16 = arith.constant 0 : index
    %get3A_17 = arith.constant 0 : index
    %get3A_18 = vector.load %arg5[%get3A_16, %get3A_17] : memref<128x128xf32, #tpu.memory_space<vmem>>, vector<128x128xf32>
    %dot_general3A = arith.constant dense<0.000000e+00> : vector<1000x128xf32>
    %dot_general3A_19 = tpu.matmul %max3A_15, %get3A_18, %dot_general3A {dimension_numbers = #tpu.dot_dimension_numbers<[1], [0], [0], [1], [0, 0, 1, 1], [], []>, transpose_lhs_hint = false} : vector<1000x128xf32>, vector<128x128xf32>, vector<1000x128xf32> -> vector<1000x128xf32>
    %get3A_20 = arith.constant 0 : index
    %get3A_21 = arith.constant 0 : index
    %get3A_22 = vector.load %arg3[%get3A_20, %get3A_21] : memref<1000x1xf32, #tpu.memory_space<vmem>>, vector<1000x1xf32>
    %mul3A_23 = vector.broadcast %get3A_22 : vector<1000x1xf32> to vector<1000x128xf32>
    %mul3A_24 = arith.mulf %dot_general3A_19, %mul3A_23 : vector<1000x128xf32>
    %swap3A = arith.constant 0 : index
    %swap3A_25 = arith.constant 0 : index
    %swap3A_26 = vector.load %arg6[%swap3A, %swap3A_25] : memref<1000x128xf32, #tpu.memory_space<vmem>>, vector<1000x128xf32>
    tpu.vector_store %arg6[%swap3A, %swap3A_25], %mul3A_24 {strides = array<i32>} : memref<1000x128xf32, #tpu.memory_space<vmem>>, vector<1000x128xf32>,
    return
  }
  func.func @transform_0(%arg0: i32) -> (i32, i32) {
    %c0_i32 = arith.constant 0 : i32
    %c0_i32_0 = arith.constant 0 : i32
    return %arg0, %c0_i32 : i32, i32
  }
  func.func @transform_1(%arg0: i32) -> (i32, i32) {
    %c0_i32 = arith.constant 0 : i32
    %c0_i32_0 = arith.constant 0 : i32
    return %arg0, %c0_i32 : i32, i32
  }
  func.func @transform_2(%arg0: i32) -> (i32, i32) {
    %c0_i32 = arith.constant 0 : i32
    %c0_i32_0 = arith.constant 0 : i32
    return %arg0, %c0_i32 : i32, i32
  }
  func.func @transform_3(%arg0: i32) -> (i32, i32) {
    %c0_i32 = arith.constant 0 : i32
    %c0_i32_0 = arith.constant 0 : i32
    %c0_i32_1 = arith.constant 0 : i32
    return %c0_i32, %c0_i32_0 : i32, i32
  }
  func.func @transform_4(%arg0: i32) -> (i32, i32) {
    %c0_i32 = arith.constant 0 : i32
    %c0_i32_0 = arith.constant 0 : i32
    %c0_i32_1 = arith.constant 0 : i32
    return %c0_i32, %c0_i32_0 : i32, i32
  }
  func.func @transform_5(%arg0: i32) -> (i32, i32) {
    %c0_i32 = arith.constant 0 : i32
    %c0_i32_0 = arith.constant 0 : i32
    return %arg0, %c0_i32 : i32, i32
  }
}

module attributes {stable_mosaic.version = 14 : i64} {
  func.func @_tc_final_body(%arg0: i32, %arg1: memref<1000x128xf32, #tpu.memory_space<vmem>>, %arg2: memref<1000x128xf32, #tpu.memory_space<vmem>>, %arg3: memref<1000x1xf32, #tpu.memory_space<vmem>>, %arg4: memref<1x128xf32, #tpu.memory_space<vmem>>, %arg5: memref<1x1x1000xi32, #tpu.memory_space<vmem>>, %arg6: memref<128x10xf32, #tpu.memory_space<vmem>>, %arg7: memref<1x10xf32, #tpu.memory_space<vmem>>, %arg8: memref<64x10xf32, #tpu.memory_space<vmem>>, %arg9: memref<64x128xf32, #tpu.memory_space<vmem>>, %arg10: memref<64x1xf32, #tpu.memory_space<vmem>>) attributes {dimension_semantics = [#tpu.dimension_semantics<arbitrary>], iteration_bounds = array<i64: 10>, scalar_prefetch = 0 : i64, scratch_operands = 2 : i64, tpu.core_type = #tpu.core_type<tc>, window_params = [{transform_indices = @transform_0, window_bounds = array<i64: 1000, 128>}, {transform_indices = @transform_1, window_bounds = array<i64: 1000, 128>}, {transform_indices = @transform_2, window_bounds = array<i64: 1000, 1>}, {pipeline_mode = #tpu.pipeline_mode<synchronous>, transform_indices = @transform_3, window_bounds = array<i64: 1, 128>}, {transform_indices = @transform_4, window_bounds = array<i64: 1, 1, 1000>}, {pipeline_mode = #tpu.pipeline_mode<synchronous>, transform_indices = @transform_5, window_bounds = array<i64: 128, 10>}, {pipeline_mode = #tpu.pipeline_mode<synchronous>, transform_indices = @transform_6, window_bounds = array<i64: 1, 10>}, {pipeline_mode = #tpu.pipeline_mode<synchronous>, transform_indices = @transform_7, window_bounds = array<i64: 64, 10>}]} {
    %eq3A = arith.constant 0 : i32
    %eq3A_0 = arith.cmpi eq, %arg0, %eq3A : i32
    %convert_element_type3A = arith.extui %eq3A_0 : i1 to i32
    %cond3A = arith.constant 0 : i32
    %cond3A_1 = arith.cmpi ne, %convert_element_type3A, %cond3A : i32
    scf.if %cond3A_1 {
      %broadcast_in_dim3A_48 = arith.constant 0.000000e+00 : f32
      %broadcast_in_dim3A_49 = vector.broadcast %broadcast_in_dim3A_48 : f32 to vector<64x128xf32>
      %swap3A_50 = arith.constant 0 : index
      %swap3A_51 = arith.constant 0 : index
      %swap3A_52 = vector.load %arg9[%swap3A_50, %swap3A_51] : memref<64x128xf32, #tpu.memory_space<vmem>>, vector<64x128xf32>
      tpu.vector_store %arg9[%swap3A_50, %swap3A_51], %broadcast_in_dim3A_49 {strides = array<i32>} : memref<64x128xf32, #tpu.memory_space<vmem>>, vector<64x128xf32>,
      %broadcast_in_dim3A_53 = arith.constant 0.000000e+00 : f32
      %broadcast_in_dim3A_54 = vector.broadcast %broadcast_in_dim3A_53 : f32 to vector<64x1xf32>
      %swap3A_55 = arith.constant 0 : index
      %swap3A_56 = arith.constant 0 : index
      %swap3A_57 = vector.load %arg10[%swap3A_55, %swap3A_56] : memref<64x1xf32, #tpu.memory_space<vmem>>, vector<64x1xf32>
      tpu.vector_store %arg10[%swap3A_55, %swap3A_56], %broadcast_in_dim3A_54 {strides = array<i32>} : memref<64x1xf32, #tpu.memory_space<vmem>>, vector<64x1xf32>,
    } else {
    }
    %get3A = arith.constant 0 : index
    %get3A_2 = arith.constant 0 : index
    %get3A_3 = vector.load %arg1[%get3A, %get3A_2] : memref<1000x128xf32, #tpu.memory_space<vmem>>, vector<1000x128xf32>
    %get3A_4 = arith.constant 0 : index
    %get3A_5 = arith.constant 0 : index
    %get3A_6 = vector.load %arg2[%get3A_4, %get3A_5] : memref<1000x128xf32, #tpu.memory_space<vmem>>, vector<1000x128xf32>
    %add3A = arith.addf %get3A_3, %get3A_6 : vector<1000x128xf32>
    %get3A_7 = arith.constant 0 : index
    %get3A_8 = arith.constant 0 : index
    %get3A_9 = vector.load %arg3[%get3A_7, %get3A_8] : memref<1000x1xf32, #tpu.memory_space<vmem>>, vector<1000x1xf32>
    %mul3A = vector.broadcast %get3A_9 : vector<1000x1xf32> to vector<1000x128xf32>
    %mul3A_10 = arith.mulf %add3A, %mul3A : vector<1000x128xf32>
    %get3A_11 = arith.constant 0 : index
    %get3A_12 = arith.constant 0 : index
    %get3A_13 = vector.load %arg4[%get3A_11, %get3A_12] : memref<1x128xf32, #tpu.memory_space<vmem>>, vector<1x128xf32>
    %add3A_14 = vector.broadcast %get3A_13 : vector<1x128xf32> to vector<1000x128xf32>
    %add3A_15 = arith.addf %mul3A_10, %add3A_14 : vector<1000x128xf32>
    %max3A = arith.constant 0.000000e+00 : f32
    %max3A_16 = vector.broadcast %max3A : f32 to vector<1000x128xf32>
    %max3A_17 = arith.maximumf %add3A_15, %max3A_16 : vector<1000x128xf32>
    %get3A_18 = arith.constant 0 : index
    %get3A_19 = arith.constant 0 : index
    %get3A_20 = arith.constant 0 : index
    %get3A_21 = vector.load %arg5[%get3A_18, %get3A_19, %get3A_20] : memref<1x1x1000xi32, #tpu.memory_space<vmem>>, vector<1x1x1000xi32>
    %get3A_22 = vector.shape_cast %get3A_21 : vector<1x1x1000xi32> to vector<1000xi32>
    %iota3A = tpu.iota {dimensions = array<i32: 0>} : vector<64x1000xi32>
    %broadcast_in_dim3A = vector.shape_cast %get3A_22 : vector<1000xi32> to vector<1x1000xi32>
    %eq3A_23 = vector.broadcast %broadcast_in_dim3A : vector<1x1000xi32> to vector<64x1000xi32>
    %eq3A_24 = arith.cmpi eq, %eq3A_23, %iota3A : vector<64x1000xi32>
    %convert_element_type3A_25 = arith.extui %eq3A_24 : vector<64x1000xi1> to vector<64x1000xi32>
    %convert_element_type3A_26 = arith.sitofp %convert_element_type3A_25 : vector<64x1000xi32> to vector<64x1000xf32>
    %get3A_27 = arith.constant 0 : index
    %get3A_28 = arith.constant 0 : index
    %get3A_29 = vector.load %arg9[%get3A_27, %get3A_28] : memref<64x128xf32, #tpu.memory_space<vmem>>, vector<64x128xf32>
    %dot_general3A = arith.constant dense<0.000000e+00> : vector<64x128xf32>
    %dot_general3A_30 = tpu.matmul %convert_element_type3A_26, %max3A_17, %dot_general3A {dimension_numbers = #tpu.dot_dimension_numbers<[1], [0], [0], [1], [0, 0, 1, 1], [], []>, transpose_lhs_hint = false} : vector<64x1000xf32>, vector<1000x128xf32>, vector<64x128xf32> -> vector<64x128xf32>
    %add3A_31 = arith.addf %get3A_29, %dot_general3A_30 : vector<64x128xf32>
    %swap3A = arith.constant 0 : index
    %swap3A_32 = arith.constant 0 : index
    %swap3A_33 = vector.load %arg9[%swap3A, %swap3A_32] : memref<64x128xf32, #tpu.memory_space<vmem>>, vector<64x128xf32>
    tpu.vector_store %arg9[%swap3A, %swap3A_32], %add3A_31 {strides = array<i32>} : memref<64x128xf32, #tpu.memory_space<vmem>>, vector<64x128xf32>,
    %get3A_34 = arith.constant 0 : index
    %get3A_35 = arith.constant 0 : index
    %get3A_36 = vector.load %arg10[%get3A_34, %get3A_35] : memref<64x1xf32, #tpu.memory_space<vmem>>, vector<64x1xf32>
    %reduce_sum3A = arith.constant dense<0.000000e+00> : vector<64xf32>
    %reduce_sum3A_37 = vector.multi_reduction <add>, %convert_element_type3A_26, %reduce_sum3A [1] : vector<64x1000xf32> to vector<64xf32>
    %broadcast_in_dim3A_38 = vector.shape_cast %reduce_sum3A_37 : vector<64xf32> to vector<64x1xf32>
    %add3A_39 = arith.addf %get3A_36, %broadcast_in_dim3A_38 : vector<64x1xf32>
    %swap3A_40 = arith.constant 0 : index
    %swap3A_41 = arith.constant 0 : index
    %swap3A_42 = vector.load %arg10[%swap3A_40, %swap3A_41] : memref<64x1xf32, #tpu.memory_space<vmem>>, vector<64x1xf32>
    tpu.vector_store %arg10[%swap3A_40, %swap3A_41], %add3A_39 {strides = array<i32>} : memref<64x1xf32, #tpu.memory_space<vmem>>, vector<64x1xf32>,
    %eq3A_43 = arith.constant 9 : i32
    %eq3A_44 = arith.cmpi eq, %arg0, %eq3A_43 : i32
    %convert_element_type3A_45 = arith.extui %eq3A_44 : i1 to i32
    %cond3A_46 = arith.constant 0 : i32
    %cond3A_47 = arith.cmpi ne, %convert_element_type3A_45, %cond3A_46 : i32
    scf.if %cond3A_47 {
      %get3A_48 = arith.constant 0 : index
      %get3A_49 = arith.constant 0 : index
      %get3A_50 = vector.load %arg9[%get3A_48, %get3A_49] : memref<64x128xf32, #tpu.memory_space<vmem>>, vector<64x128xf32>
      %get3A_51 = arith.constant 0 : index
      %get3A_52 = arith.constant 0 : index
      %get3A_53 = vector.load %arg10[%get3A_51, %get3A_52] : memref<64x1xf32, #tpu.memory_space<vmem>>, vector<64x1xf32>
      %max3A_54 = arith.constant 1.000000e+00 : f32
      %max3A_55 = vector.broadcast %max3A_54 : f32 to vector<64x1xf32>
      %max3A_56 = arith.maximumf %get3A_53, %max3A_55 : vector<64x1xf32>
      %div3A = vector.broadcast %max3A_56 : vector<64x1xf32> to vector<64x128xf32>
      %div3A_57 = arith.divf %get3A_50, %div3A : vector<64x128xf32>
      %get3A_58 = arith.constant 0 : index
      %get3A_59 = arith.constant 0 : index
      %get3A_60 = vector.load %arg6[%get3A_58, %get3A_59] : memref<128x10xf32, #tpu.memory_space<vmem>>, vector<128x10xf32>
      %dot_general3A_61 = arith.constant dense<0.000000e+00> : vector<64x10xf32>
      %dot_general3A_62 = tpu.matmul %div3A_57, %get3A_60, %dot_general3A_61 {dimension_numbers = #tpu.dot_dimension_numbers<[1], [0], [0], [1], [0, 0, 1, 1], [], []>, transpose_lhs_hint = false} : vector<64x128xf32>, vector<128x10xf32>, vector<64x10xf32> -> vector<64x10xf32>
      %get3A_63 = arith.constant 0 : index
      %get3A_64 = arith.constant 0 : index
      %get3A_65 = vector.load %arg7[%get3A_63, %get3A_64] : memref<1x10xf32, #tpu.memory_space<vmem>>, vector<1x10xf32>
      %add3A_66 = vector.broadcast %get3A_65 : vector<1x10xf32> to vector<64x10xf32>
      %add3A_67 = arith.addf %dot_general3A_62, %add3A_66 : vector<64x10xf32>
      %swap3A_68 = arith.constant 0 : index
      %swap3A_69 = arith.constant 0 : index
      %swap3A_70 = vector.load %arg8[%swap3A_68, %swap3A_69] : memref<64x10xf32, #tpu.memory_space<vmem>>, vector<64x10xf32>
      tpu.vector_store %arg8[%swap3A_68, %swap3A_69], %add3A_67 {strides = array<i32>} : memref<64x10xf32, #tpu.memory_space<vmem>>, vector<64x10xf32>,
    } else {
    }
    return
  }
  func.func @transform_0(%arg0: i32) -> (i32, i32) {
    %c0_i32 = arith.constant 0 : i32
    %c0_i32_0 = arith.constant 0 : i32
    return %arg0, %c0_i32 : i32, i32
  }
  func.func @transform_1(%arg0: i32) -> (i32, i32) {
    %c0_i32 = arith.constant 0 : i32
    %c0_i32_0 = arith.constant 0 : i32
    return %arg0, %c0_i32 : i32, i32
  }
  func.func @transform_2(%arg0: i32) -> (i32, i32) {
    %c0_i32 = arith.constant 0 : i32
    %c0_i32_0 = arith.constant 0 : i32
    return %arg0, %c0_i32 : i32, i32
  }
  func.func @transform_3(%arg0: i32) -> (i32, i32) {
    %c0_i32 = arith.constant 0 : i32
    %c0_i32_0 = arith.constant 0 : i32
    %c0_i32_1 = arith.constant 0 : i32
    return %c0_i32, %c0_i32_0 : i32, i32
  }
  func.func @transform_4(%arg0: i32) -> (i32, i32, i32) {
    %c0_i32 = arith.constant 0 : i32
    %c0_i32_0 = arith.constant 0 : i32
    %c0_i32_1 = arith.constant 0 : i32
    return %arg0, %c0_i32, %c0_i32_0 : i32, i32, i32
  }
  func.func @transform_5(%arg0: i32) -> (i32, i32) {
    %c0_i32 = arith.constant 0 : i32
    %c0_i32_0 = arith.constant 0 : i32
    %c0_i32_1 = arith.constant 0 : i32
    return %c0_i32, %c0_i32_0 : i32, i32
  }
  func.func @transform_6(%arg0: i32) -> (i32, i32) {
    %c0_i32 = arith.constant 0 : i32
    %c0_i32_0 = arith.constant 0 : i32
    %c0_i32_1 = arith.constant 0 : i32
    return %c0_i32, %c0_i32_0 : i32, i32
  }
  func.func @transform_7(%arg0: i32) -> (i32, i32) {
    %c0_i32 = arith.constant 0 : i32
    %c0_i32_0 = arith.constant 0 : i32
    %c0_i32_1 = arith.constant 0 : i32
    return %c0_i32, %c0_i32_0 : i32, i32
  }
}

</mosaic_0001>

<sc_bundles>
// kernel: kernel.10.cloned.1.call-start
scs
__scs_entry_jumppad:
0x0: {  	(pc) =	sbr.rel $0x88, $3  }
0x1: {  	(tag) =	ssettag $0x0;
	lr =	simm.s32 $0x1  }
0x2: {  	[smem:$0x3F96] =	sst lr;
	_ =	strace $0xD0000000  }
0x3: {  	_ = 	snop  }
0x4: {  	_ = 	snop  }
0x5: {  	_ = 	snop  }
0x6: {  	_ = 	snop  }
0x7: {  	_ = 	snop  }
__scs_overlays_trampoline_lowered:
0x8: {  	[smem:$0x3FA5] =	sst s0  }
0x9: {  	[smem:$0x3FA6] =	sst s1  }
0xa: {  	[smem:$0x3FA7] =	sst s2  }
0xb: {  	[smem:$0x3FA8] =	sst s3  }
0xc: {  	[smem:$0x3FA9] =	sst s4  }
0xd: {  	[smem:$0x3FAA] =	sst s5  }
0xe: {  	[smem:$0x3FAB] =	sst s6  }
0xf: {  	[smem:$0x3FAC] =	sst s7  }
0x10: {  	[smem:$0x3FAD] =	sst s8  }
0x11: {  	[smem:$0x3FAE] =	sst s9;
	s0 =	simm.s32 @!p0 $0x0  }
0x12: {  	s1 =	sld [smem:$0x3F94];
	s0 =	simm.s32 @p0 $0x1  }
0x13: {  	[smem:$0x3FAF] =	sst s0;
	s0 =	simm.s32 @!p1 $0x0  }
0x14: {  	s2 =	sld [smem:$0x3F93];
	s0 =	simm.s32 @p1 $0x1  }
0x15: {  	[smem:$0x3FB0] =	sst s0;
	s0 =	simm.s32 @!p2 $0x0  }
0x16: {  	s3 =	sld [smem:$0x3FDB];
	s0 =	simm.s32 @p2 $0x1  }
0x17: {  	s4 =	simm.s32 $0x1BF5;
	[smem:$0x3FB2] =	sst s0  }
0x18: {  	s0 =	sld [smem:$0x3F95];
	_ =	swait.ge [sflag:s4], $0x0  }
0x19: {  	s7 =	sld [smem:$0x3F96]  }
0x1a: {  	s8 =	sadd.s32 $0xFFFFE003, lr  }
0x1b: {  	s9 =	sadd.s32 $0xFFFFFEF7, lr;
	s5 =	simm.s32 $0xFFFFFFFF;
	p2 =	slt.u32 s8, $0xFFFFF086  }
0x1c: {  	p1 =	slt.u32 s9, $0xF7A;
	s5 =	simm.s32 @!p2 $0x0  }
0x1d: {  	s5 =	simm.s32 @p1 $0x1;
	p0 =	seq.s32 s7, s2  }
0x1e: {  	s7 =	smul.u32 @!p0 $0xF7A, s2;
	p2 =	seq.s32 @!p0 s5, $0x0  }
0x1f: {  	s9 =	smul.u32 $0xF7A, s1;
	s8 =	simm.s32 @!p0 $0x1BF5;
	p2 =	por !p2, p0  }
0x20: {  	[sflag:s8] =	ssyncset.s32 @!p0 $0xFFFFF086;
	s6 =	sadd.s32 @!p0 s3, s7;
	s7 =	simm.s32 @!p0 $0x108  }
0x21: {  	s3 =	sadd.s32 s3, s9;
	s6 =	sadd.s32 @!p0 $0x88, s6;
	s7 =	simm.s32 @p2 $0x1082  }
0x22: {  	[simem:s7], [sflag:s8] =	dma.local @!p0 [hbm:s6], $0xF7A  }
0x23: {  	s9 =	sor.u32 $0xD0000000, s2;
	s6 =	simm.s32 $0x108;
	_ =	swait.ge @!p0 [sflag:s8], $0x0  }
0x24: {  	s3 =	sadd.s32 $0x88, s3;
	s6 =	simm.s32 @!p1 $0x1082;
	[sflag:s4] =	ssyncset.s32 $0xFFFFF086  }
0x25: {  	[simem:s6], [sflag:s4] =	dma.local [hbm:s3], $0xF7A  }
0x26: {  	[smem:$0x3F96] =	sst s1;
	(tag) =	ssettag s2;
	_ =	strace s9  }
0x27: {  	s1 =	sld [smem:$0x3FA6]  }
0x28: {  	s2 =	sld [smem:$0x3FA7]  }
0x29: {  	s4 =	sld [smem:$0x3FA9]  }
0x2a: {  	p0 =	seq.s32 s5, $0x0;
	s5 =	sld [smem:$0x3FAA]  }
0x2b: {  	s6 =	sld [smem:$0x3FAB]  }
0x2c: {  	s7 =	sld [smem:$0x3FAC]  }
0x2d: {  	s3 =	simm.s32 $0x108;
	s8 =	sld [smem:$0x3FAD]  }
0x2e: {  	s3 =	simm.s32 @!p0 $0x1082;
	s9 =	sld [smem:$0x3FAE]  }
0x2f: {  	lr =	sadd.s32 s0, s3;
	s0 =	sld [smem:$0x3FA5]  }
0x30: {  	s3 =	sld [smem:$0x3FA8]  }
0x31: {  	[smem:$0x3FB1] =	sst s10  }
0x32: {  	s10 =	sld [smem:$0x3FAF];
	_ =	sdelay $0x3  }
0x33: {  	p0 =	seq.s32 s10, $0x1;
	s10 =	sld [smem:$0x3FB1];
	_ =	sdelay $0x3  }
0x34: {  	[smem:$0x3FB1] =	sst s10  }
0x35: {  	s10 =	sld [smem:$0x3FB0];
	_ =	sdelay $0x3  }
0x36: {  	p1 =	seq.s32 s10, $0x1;
	s10 =	sld [smem:$0x3FB1];
	_ =	sdelay $0x3  }
0x37: {  	[smem:$0x3FB1] =	sst s10  }
0x38: {  	s10 =	sld [smem:$0x3FB2]  }
0x39: {  	_ = 	snop;
	(pc) =	sbr.ind lr, $3  }
0x3a: {  	_ = 	snop  }
0x3b: {  	_ = 	snop  }
0x3c: {  	p2 =	seq.s32 s10, $0x1;
	s10 =	sld [smem:$0x3FB1]  }
0x3d: {  	_ =	shalt  }
0x3e: {  	_ =	shalt  }
0x3f: {  	_ =	shalt  }
0x40: {  	_ =	shalt  }
0x41: {  	_ =	shalt  }
0x42: {  	_ =	shalt  }
0x43: {  	_ =	shalt  }
0x44: {  	_ =	shalt  }
0x45: {  	_ =	shalt  }
0x46: {  	_ =	shalt  }
0x47: {  	_ =	shalt  }
0x48: {  	_ =	shalt  }
0x49: {  	_ =	shalt  }
0x4a: {  	_ =	shalt  }
0x4b: {  	_ =	shalt  }
0x4c: {  	_ =	shalt  }
0x4d: {  	_ =	shalt  }
0x4e: {  	_ =	shalt  }
0x4f: {  	_ =	shalt  }
0x50: {  	_ =	shalt  }
0x51: {  	_ =	shalt  }
0x52: {  	_ =	shalt  }
0x53: {  	_ =	shalt  }
0x54: {  	_ =	shalt  }
0x55: {  	_ =	shalt  }
0x56: {  	_ =	shalt  }
0x57: {  	_ =	shalt  }
0x58: {  	_ =	shalt  }
0x59: {  	_ =	shalt  }
0x5a: {  	_ =	shalt  }
0x5b: {  	_ =	shalt  }
0x5c: {  	_ =	shalt  }
0x5d: {  	_ =	shalt  }
0x5e: {  	_ =	shalt  }
0x5f: {  	_ =	shalt  }
0x60: {  	_ =	shalt  }
0x61: {  	_ =	shalt  }
0x62: {  	_ =	shalt  }
0x63: {  	_ =	shalt  }
0x64: {  	_ =	shalt  }
0x65: {  	_ =	shalt  }
0x66: {  	_ =	shalt  }
0x67: {  	_ =	shalt  }
0x68: {  	_ =	shalt  }
0x69: {  	_ =	shalt  }
0x6a: {  	_ =	shalt  }
0x6b: {  	_ =	shalt  }
0x6c: {  	_ =	shalt  }
0x6d: {  	_ =	shalt  }
0x6e: {  	_ =	shalt  }
0x6f: {  	_ =	shalt  }
0x70: {  	_ =	shalt  }
0x71: {  	_ =	shalt  }
0x72: {  	_ =	shalt  }
0x73: {  	_ =	shalt  }
0x74: {  	_ =	shalt  }
0x75: {  	_ =	shalt  }
0x76: {  	_ =	shalt  }
0x77: {  	_ =	shalt  }
0x78: {  	_ =	shalt  }
0x79: {  	_ =	shalt  }
0x7a: {  	_ =	shalt  }
0x7b: {  	_ =	shalt  }
0x7c: {  	_ =	shalt  }
0x7d: {  	_ =	shalt  }
0x7e: {  	_ =	shalt  }
0x7f: {  	_ =	shalt  }
0x80: {  	_ =	shalt  }
0x81: {  	_ =	shalt  }
0x82: {  	_ =	shalt  }
0x83: {  	_ =	shalt  }
0x84: {  	_ =	shalt  }
0x85: {  	_ =	shalt  }
0x86: {  	_ =	shalt  }
0x87: {  	_ =	shalt  }
.Lfunc_end0:
.L_simem_size_0:
called_computation_lowered:
.L_overlay_start_0:
0x88: {  	s2 =	sld [smem:$0x3FD9]  }
0x89: {  	s3 =	sld [smem:$0x3FFE];
	_ =	sdelay $0x1  }
0x8a: {  	s1 =	srdreg.scid  }
0x8b: {  	s0 =	sand.u32 $0x1, s1  }
0x8c: {  	s17 =	sshll.u32 s0, $0xA;
	s2 =	sadd.s32 s3, s2  }
0x8d: {  	s2 =	sadd.s32 s2, s17  }
0x8e: {  	[smem:$0x3FBD] =	sst s2  }
0x8f: {  	_ = 	snop  }
0x90: {  	s2 =	sld [smem:$0x3FD0];
	(tm) =	ssettm $0x1  }
0x91: {  	s18 =	sld [smem:$0x3FFB];
	_ =	sdelay $0x3  }
0x92: {  	_ =	strace s18  }
0x93: {  	s3 =	sld [smem:$0x3FFC];
	_ =	sdelay $0x3  }
0x94: {  	_ =	strace s3  }
0x95: {  	s3 =	sld [smem:$0x3FFD];
	_ =	sdelay $0x3  }
0x96: {  	_ =	strace s3  }
0x97: {  	_ =	strace $0x8FFFFFFF  }
0x98: {  	s19 =	sld [smem:$0x3FDB];
	_ =	sdelay $0x1  }
0x99: {  	s4 =	simm.s32 $_scs_section_size  }
0x9a: {  	s5 =	simm.s32 $_size__tile_overlayer_lowered;
	s6 =	simm.s32 $_tile_overlayer_lowered  }
0x9b: {  	s22 =	simm.s32 $0x1BFF;
	s21 =	sshll.u32 s6, $0x1;
	s3 =	sadd.s32 s4, s19  }
0x9c: {  	s7 =	simm.s32 $0x0;
	s20 =	sshll.u32 s5, $0x1;
	s5 =	sadd.s32 s21, s3  }
0x9d: {  	[timem:s7], [sflag:s22] =	dma.local [hbm:s5], s20  }
0x9e: {  	_ =	swait.ge [sflag:s22], s20  }
0x9f: {  	s4 =	ssub.s32 $0x0, s20;
	[sflag:s22] =	ssyncset.done $0x0  }
0xa0: {  	[sflag:s22] =	ssyncadd.s32 s4;
	_ =	sdelay $0x1  }
0xa1: {  	s23 =	simm.s32 $0x1B8B  }
0xa2: {  	_ =	swait.ge [sflag:s23], $0x1  }
0xa3: {  	[sflag:s23] =	ssyncset.done $0x0  }
0xa4: {  	s25 =	simm.s32 $0x1B8E;
	s24 =	sld [smem:$0x3FFE];
	[sflag:s23] =	ssyncadd.s32 $0xFFFFFFFF  }
0xa5: {  	s26 =	simm.s32 $execute0_lowered;
	[smem:$0x3FD2] =	sst s25  }
0xa6: {  	s5 =	sshll.u32 s26, $0x1;
	_ =	strace $0x80000046;
	[dreg:$0x1] =	wrdreg $0xFFFFFFFF  }
0xa7: {  	s28 =	simm.s32 $_size_execute0_lowered;
	s3 =	sadd.s32 s3, s5;
	[dreg:$0x0] =	wrdreg $0x0  }
0xa8: {  	s5 =	sshll.u32 s28, $0x1;
	[dreg:$0x2] =	wrdreg s3  }
0xa9: {  	[dreg:$0x3] =	wrdreg s5  }
0xaa: {  	[dreg:$0x4] =	wrdreg $0xC0  }
0xab: {  	_ =	task [dreg:s7], $0x5FFFF  }
0xac: {  	[dreg:$0x1] =	wrdreg $0xFFFFFFFF  }
0xad: {  	[dreg:$0x0] =	wrdreg $0x60  }
0xae: {  	[dreg:$0x2] =	wrdreg s24  }
0xaf: {  	[dreg:$0x3] =	wrdreg s2  }
0xb0: {  	[dreg:$0x4] =	wrdreg $0x66B00  }
0xb1: {  	[dreg:$0x5] =	wrdreg $0x9  }
0xb2: {  	_ =	task.clear_ibuf [dreg:s7], $0x6FFFF;
	_ =	strace $0x90000046  }
0xb3: {  	s29 =	simm.s32 $0x9;
	_ =	strace $0x80000048  }
0xb4: {  	_ =	swait.ge [sflag:s29], $0x1  }
0xb5: {  	[sflag:s29] =	ssyncadd.s32 $0xFFFFFFFF  }
0xb6: {  	_ =	strace $0x90000048  }
0xb7: {  	_ =	sfence  }
0xb8: {  	s30 =	sld [smem:$0x0];
	_ =	sdelay $0x2  }
0xb9: {  	s31 =	sshll.u32 s1, $0xD;
	s1 =	sshrl.u32 s1, $0x2  }
0xba: {  	s3 =	sand.u32 $0x4000, s31;
	s1 =	sadd.s32 s1, s30  }
0xbb: {  	s0 =	sor.u32 s3, s0;
	s1 =	sshll.u32 s1, $0x11  }
0xbc: {  	s0 =	sor.u32 s1, s0  }
0xbd: {  	s0 =	sadd.s32 $0x8F2B, s0  }
0xbe: {  	[sflag:s0] =	ssyncadd.remote.s32 $0x1  }
0xbf: {  	_ =	sfence.sel $0xFFFF  }
0xc0: {  	[dreg:$0x0] =	wrdreg $0xFFFFFFFF;
	(pc) =	sbr.abs _section_cstart, $3  }
0xc1: {  	[dreg:$0x1] =	wrdreg $0xFFFFFFFF  }
0xc2: {  	_ =	task.clear_ibuf [dreg:s7], $0x2FFFF;
	_ =	strace $0x9FFFFFFF  }
0xc3: {  	(tm) =	ssettm $0x7FFFFFFF  }
tec
execute0_lowered:
.L_overlay_start_1:
0x0: {  	(tag) =	ssettag $0x1  }
0x1: {  	s0 =	rddreg [dreg:$0x0];
	s1 =	srdreg.scid  }
0x2: {  	s7 =	stileid.u32;
	s3 =	rddreg [dreg:$0x2]  }
0x3: {  	s4 =	simm.s32 $0x0;
	s10 =	simm.s32 $0x5320;
	s11 =	simm.s32 $0xB  }
0x4: {  	s12 =	simm.s32 $0x4E20;
	s13 =	simm.s32 $0x50;
	s16 =	simm.s32 $0x140  }
0x5: {  	s17 =	simm.s32 $0x190;
	s18 =	simm.s32 $0x1E0;
	s19 =	simm.s32 $0x230  }
0x6: {  	s20 =	simm.s32 $0x280;
	s21 =	simm.s32 $0x2D0;
	s22 =	simm.s32 $0x1  }
0x7: {  	s23 =	simm.s32 $0x2;
	s24 =	simm.s32 $0x3;
	s5 =	smul.u32 $0x4E20, s7  }
0x8: {  	s28 =	simm.s32 $0x6;
	s29 =	simm.s32 $0x7;
	s6 =	smul.u32 $0x1390, s7  }
0x9: {  	s30 =	simm.s32 $0x8;
	s1 =	sand.u32 $0x1, s1;
	s7 =	smul.u32 $0x4E40, s7  }
0xa: {  	s31 =	simm.s32 $0x9;
	[smem:$0x7FF] =	sst s4;
	s2 =	smul.u32 $0x4E200, s1  }
0xb: {  	s25 =	smul.u32 $0x13900, s1;
	_ =	strace $0x80000047;
	s1 =	ssub.s32 $0x2, s1  }
0xc: {  	s8 =	sshrl.u32 s1, $0x1;
	s26 =	sshrl.u32 s7, $0x2;
	s2 =	sadd.s32 s5, s2  }
0xd: {  	s6 =	sadd.s32 s6, s25;
	s5 =	sadd.s32 $0x22000, s0;
	s1 =	ssub.s32 s1, s8  }
0xe: {  	s25 =	simm.s32 $0x4;
	s2 =	sshrl.u32 s2, $0x3;
	s6 =	sshrl.u32 s6, $0x3  }
0xf: {  	s9 =	smax.u32 s1, $0x1;
	s1 =	simm.s32 $0xA;
	s2 =	sadd.s32 s2, s0  }
0x10: {  	s0 =	sadd.s32 s6, s0;
	s6 =	sadd.s32 s26, s3;
	s26 =	simm.s32 $0x5  }
0x11: {  	s7 =	sadd.s32 $0xE600, s2;
	s8 =	sadd.s32 $0x22400, s0;
	s0 =	simm.s32 $0x0  }
.LBB2_1:
0x12: {  	[tilespmem:s10], [sflag:$0xB] =	stream.linear.gather [hbm4b:s5+s4], $0x1390, $0x38;
	[tilespmem:$0x7A40] =	vst v63  }
0x13: {  	_ =	swait.ge [sflag:s11], $0x1390  }
0x14: {  	[sflag:s11] =	ssyncset.done $0x0  }
0x15: {  	[sflag:s11] =	ssyncadd.s32 $0xFFFFEC70  }
0x16: {  	[spmem:s6] =	stream.linear.scatter [tilespmem:s10], [sflag:$0xB], $0x1390, $0x38;
	[tilespmem:$0x7A40] =	vst v63  }
0x17: {  	_ =	swait.ge [sflag:s11], $0x1390  }
0x18: {  	[sflag:s11] =	ssyncset.done $0x0  }
0x19: {  	[sflag:s11] =	ssyncadd.s32 $0xFFFFEC70  }
0x1a: {  	s2 =	rddreg [dreg:$0x1]  }
0x1b: {  	[tilespmem:s12], [sflag:$0xB] =	stream.linear.gather [hbm4b:s2+s4], $0x500, $0x38;
	[tilespmem:$0x7A40] =	vst v63  }
0x1c: {  	_ =	swait.ge [sflag:s11], $0x500  }
0x1d: {  	[sflag:s11] =	ssyncset.done $0x0  }
0x1e: {  	[sflag:s11] =	ssyncadd.s32 $0xFFFFFB00  }
0x1f: {  	[tilespmem:s4], [sflag:$0xB] =	stream.linear.gather [hbm4b:s7+s4], $0x4E20, $0x38;
	[tilespmem:$0x7A40] =	vst v63  }
0x20: {  	_ =	swait.ge [sflag:s11], $0x4E20  }
0x21: {  	[sflag:s11] =	ssyncset.done $0x0  }
0x22: {  	[sflag:s11] =	ssyncadd.s32 $0xFFFFB1E0  }
0x23: {  	[bflag:$0x0] =	sbarrier.arrive $0xFFFF  }
0x24: {  	[spmem:s3] =	stream.indirect.scatter.add.f32 [tilespmem:s12], [sflag:$0x1], $0x10, s4, s13, $0xb8;
	[tilespmem:$0x7A40] =	vst v63  }
0x25: {  	_ = 	snop  }
0x26: {  	[spmem:s3] =	stream.indirect.scatter.add.f32 [tilespmem:s12], [sflag:$0x2], $0x10, s13, s13, $0xb8;
	[tilespmem:$0x7A40] =	vst v63  }
0x27: {  	s15 =	simm.s32 $0xA0  }
0x28: {  	[spmem:s3] =	stream.indirect.scatter.add.f32 [tilespmem:s12], [sflag:$0x3], $0x10, s15, s13, $0xb8;
	[tilespmem:$0x7A40] =	vst v63  }
0x29: {  	s14 =	simm.s32 $0xF0  }
0x2a: {  	[spmem:s3] =	stream.indirect.scatter.add.f32 [tilespmem:s12], [sflag:$0x4], $0x10, s14, s13, $0xb8;
	[tilespmem:$0x7A40] =	vst v63  }
0x2b: {  	_ = 	snop  }
0x2c: {  	[spmem:s3] =	stream.indirect.scatter.add.f32 [tilespmem:s12], [sflag:$0x5], $0x10, s16, s13, $0xb8;
	[tilespmem:$0x7A40] =	vst v63  }
0x2d: {  	_ = 	snop  }
0x2e: {  	[spmem:s3] =	stream.indirect.scatter.add.f32 [tilespmem:s12], [sflag:$0x6], $0x10, s17, s13, $0xb8;
	[tilespmem:$0x7A40] =	vst v63  }
0x2f: {  	_ = 	snop  }
0x30: {  	[spmem:s3] =	stream.indirect.scatter.add.f32 [tilespmem:s12], [sflag:$0x7], $0x10, s18, s13, $0xb8;
	[tilespmem:$0x7A40] =	vst v63  }
0x31: {  	_ = 	snop  }
0x32: {  	[spmem:s3] =	stream.indirect.scatter.add.f32 [tilespmem:s12], [sflag:$0x8], $0x10, s19, s13, $0xb8;
	[tilespmem:$0x7A40] =	vst v63  }
0x33: {  	_ = 	snop  }
0x34: {  	[spmem:s3] =	stream.indirect.scatter.add.f32 [tilespmem:s12], [sflag:$0x9], $0x10, s20, s13, $0xb8;
	[tilespmem:$0x7A40] =	vst v63  }
0x35: {  	_ = 	snop  }
0x36: {  	[spmem:s3] =	stream.indirect.scatter.add.f32 [tilespmem:s12], [sflag:$0xA], $0x10, s21, s13, $0xb8;
	[tilespmem:$0x7A40] =	vst v63  }
0x37: {  	_ =	swait.ge [sflag:s22], $0x500  }
0x38: {  	[sflag:s22] =	ssyncset.done $0x0  }
0x39: {  	s15 =	simm.s32 $0x320;
	[sflag:s22] =	ssyncadd.s32 $0xFFFFFB00  }
0x3a: {  	[spmem:s3] =	stream.indirect.scatter.add.f32 [tilespmem:s12], [sflag:$0x1], $0x10, s15, s13, $0xb8;
	[tilespmem:$0x7A40] =	vst v63  }
0x3b: {  	_ =	swait.ge [sflag:s23], $0x500  }
0x3c: {  	[sflag:s23] =	ssyncset.done $0x0  }
0x3d: {  	s14 =	simm.s32 $0x370;
	[sflag:s23] =	ssyncadd.s32 $0xFFFFFB00  }
0x3e: {  	[spmem:s3] =	stream.indirect.scatter.add.f32 [tilespmem:s12], [sflag:$0x2], $0x10, s14, s13, $0xb8;
	[tilespmem:$0x7A40] =	vst v63  }
0x3f: {  	_ =	swait.ge [sflag:s24], $0x500  }
0x40: {  	[sflag:s24] =	ssyncset.done $0x0  }
0x41: {  	s15 =	simm.s32 $0x3C0;
	[sflag:s24] =	ssyncadd.s32 $0xFFFFFB00  }
0x42: {  	[spmem:s3] =	stream.indirect.scatter.add.f32 [tilespmem:s12], [sflag:$0x3], $0x10, s15, s13, $0xb8;
	[tilespmem:$0x7A40] =	vst v63  }
0x43: {  	_ =	swait.ge [sflag:s25], $0x500  }
0x44: {  	[sflag:s25] =	ssyncset.done $0x0  }
0x45: {  	s14 =	simm.s32 $0x410;
	[sflag:s25] =	ssyncadd.s32 $0xFFFFFB00  }
0x46: {  	[spmem:s3] =	stream.indirect.scatter.add.f32 [tilespmem:s12], [sflag:$0x4], $0x10, s14, s13, $0xb8;
	[tilespmem:$0x7A40] =	vst v63  }
0x47: {  	_ =	swait.ge [sflag:s26], $0x500  }
0x48: {  	[sflag:s26] =	ssyncset.done $0x0  }
0x49: {  	s15 =	simm.s32 $0x460;
	[sflag:s26] =	ssyncadd.s32 $0xFFFFFB00  }
0x4a: {  	[spmem:s3] =	stream.indirect.scatter.add.f32 [tilespmem:s12], [sflag:$0x5], $0x10, s15, s13, $0xb8;
	[tilespmem:$0x7A40] =	vst v63  }
0x4b: {  	_ =	swait.ge [sflag:s28], $0x500  }
0x4c: {  	[sflag:s28] =	ssyncset.done $0x0  }
0x4d: {  	s14 =	simm.s32 $0x4B0;
	[sflag:s28] =	ssyncadd.s32 $0xFFFFFB00  }
0x4e: {  	[spmem:s3] =	stream.indirect.scatter.add.f32 [tilespmem:s12], [sflag:$0x6], $0x10, s14, s13, $0xb8;
	[tilespmem:$0x7A40] =	vst v63  }
0x4f: {  	_ =	swait.ge [sflag:s29], $0x500  }
0x50: {  	[sflag:s29] =	ssyncset.done $0x0  }
0x51: {  	s15 =	simm.s32 $0x500;
	[sflag:s29] =	ssyncadd.s32 $0xFFFFFB00  }
0x52: {  	[spmem:s3] =	stream.indirect.scatter.add.f32 [tilespmem:s12], [sflag:$0x7], $0x10, s15, s13, $0xb8;
	[tilespmem:$0x7A40] =	vst v63  }
0x53: {  	_ =	swait.ge [sflag:s30], $0x500  }
0x54: {  	[sflag:s30] =	ssyncset.done $0x0  }
0x55: {  	s14 =	simm.s32 $0x550;
	[sflag:s30] =	ssyncadd.s32 $0xFFFFFB00  }
0x56: {  	[spmem:s3] =	stream.indirect.scatter.add.f32 [tilespmem:s12], [sflag:$0x8], $0x10, s14, s13, $0xb8;
	[tilespmem:$0x7A40] =	vst v63  }
0x57: {  	_ =	swait.ge [sflag:s31], $0x500  }
0x58: {  	[sflag:s31] =	ssyncset.done $0x0  }
0x59: {  	s15 =	simm.s32 $0x5A0;
	[sflag:s31] =	ssyncadd.s32 $0xFFFFFB00  }
0x5a: {  	[spmem:s3] =	stream.indirect.scatter.add.f32 [tilespmem:s12], [sflag:$0x9], $0x10, s15, s13, $0xb8;
	[tilespmem:$0x7A40] =	vst v63  }
0x5b: {  	_ =	swait.ge [sflag:s1], $0x500  }
0x5c: {  	[sflag:s1] =	ssyncset.done $0x0  }
0x5d: {  	s2 =	simm.s32 $0xC80;
	s14 =	simm.s32 $0x5F0;
	[sflag:s1] =	ssyncadd.s32 $0xFFFFFB00  }
.LBB2_2:
0x5e: {  	[spmem:s3] =	stream.indirect.scatter.add.f32 [tilespmem:s12], [sflag:$0xA], $0x10, s14, s13, $0xb8;
	[tilespmem:$0x7A40] =	vst v63  }
0x5f: {  	s14 =	smov.u32 s2  }
0x60: {  	p0 =	sne.s32 s2, $0x11F80;
	s2 =	sadd.s32 $0xC80, s2;
	_ =	swait.ge [sflag:s22], $0x500  }
0x61: {  	s14 =	sshra.s32 s14, $0x2;
	[sflag:s22] =	ssyncset.done $0x0  }
0x62: {  	s15 =	sadd.s32 $0x320, s14;
	[sflag:s22] =	ssyncadd.s32 $0xFFFFFB00  }
0x63: {  	[spmem:s3] =	stream.indirect.scatter.add.f32 [tilespmem:s12], [sflag:$0x1], $0x10, s15, s13, $0xb8;
	[tilespmem:$0x7A40] =	vst v63  }
0x64: {  	_ =	swait.ge [sflag:s23], $0x500  }
0x65: {  	[sflag:s23] =	ssyncset.done $0x0  }
0x66: {  	s15 =	sadd.s32 $0x370, s14;
	[sflag:s23] =	ssyncadd.s32 $0xFFFFFB00  }
0x67: {  	[spmem:s3] =	stream.indirect.scatter.add.f32 [tilespmem:s12], [sflag:$0x2], $0x10, s15, s13, $0xb8;
	[tilespmem:$0x7A40] =	vst v63  }
0x68: {  	_ =	swait.ge [sflag:s24], $0x500  }
0x69: {  	[sflag:s24] =	ssyncset.done $0x0  }
0x6a: {  	s15 =	sadd.s32 $0x3C0, s14;
	[sflag:s24] =	ssyncadd.s32 $0xFFFFFB00  }
0x6b: {  	[spmem:s3] =	stream.indirect.scatter.add.f32 [tilespmem:s12], [sflag:$0x3], $0x10, s15, s13, $0xb8;
	[tilespmem:$0x7A40] =	vst v63  }
0x6c: {  	_ =	swait.ge [sflag:s25], $0x500  }
0x6d: {  	[sflag:s25] =	ssyncset.done $0x0  }
0x6e: {  	s15 =	sadd.s32 $0x410, s14;
	[sflag:s25] =	ssyncadd.s32 $0xFFFFFB00  }
0x6f: {  	[spmem:s3] =	stream.indirect.scatter.add.f32 [tilespmem:s12], [sflag:$0x4], $0x10, s15, s13, $0xb8;
	[tilespmem:$0x7A40] =	vst v63  }
0x70: {  	_ =	swait.ge [sflag:s26], $0x500  }
0x71: {  	[sflag:s26] =	ssyncset.done $0x0  }
0x72: {  	s15 =	sadd.s32 $0x460, s14;
	[sflag:s26] =	ssyncadd.s32 $0xFFFFFB00  }
0x73: {  	[spmem:s3] =	stream.indirect.scatter.add.f32 [tilespmem:s12], [sflag:$0x5], $0x10, s15, s13, $0xb8;
	[tilespmem:$0x7A40] =	vst v63  }
0x74: {  	_ =	swait.ge [sflag:s28], $0x500  }
0x75: {  	[sflag:s28] =	ssyncset.done $0x0  }
0x76: {  	s15 =	sadd.s32 $0x4B0, s14;
	[sflag:s28] =	ssyncadd.s32 $0xFFFFFB00  }
0x77: {  	[spmem:s3] =	stream.indirect.scatter.add.f32 [tilespmem:s12], [sflag:$0x6], $0x10, s15, s13, $0xb8;
	[tilespmem:$0x7A40] =	vst v63  }
0x78: {  	_ =	swait.ge [sflag:s29], $0x500  }
0x79: {  	[sflag:s29] =	ssyncset.done $0x0  }
0x7a: {  	s15 =	sadd.s32 $0x500, s14;
	[sflag:s29] =	ssyncadd.s32 $0xFFFFFB00  }
0x7b: {  	[spmem:s3] =	stream.indirect.scatter.add.f32 [tilespmem:s12], [sflag:$0x7], $0x10, s15, s13, $0xb8;
	[tilespmem:$0x7A40] =	vst v63  }
0x7c: {  	_ =	swait.ge [sflag:s30], $0x500  }
0x7d: {  	[sflag:s30] =	ssyncset.done $0x0  }
0x7e: {  	s15 =	sadd.s32 $0x550, s14;
	[sflag:s30] =	ssyncadd.s32 $0xFFFFFB00  }
0x7f: {  	[spmem:s3] =	stream.indirect.scatter.add.f32 [tilespmem:s12], [sflag:$0x8], $0x10, s15, s13, $0xb8;
	[tilespmem:$0x7A40] =	vst v63  }
0x80: {  	_ =	swait.ge [sflag:s31], $0x500  }
0x81: {  	[sflag:s31] =	ssyncset.done $0x0  }
.Ltmp0:
0x82: {  	s15 =	sadd.s32 $0x5A0, s14;
	[sflag:s31] =	ssyncadd.s32 $0xFFFFFB00;
	(pc) =	sbr.rel @p0 .LBB2_2-.Ltmp0, $4  }
0x83: {  	[spmem:s3] =	stream.indirect.scatter.add.f32 [tilespmem:s12], [sflag:$0x9], $0x10, s15, s13, $0xb8;
	[tilespmem:$0x7A40] =	vst v63  }
0x84: {  	_ =	swait.ge [sflag:s1], $0x500  }
0x85: {  	[sflag:s1] =	ssyncset.done $0x0  }
0x86: {  	s14 =	sadd.s32 $0x5F0, s14;
	[sflag:s1] =	ssyncadd.s32 $0xFFFFFB00  }
0x87: {  	[spmem:s3] =	stream.indirect.scatter.add.f32 [tilespmem:s12], [sflag:$0xA], $0x10, s14, s13, $0xb8;
	[tilespmem:$0x7A40] =	vst v63  }
0x88: {  	_ =	swait.ge [sflag:s22], $0x500  }
0x89: {  	[sflag:s22] =	ssyncset.done $0x0  }
0x8a: {  	[sflag:s22] =	ssyncadd.s32 $0xFFFFFB00  }
0x8b: {  	_ =	swait.ge [sflag:s23], $0x500  }
0x8c: {  	[sflag:s23] =	ssyncset.done $0x0  }
0x8d: {  	[sflag:s23] =	ssyncadd.s32 $0xFFFFFB00  }
0x8e: {  	_ =	swait.ge [sflag:s24], $0x500  }
0x8f: {  	[sflag:s24] =	ssyncset.done $0x0  }
0x90: {  	[sflag:s24] =	ssyncadd.s32 $0xFFFFFB00  }
0x91: {  	_ =	swait.ge [sflag:s25], $0x500  }
0x92: {  	[sflag:s25] =	ssyncset.done $0x0  }
0x93: {  	[sflag:s25] =	ssyncadd.s32 $0xFFFFFB00  }
0x94: {  	_ =	swait.ge [sflag:s26], $0x500  }
0x95: {  	[sflag:s26] =	ssyncset.done $0x0  }
0x96: {  	[sflag:s26] =	ssyncadd.s32 $0xFFFFFB00  }
0x97: {  	_ =	swait.ge [sflag:s28], $0x500  }
0x98: {  	[sflag:s28] =	ssyncset.done $0x0  }
0x99: {  	[sflag:s28] =	ssyncadd.s32 $0xFFFFFB00  }
0x9a: {  	_ =	swait.ge [sflag:s29], $0x500  }
0x9b: {  	[sflag:s29] =	ssyncset.done $0x0  }
0x9c: {  	[sflag:s29] =	ssyncadd.s32 $0xFFFFFB00  }
0x9d: {  	_ =	swait.ge [sflag:s30], $0x500  }
0x9e: {  	[sflag:s30] =	ssyncset.done $0x0  }
0x9f: {  	[sflag:s30] =	ssyncadd.s32 $0xFFFFFB00  }
0xa0: {  	_ =	swait.ge [sflag:s31], $0x500  }
0xa1: {  	[sflag:s31] =	ssyncset.done $0x0  }
0xa2: {  	[sflag:s31] =	ssyncadd.s32 $0xFFFFFB00  }
0xa3: {  	_ =	swait.ge [sflag:s1], $0x500  }
0xa4: {  	[sflag:s1] =	ssyncset.done $0x0  }
0xa5: {  	[sflag:s1] =	ssyncadd.s32 $0xFFFFFB00  }
0xa6: {  	[bflag:$0x0] =	sbarrier.arrive $0xFFFF  }
0xa7: {  	[tilespmem:s10], [sflag:$0xB] =	stream.linear.gather [spmem:s6], $0x1390, $0x38;
	[tilespmem:$0x7A40] =	vst v63  }
0xa8: {  	s0 =	sadd.s32 $0x1, s0;
	_ =	swait.ge [sflag:s11], $0x1390  }
0xa9: {  	p0 =	sne.s32 s0, s9;
	[sflag:s11] =	ssyncset.done $0x0  }
.Ltmp1:
0xaa: {  	[sflag:s11] =	ssyncadd.s32 $0xFFFFEC70;
	(pc) =	sbr.rel @p0 .LBB2_1-.Ltmp1, $4  }
0xab: {  	[hbm4b:s8+s4] =	stream.linear.scatter [tilespmem:s10], [sflag:$0xB], $0x1390, $0x38;
	[tilespmem:$0x7A40] =	vst v63  }
0xac: {  	_ =	swait.ge [sflag:s11], $0x1390  }
0xad: {  	[sflag:s11] =	ssyncset.done $0x0  }
0xae: {  	[sflag:s11] =	ssyncadd.s32 $0xFFFFEC70  }
0xaf: {  	_ =	sfence.sel $0x180000  }
0xb0: {  	[bflag:$0x0] =	sbarrier.arrive $0xFFFF  }
0xb1: {  	_ =	strace $0x90000047  }
0xb2: {  	s0 =	stileid.u32;
	[bflag:$0x2] =	sbarrier.arrive $0xFFFF  }
0xb3: {  	p0 =	sne.s32 s0, $0x0;
	s0 =	rddreg [dreg:$0x3]  }
0xb4: {  	s0 =	sadd.s32 @!p0 $0x100000, s0  }
0xb5: {  	[sflag:s0] =	ssyncadd.tile.s32 @!p0 $0x1;
	_ =	shalt  }
.Lfunc_end2:
_tile_overlayer_lowered:
.L_overlay_start_2:
0xb6: {  	(tag) =	ssettag $0x2  }
0xb7: {  	s0 =	rddreg [dreg:$0x0];
	s2 =	stileid.u32  }
0xb8: {  	s1 =	rddreg [dreg:$0x1];
	p0 =	sne.s32 s2, $0x0  }
0xb9: {  	s3 =	rddreg [dreg:$0x2];
	[bflag:$0x3] =	sbarrier.arrive $0xFFFF;
	s2 =	simm.s32 @!p0 $0x1C0B  }
0xba: {  	[timem:s3], [sflag:s2] =	dma.local @!p0 [hbm:s0], s1  }
0xbb: {  	s0 =	simm.s32 @!p0 $0xB  }
0xbc: {  	_ =	swait.ge @!p0 [sflag:s0], s1  }
0xbd: {  	s1 =	ssub.s32 @!p0 $0x0, s1;
	[sflag:s0] =	ssyncset.done @!p0 $0x0  }
0xbe: {  	[sflag:s0] =	ssyncadd.s32 @!p0 s1  }
0xbf: {  	[bflag:$0x3] =	sbarrier.arrive $0xFFFF  }
0xc0: {  	_ =	shalt  }

// kernel: kernel.13.cloned.1.call-start
scs
__scs_entry_jumppad:
0x0: {  	(pc) =	sbr.rel $0x88, $3  }
0x1: {  	(tag) =	ssettag $0x0;
	lr =	simm.s32 $0x1  }
0x2: {  	[smem:$0x3F96] =	sst lr;
	_ =	strace $0xD0000000  }
0x3: {  	_ = 	snop  }
0x4: {  	_ = 	snop  }
0x5: {  	_ = 	snop  }
0x6: {  	_ = 	snop  }
0x7: {  	_ = 	snop  }
__scs_overlays_trampoline_lowered:
0x8: {  	[smem:$0x3FA5] =	sst s0  }
0x9: {  	[smem:$0x3FA6] =	sst s1  }
0xa: {  	[smem:$0x3FA7] =	sst s2  }
0xb: {  	[smem:$0x3FA8] =	sst s3  }
0xc: {  	[smem:$0x3FA9] =	sst s4  }
0xd: {  	[smem:$0x3FAA] =	sst s5  }
0xe: {  	[smem:$0x3FAB] =	sst s6  }
0xf: {  	[smem:$0x3FAC] =	sst s7  }
0x10: {  	[smem:$0x3FAD] =	sst s8  }
0x11: {  	[smem:$0x3FAE] =	sst s9;
	s0 =	simm.s32 @!p0 $0x0  }
0x12: {  	s1 =	sld [smem:$0x3F94];
	s0 =	simm.s32 @p0 $0x1  }
0x13: {  	[smem:$0x3FAF] =	sst s0;
	s0 =	simm.s32 @!p1 $0x0  }
0x14: {  	s2 =	sld [smem:$0x3F93];
	s0 =	simm.s32 @p1 $0x1  }
0x15: {  	[smem:$0x3FB0] =	sst s0;
	s0 =	simm.s32 @!p2 $0x0  }
0x16: {  	s3 =	sld [smem:$0x3FDB];
	s0 =	simm.s32 @p2 $0x1  }
0x17: {  	s4 =	simm.s32 $0x1BF5;
	[smem:$0x3FB2] =	sst s0  }
0x18: {  	s0 =	sld [smem:$0x3F95];
	_ =	swait.ge [sflag:s4], $0x0  }
0x19: {  	s7 =	sld [smem:$0x3F96]  }
0x1a: {  	s8 =	sadd.s32 $0xFFFFE003, lr  }
0x1b: {  	s9 =	sadd.s32 $0xFFFFFEF7, lr;
	s5 =	simm.s32 $0xFFFFFFFF;
	p2 =	slt.u32 s8, $0xFFFFF086  }
0x1c: {  	p1 =	slt.u32 s9, $0xF7A;
	s5 =	simm.s32 @!p2 $0x0  }
0x1d: {  	s5 =	simm.s32 @p1 $0x1;
	p0 =	seq.s32 s7, s2  }
0x1e: {  	s7 =	smul.u32 @!p0 $0xF7A, s2;
	p2 =	seq.s32 @!p0 s5, $0x0  }
0x1f: {  	s9 =	smul.u32 $0xF7A, s1;
	s8 =	simm.s32 @!p0 $0x1BF5;
	p2 =	por !p2, p0  }
0x20: {  	[sflag:s8] =	ssyncset.s32 @!p0 $0xFFFFF086;
	s6 =	sadd.s32 @!p0 s3, s7;
	s7 =	simm.s32 @!p0 $0x108  }
0x21: {  	s3 =	sadd.s32 s3, s9;
	s6 =	sadd.s32 @!p0 $0x88, s6;
	s7 =	simm.s32 @p2 $0x1082  }
0x22: {  	[simem:s7], [sflag:s8] =	dma.local @!p0 [hbm:s6], $0xF7A  }
0x23: {  	s9 =	sor.u32 $0xD0000000, s2;
	s6 =	simm.s32 $0x108;
	_ =	swait.ge @!p0 [sflag:s8], $0x0  }
0x24: {  	s3 =	sadd.s32 $0x88, s3;
	s6 =	simm.s32 @!p1 $0x1082;
	[sflag:s4] =	ssyncset.s32 $0xFFFFF086  }
0x25: {  	[simem:s6], [sflag:s4] =	dma.local [hbm:s3], $0xF7A  }
0x26: {  	[smem:$0x3F96] =	sst s1;
	(tag) =	ssettag s2;
	_ =	strace s9  }
0x27: {  	s1 =	sld [smem:$0x3FA6]  }
0x28: {  	s2 =	sld [smem:$0x3FA7]  }
0x29: {  	s4 =	sld [smem:$0x3FA9]  }
0x2a: {  	p0 =	seq.s32 s5, $0x0;
	s5 =	sld [smem:$0x3FAA]  }
0x2b: {  	s6 =	sld [smem:$0x3FAB]  }
0x2c: {  	s7 =	sld [smem:$0x3FAC]  }
0x2d: {  	s3 =	simm.s32 $0x108;
	s8 =	sld [smem:$0x3FAD]  }
0x2e: {  	s3 =	simm.s32 @!p0 $0x1082;
	s9 =	sld [smem:$0x3FAE]  }
0x2f: {  	lr =	sadd.s32 s0, s3;
	s0 =	sld [smem:$0x3FA5]  }
0x30: {  	s3 =	sld [smem:$0x3FA8]  }
0x31: {  	[smem:$0x3FB1] =	sst s10  }
0x32: {  	s10 =	sld [smem:$0x3FAF];
	_ =	sdelay $0x3  }
0x33: {  	p0 =	seq.s32 s10, $0x1;
	s10 =	sld [smem:$0x3FB1];
	_ =	sdelay $0x3  }
0x34: {  	[smem:$0x3FB1] =	sst s10  }
0x35: {  	s10 =	sld [smem:$0x3FB0];
	_ =	sdelay $0x3  }
0x36: {  	p1 =	seq.s32 s10, $0x1;
	s10 =	sld [smem:$0x3FB1];
	_ =	sdelay $0x3  }
0x37: {  	[smem:$0x3FB1] =	sst s10  }
0x38: {  	s10 =	sld [smem:$0x3FB2]  }
0x39: {  	_ = 	snop;
	(pc) =	sbr.ind lr, $3  }
0x3a: {  	_ = 	snop  }
0x3b: {  	_ = 	snop  }
0x3c: {  	p2 =	seq.s32 s10, $0x1;
	s10 =	sld [smem:$0x3FB1]  }
0x3d: {  	_ =	shalt  }
0x3e: {  	_ =	shalt  }
0x3f: {  	_ =	shalt  }
0x40: {  	_ =	shalt  }
0x41: {  	_ =	shalt  }
0x42: {  	_ =	shalt  }
0x43: {  	_ =	shalt  }
0x44: {  	_ =	shalt  }
0x45: {  	_ =	shalt  }
0x46: {  	_ =	shalt  }
0x47: {  	_ =	shalt  }
0x48: {  	_ =	shalt  }
0x49: {  	_ =	shalt  }
0x4a: {  	_ =	shalt  }
0x4b: {  	_ =	shalt  }
0x4c: {  	_ =	shalt  }
0x4d: {  	_ =	shalt  }
0x4e: {  	_ =	shalt  }
0x4f: {  	_ =	shalt  }
0x50: {  	_ =	shalt  }
0x51: {  	_ =	shalt  }
0x52: {  	_ =	shalt  }
0x53: {  	_ =	shalt  }
0x54: {  	_ =	shalt  }
0x55: {  	_ =	shalt  }
0x56: {  	_ =	shalt  }
0x57: {  	_ =	shalt  }
0x58: {  	_ =	shalt  }
0x59: {  	_ =	shalt  }
0x5a: {  	_ =	shalt  }
0x5b: {  	_ =	shalt  }
0x5c: {  	_ =	shalt  }
0x5d: {  	_ =	shalt  }
0x5e: {  	_ =	shalt  }
0x5f: {  	_ =	shalt  }
0x60: {  	_ =	shalt  }
0x61: {  	_ =	shalt  }
0x62: {  	_ =	shalt  }
0x63: {  	_ =	shalt  }
0x64: {  	_ =	shalt  }
0x65: {  	_ =	shalt  }
0x66: {  	_ =	shalt  }
0x67: {  	_ =	shalt  }
0x68: {  	_ =	shalt  }
0x69: {  	_ =	shalt  }
0x6a: {  	_ =	shalt  }
0x6b: {  	_ =	shalt  }
0x6c: {  	_ =	shalt  }
0x6d: {  	_ =	shalt  }
0x6e: {  	_ =	shalt  }
0x6f: {  	_ =	shalt  }
0x70: {  	_ =	shalt  }
0x71: {  	_ =	shalt  }
0x72: {  	_ =	shalt  }
0x73: {  	_ =	shalt  }
0x74: {  	_ =	shalt  }
0x75: {  	_ =	shalt  }
0x76: {  	_ =	shalt  }
0x77: {  	_ =	shalt  }
0x78: {  	_ =	shalt  }
0x79: {  	_ =	shalt  }
0x7a: {  	_ =	shalt  }
0x7b: {  	_ =	shalt  }
0x7c: {  	_ =	shalt  }
0x7d: {  	_ =	shalt  }
0x7e: {  	_ =	shalt  }
0x7f: {  	_ =	shalt  }
0x80: {  	_ =	shalt  }
0x81: {  	_ =	shalt  }
0x82: {  	_ =	shalt  }
0x83: {  	_ =	shalt  }
0x84: {  	_ =	shalt  }
0x85: {  	_ =	shalt  }
0x86: {  	_ =	shalt  }
0x87: {  	_ =	shalt  }
.Lfunc_end0:
.L_simem_size_0:
called_computation.1_lowered:
.L_overlay_start_0:
0x88: {  	s2 =	sld [smem:$0x3FD9]  }
0x89: {  	s3 =	sld [smem:$0x3FFE];
	_ =	sdelay $0x1  }
0x8a: {  	s1 =	srdreg.scid  }
0x8b: {  	s0 =	sand.u32 $0x1, s1  }
0x8c: {  	s16 =	sshll.u32 s0, $0xA;
	s2 =	sadd.s32 s3, s2  }
0x8d: {  	s2 =	sadd.s32 s2, s16  }
0x8e: {  	[smem:$0x3FBD] =	sst s2  }
0x8f: {  	_ = 	snop  }
0x90: {  	(tm) =	ssettm $0x1  }
0x91: {  	s17 =	sld [smem:$0x3FFB];
	_ =	sdelay $0x3  }
0x92: {  	_ =	strace s17  }
0x93: {  	s2 =	sld [smem:$0x3FFC];
	_ =	sdelay $0x3  }
0x94: {  	_ =	strace s2  }
0x95: {  	s2 =	sld [smem:$0x3FFD];
	_ =	sdelay $0x3  }
0x96: {  	_ =	strace s2  }
0x97: {  	_ =	strace $0x8FFFFFFF  }
0x98: {  	s18 =	sld [smem:$0x3FDB];
	_ =	sdelay $0x1  }
0x99: {  	s19 =	simm.s32 $_scs_section_size  }
0x9a: {  	s4 =	simm.s32 $_size__tile_overlayer_lowered;
	s5 =	simm.s32 $_tile_overlayer_lowered  }
0x9b: {  	s22 =	simm.s32 $0x1BFF;
	s21 =	sshll.u32 s5, $0x1;
	s2 =	sadd.s32 s19, s18  }
0x9c: {  	s6 =	simm.s32 $0x0;
	s20 =	sshll.u32 s4, $0x1;
	s4 =	sadd.s32 s21, s2  }
0x9d: {  	[timem:s6], [sflag:s22] =	dma.local [hbm:s4], s20  }
0x9e: {  	_ =	swait.ge [sflag:s22], s20  }
0x9f: {  	s3 =	ssub.s32 $0x0, s20;
	[sflag:s22] =	ssyncset.done $0x0  }
0xa0: {  	[sflag:s22] =	ssyncadd.s32 s3;
	_ =	sdelay $0x1  }
0xa1: {  	s23 =	simm.s32 $0x1B8B  }
0xa2: {  	_ =	swait.ge [sflag:s23], $0x1  }
0xa3: {  	[sflag:s23] =	ssyncset.done $0x0  }
0xa4: {  	s25 =	simm.s32 $0x1B8E;
	s24 =	sld [smem:$0x3FFE];
	[sflag:s23] =	ssyncadd.s32 $0xFFFFFFFF  }
0xa5: {  	s26 =	simm.s32 $execute0_lowered;
	[smem:$0x3FD2] =	sst s25  }
0xa6: {  	s4 =	sshll.u32 s26, $0x1;
	_ =	strace $0x80000049;
	[dreg:$0x1] =	wrdreg $0xFFFFFFFF  }
0xa7: {  	s28 =	simm.s32 $_size_execute0_lowered;
	s2 =	sadd.s32 s2, s4;
	[dreg:$0x0] =	wrdreg $0x0  }
0xa8: {  	s4 =	sshll.u32 s28, $0x1;
	[dreg:$0x2] =	wrdreg s2  }
0xa9: {  	[dreg:$0x3] =	wrdreg s4  }
0xaa: {  	[dreg:$0x4] =	wrdreg $0xC0  }
0xab: {  	_ =	task [dreg:s6], $0x5FFFF  }
0xac: {  	[dreg:$0x1] =	wrdreg $0xFFFFFFFF  }
0xad: {  	[dreg:$0x0] =	wrdreg $0x60  }
0xae: {  	[dreg:$0x2] =	wrdreg s24  }
0xaf: {  	[dreg:$0x3] =	wrdreg $0x160800  }
0xb0: {  	[dreg:$0x4] =	wrdreg $0x9  }
0xb1: {  	_ =	task.clear_ibuf [dreg:s6], $0x5FFFF;
	_ =	strace $0x90000049  }
0xb2: {  	s29 =	simm.s32 $0x9;
	_ =	strace $0x8000004B  }
0xb3: {  	_ =	swait.ge [sflag:s29], $0x1  }
0xb4: {  	[sflag:s29] =	ssyncadd.s32 $0xFFFFFFFF  }
0xb5: {  	_ =	strace $0x9000004B  }
0xb6: {  	_ =	sfence  }
0xb7: {  	s30 =	sld [smem:$0x0];
	_ =	sdelay $0x2  }
0xb8: {  	s31 =	sshll.u32 s1, $0xD;
	s1 =	sshrl.u32 s1, $0x2  }
0xb9: {  	s3 =	sand.u32 $0x4000, s31;
	s1 =	sadd.s32 s1, s30  }
0xba: {  	s0 =	sor.u32 s3, s0;
	s1 =	sshll.u32 s1, $0x11  }
0xbb: {  	s0 =	sor.u32 s1, s0  }
0xbc: {  	s0 =	sadd.s32 $0x8F2B, s0  }
0xbd: {  	[sflag:s0] =	ssyncadd.remote.s32 $0x1  }
0xbe: {  	_ =	sfence.sel $0xFFFF  }
0xbf: {  	[dreg:$0x0] =	wrdreg $0xFFFFFFFF;
	(pc) =	sbr.abs _section_cstart, $3  }
0xc0: {  	[dreg:$0x1] =	wrdreg $0xFFFFFFFF  }
0xc1: {  	_ =	task.clear_ibuf [dreg:s6], $0x2FFFF;
	_ =	strace $0x9FFFFFFF  }
0xc2: {  	(tm) =	ssettm $0x7FFFFFFF  }
0xc3: {  	_ =	shalt  }
tec
execute0_lowered:
.L_overlay_start_1:
0x0: {  	(tag) =	ssettag $0x1  }
0x1: {  	s1 =	srdreg.scid;
	s6 =	rddreg [dreg:$0x0]  }
0x2: {  	s0 =	stileid.u32;
	s2 =	rddreg [dreg:$0x1];
	s3 =	simm.s32 $0x0  }
0x3: {  	s13 =	simm.s32 $0x4E20;
	s14 =	simm.s32 $0x50;
	s15 =	simm.s32 $0x9C40  }
0x4: {  	s16 =	simm.s32 $0xB040;
	s17 =	simm.s32 $0x1;
	s18 =	simm.s32 $0x2  }
0x5: {  	s19 =	simm.s32 $0x4DD0;
	s20 =	simm.s32 $0x9BA0;
	s21 =	simm.s32 $0x9BF0  }
0x6: {  	s22 =	simm.s32 $0x40;
	s23 =	simm.s32 $0x80;
	s5 =	smul.u32 $0x4E20, s0  }
0x7: {  	s7 =	sand.u32 $0x1, s1;
	s1 =	rddreg [dreg:$0x2];
	s9 =	smul.u32 $0x13880, s0  }
0x8: {  	s24 =	simm.s32 $0x0;
	[smem:$0x7FF] =	sst s3;
	s12 =	smul.u32 $0x27100, s0  }
0x9: {  	s4 =	smul.u32 $0x4E200, s7;
	s11 =	sshll.u32 s7, $0x6;
	s7 =	ssub.s32 $0x2, s7  }
0xa: {  	_ =	strace $0x8000004A;
	s9 =	sor.u32 s11, s9;
	s31 =	sshrl.u32 s7, $0x1  }
0xb: {  	s12 =	sshrl.u32 s12, $0x2;
	s8 =	sadd.s32 s5, s4;
	s4 =	sadd.s32 $0x3AE00, s6  }
0xc: {  	s5 =	sshrl.u32 s5, $0x3;
	s9 =	sshrl.u32 s9, $0x3;
	s11 =	ssub.s32 s7, s31  }
0xd: {  	s8 =	sshrl.u32 s8, $0x3;
	s10 =	sadd.s32 s5, s6;
	s5 =	sadd.s32 $0xE600, s6  }
0xe: {  	s9 =	sadd.s32 s9, s6;
	s8 =	sadd.s32 s8, s6;
	s6 =	sadd.s32 s12, s2  }
0xf: {  	s9 =	sadd.s32 $0x62000, s9;
	s12 =	simm.s32 $0x3;
	s7 =	sadd.s32 $0x27400, s8  }
0x10: {  	s8 =	sadd.s32 $0x4800, s10;
	s10 =	smax.u32 s11, $0x1;
	s11 =	simm.s32 $0xC440  }
.LBB2_1:
0x11: {  	[tilespmem:s11], [sflag:$0x3] =	stream.linear.gather [hbm4b:s5+s3], $0x9C40, $0x38;
	[tilespmem:$0x1FCC0] =	vst v63  }
0x12: {  	_ =	swait.ge [sflag:s12], $0x9C40  }
0x13: {  	[sflag:s12] =	ssyncset.done $0x0  }
0x14: {  	[sflag:s12] =	ssyncadd.s32 $0xFFFF63C0  }
0x15: {  	[spmem:s6] =	stream.linear.scatter [tilespmem:s11], [sflag:$0x3], $0x9C40, $0x38;
	[tilespmem:$0x1FCC0] =	vst v63  }
0x16: {  	_ =	swait.ge [sflag:s12], $0x9C40  }
0x17: {  	[sflag:s12] =	ssyncset.done $0x0  }
0x18: {  	[sflag:s12] =	ssyncadd.s32 $0xFFFF63C0  }
0x19: {  	[tilespmem:s3], [sflag:$0x3] =	stream.linear.gather [hbm4b:s7+s3], $0x4E20, $0x38;
	[tilespmem:$0x1FCC0] =	vst v63  }
0x1a: {  	_ =	swait.ge [sflag:s12], $0x4E20  }
0x1b: {  	[sflag:s12] =	ssyncset.done $0x0  }
0x1c: {  	[sflag:s12] =	ssyncadd.s32 $0xFFFFB1E0  }
0x1d: {  	[tilespmem:s13], [sflag:$0x3] =	stream.linear.gather [hbm4b:s8+s3], $0x4E20, $0x38;
	[tilespmem:$0x1FCC0] =	vst v63  }
0x1e: {  	_ =	swait.ge [sflag:s12], $0x4E20  }
0x1f: {  	[sflag:s12] =	ssyncset.done $0x0  }
0x20: {  	[sflag:s12] =	ssyncadd.s32 $0xFFFFB1E0  }
0x21: {  	[tilespmem:s15], [sflag:$0x1] =	stream.indirect.gather [hbm4b:s4+s14], $0x40, s3, s14, $0xb8;
	[tilespmem:$0x1FCC0] =	vst v63  }
0x22: {  	s25 =	simm.s32 $0x50;
	[bflag:$0x0] =	sbarrier.arrive $0xFFFF  }
0x23: {  	[tilespmem:s16], [sflag:$0x2] =	stream.indirect.gather [hbm4b:s4+s14], $0x40, s25, s14, $0xb8;
	[tilespmem:$0x1FCC0] =	vst v63  }
0x24: {  	_ =	swait.ge [sflag:s17], $0x1400  }
0x25: {  	[sflag:s17] =	ssyncset.done $0x0  }
0x26: {  	s29 =	simm.s32 $0x4E20;
	[sflag:s17] =	ssyncadd.s32 $0xFFFFEC00  }
0x27: {  	[spmem:s2] =	stream.indirect.scatter.add.f32 [tilespmem:s15], [sflag:$0x3], $0x40, s29, s14, $0xb8;
	[tilespmem:$0x1FCC0] =	vst v63  }
0x28: {  	_ =	swait.ge [sflag:s12], $0x1400  }
0x29: {  	[sflag:s12] =	ssyncset.done $0x0  }
0x2a: {  	s30 =	simm.s32 $0xA0;
	[sflag:s12] =	ssyncadd.s32 $0xFFFFEC00  }
0x2b: {  	[tilespmem:s15], [sflag:$0x1] =	stream.indirect.gather [hbm4b:s4+s14], $0x40, s30, s14, $0xb8;
	[tilespmem:$0x1FCC0] =	vst v63  }
0x2c: {  	_ =	swait.ge [sflag:s18], $0x1400  }
0x2d: {  	[sflag:s18] =	ssyncset.done $0x0  }
0x2e: {  	s31 =	simm.s32 $0x4E70;
	[sflag:s18] =	ssyncadd.s32 $0xFFFFEC00  }
0x2f: {  	[spmem:s2] =	stream.indirect.scatter.add.f32 [tilespmem:s16], [sflag:$0x3], $0x40, s31, s14, $0xb8;
	[tilespmem:$0x1FCC0] =	vst v63  }
0x30: {  	_ =	swait.ge [sflag:s12], $0x1400  }
0x31: {  	s26 =	simm.s32 $0x500;
	s25 =	simm.s32 $0xA0;
	[sflag:s12] =	ssyncset.done $0x0  }
.LBB2_2:
0x32: {  	s28 =	sadd.s32 $0x50, s25  }
0x33: {  	[sflag:s12] =	ssyncadd.s32 $0xFFFFEC00;
	s29 =	smov.u32 s26;
	s30 =	sadd.s32 $0x280, s26  }
0x34: {  	[tilespmem:s16], [sflag:$0x2] =	stream.indirect.gather [hbm4b:s4+s14], $0x40, s28, s14, $0xb8;
	[tilespmem:$0x1FCC0] =	vst v63  }
0x35: {  	p0 =	sne.s32 s26, $0x13380;
	_ =	swait.ge [sflag:s17], $0x1400  }
0x36: {  	[sflag:s17] =	ssyncset.done $0x0  }
0x37: {  	s26 =	sadd.s32 $0x4E20, s25;
	[sflag:s17] =	ssyncadd.s32 $0xFFFFEC00  }
0x38: {  	[spmem:s2] =	stream.indirect.scatter.add.f32 [tilespmem:s15], [sflag:$0x3], $0x40, s26, s14, $0xb8;
	[tilespmem:$0x1FCC0] =	vst v63  }
0x39: {  	_ =	swait.ge [sflag:s12], $0x1400  }
0x3a: {  	[sflag:s12] =	ssyncset.done $0x0  }
0x3b: {  	s26 =	sadd.s32 $0xA0, s25;
	[sflag:s12] =	ssyncadd.s32 $0xFFFFEC00  }
0x3c: {  	[tilespmem:s15], [sflag:$0x1] =	stream.indirect.gather [hbm4b:s4+s14], $0x40, s26, s14, $0xb8;
	[tilespmem:$0x1FCC0] =	vst v63  }
0x3d: {  	_ =	swait.ge [sflag:s18], $0x1400  }
.Ltmp0:
0x3e: {  	[sflag:s18] =	ssyncset.done $0x0;
	(pc) =	sbr.rel @p0 .LBB2_2-.Ltmp0, $4  }
0x3f: {  	s25 =	sadd.s32 $0x4E70, s25;
	[sflag:s18] =	ssyncadd.s32 $0xFFFFEC00  }
0x40: {  	[spmem:s2] =	stream.indirect.scatter.add.f32 [tilespmem:s16], [sflag:$0x3], $0x40, s25, s14, $0xb8;
	[tilespmem:$0x1FCC0] =	vst v63  }
0x41: {  	_ =	swait.ge [sflag:s12], $0x1400  }
0x42: {  	s26 =	smov.u32 s30;
	s25 =	sshra.s32 s29, $0x2;
	[sflag:s12] =	ssyncset.done $0x0  }
0x43: {  	s26 =	sadd.s32 $0x50, s25;
	[sflag:s12] =	ssyncadd.s32 $0xFFFFEC00  }
0x44: {  	[tilespmem:s16], [sflag:$0x2] =	stream.indirect.gather [hbm4b:s4+s14], $0x40, s26, s14, $0xb8;
	[tilespmem:$0x1FCC0] =	vst v63  }
0x45: {  	_ =	swait.ge [sflag:s17], $0x1400  }
0x46: {  	[sflag:s17] =	ssyncset.done $0x0  }
0x47: {  	s29 =	sadd.s32 $0x4E20, s25;
	[sflag:s17] =	ssyncadd.s32 $0xFFFFEC00  }
0x48: {  	[spmem:s2] =	stream.indirect.scatter.add.f32 [tilespmem:s15], [sflag:$0x3], $0x40, s29, s14, $0xb8;
	[tilespmem:$0x1FCC0] =	vst v63  }
0x49: {  	_ =	swait.ge [sflag:s12], $0x1400  }
0x4a: {  	[sflag:s12] =	ssyncset.done $0x0  }
0x4b: {  	s30 =	sadd.s32 $0xA0, s25;
	[sflag:s12] =	ssyncadd.s32 $0xFFFFEC00  }
0x4c: {  	[tilespmem:s15], [sflag:$0x1] =	stream.indirect.gather [hbm4b:s4+s14], $0x40, s30, s14, $0xb8;
	[tilespmem:$0x1FCC0] =	vst v63  }
0x4d: {  	_ =	swait.ge [sflag:s18], $0x1400  }
0x4e: {  	[sflag:s18] =	ssyncset.done $0x0  }
0x4f: {  	s31 =	sadd.s32 $0x4E70, s25;
	[sflag:s18] =	ssyncadd.s32 $0xFFFFEC00  }
0x50: {  	[spmem:s2] =	stream.indirect.scatter.add.f32 [tilespmem:s16], [sflag:$0x3], $0x40, s31, s14, $0xb8;
	[tilespmem:$0x1FCC0] =	vst v63  }
0x51: {  	_ =	swait.ge [sflag:s12], $0x1400  }
0x52: {  	[sflag:s12] =	ssyncset.done $0x0  }
0x53: {  	[sflag:s12] =	ssyncadd.s32 $0xFFFFEC00  }
0x54: {  	[tilespmem:s16], [sflag:$0x2] =	stream.indirect.gather [hbm4b:s4+s14], $0x40, s19, s14, $0xb8;
	[tilespmem:$0x1FCC0] =	vst v63  }
0x55: {  	_ =	swait.ge [sflag:s17], $0x1400  }
0x56: {  	[sflag:s17] =	ssyncset.done $0x0  }
0x57: {  	[sflag:s17] =	ssyncadd.s32 $0xFFFFEC00  }
0x58: {  	[spmem:s2] =	stream.indirect.scatter.add.f32 [tilespmem:s15], [sflag:$0x3], $0x40, s20, s14, $0xb8;
	[tilespmem:$0x1FCC0] =	vst v63  }
0x59: {  	_ =	swait.ge [sflag:s12], $0x1400  }
0x5a: {  	[sflag:s12] =	ssyncset.done $0x0  }
0x5b: {  	[sflag:s12] =	ssyncadd.s32 $0xFFFFEC00  }
0x5c: {  	[tilespmem:s15], [sflag:$0x1] =	stream.indirect.gather [hbm4b:s4+s14], $0x40, s19, s14, $0xb8;
	[tilespmem:$0x1FCC0] =	vst v63  }
0x5d: {  	_ =	swait.ge [sflag:s18], $0x1400  }
0x5e: {  	[sflag:s18] =	ssyncset.done $0x0  }
0x5f: {  	[sflag:s18] =	ssyncadd.s32 $0xFFFFEC00  }
0x60: {  	[spmem:s2] =	stream.indirect.scatter.add.f32 [tilespmem:s16], [sflag:$0x3], $0x40, s21, s14, $0xb8;
	[tilespmem:$0x1FCC0] =	vst v63  }
0x61: {  	_ =	swait.ge [sflag:s12], $0x1400  }
0x62: {  	[sflag:s12] =	ssyncset.done $0x0  }
0x63: {  	[sflag:s12] =	ssyncadd.s32 $0xFFFFEC00  }
0x64: {  	_ =	swait.ge [sflag:s17], $0x1400  }
0x65: {  	[sflag:s17] =	ssyncset.done $0x0  }
0x66: {  	[sflag:s17] =	ssyncadd.s32 $0xFFFFEC00  }
0x67: {  	[bflag:$0x0] =	sbarrier.arrive $0xFFFF  }
0x68: {  	[tilespmem:s11], [sflag:$0x3] =	stream.linear.gather [spmem:s6], $0x9C40, $0x38;
	[tilespmem:$0x1FCC0] =	vst v63  }
0x69: {  	s24 =	sadd.s32 $0x1, s24;
	_ =	swait.ge [sflag:s12], $0x9C40  }
0x6a: {  	p0 =	sne.s32 s24, s10;
	[sflag:s12] =	ssyncset.done $0x0  }
.Ltmp1:
0x6b: {  	[sflag:s12] =	ssyncadd.s32 $0xFFFF63C0;
	(pc) =	sbr.rel @p0 .LBB2_1-.Ltmp1, $4  }
0x6c: {  	[hbm4b:s9+s22] =	stream.strided.scatter [tilespmem:s11], [sflag:$0x3], $0x9C40, s23, s22, $0x38;
	[tilespmem:$0x1FCC0] =	vst v63  }
0x6d: {  	_ =	swait.ge [sflag:s12], $0x9C40  }
0x6e: {  	[sflag:s12] =	ssyncset.done $0x0  }
0x6f: {  	[sflag:s12] =	ssyncadd.s32 $0xFFFF63C0  }
0x70: {  	_ =	sfence.sel $0x180000  }
0x71: {  	[bflag:$0x0] =	sbarrier.arrive $0xFFFF  }
0x72: {  	p0 =	sne.s32 s0, $0x0;
	_ =	strace $0x9000004A  }
0x73: {  	s0 =	sadd.s32 @!p0 $0x100000, s1;
	[bflag:$0x2] =	sbarrier.arrive $0xFFFF  }
0x74: {  	[sflag:s0] =	ssyncadd.tile.s32 @!p0 $0x1;
	_ =	shalt  }
.Lfunc_end2:
_tile_overlayer_lowered:
.L_overlay_start_2:
0x75: {  	(tag) =	ssettag $0x2  }
0x76: {  	s0 =	rddreg [dreg:$0x0];
	s2 =	stileid.u32  }
0x77: {  	s1 =	rddreg [dreg:$0x1];
	p0 =	sne.s32 s2, $0x0  }
0x78: {  	s3 =	rddreg [dreg:$0x2];
	[bflag:$0x3] =	sbarrier.arrive $0xFFFF;
	s2 =	simm.s32 @!p0 $0x1C03  }
0x79: {  	[timem:s3], [sflag:s2] =	dma.local @!p0 [hbm:s0], s1  }
0x7a: {  	s0 =	simm.s32 @!p0 $0x3  }
0x7b: {  	_ =	swait.ge @!p0 [sflag:s0], s1  }
0x7c: {  	s1 =	ssub.s32 @!p0 $0x0, s1;
	[sflag:s0] =	ssyncset.done @!p0 $0x0  }
0x7d: {  	[sflag:s0] =	ssyncadd.s32 @!p0 s1  }
0x7e: {  	[bflag:$0x3] =	sbarrier.arrive $0xFFFF  }
0x7f: {  	_ =	shalt  }

// kernel: kernel.16.cloned.1.call-start
scs
__scs_entry_jumppad:
0x0: {  	(pc) =	sbr.rel $0x88, $3  }
0x1: {  	(tag) =	ssettag $0x0;
	lr =	simm.s32 $0x1  }
0x2: {  	[smem:$0x3F96] =	sst lr;
	_ =	strace $0xD0000000  }
0x3: {  	_ = 	snop  }
0x4: {  	_ = 	snop  }
0x5: {  	_ = 	snop  }
0x6: {  	_ = 	snop  }
0x7: {  	_ = 	snop  }
__scs_overlays_trampoline_lowered:
0x8: {  	[smem:$0x3FA5] =	sst s0  }
0x9: {  	[smem:$0x3FA6] =	sst s1  }
0xa: {  	[smem:$0x3FA7] =	sst s2  }
0xb: {  	[smem:$0x3FA8] =	sst s3  }
0xc: {  	[smem:$0x3FA9] =	sst s4  }
0xd: {  	[smem:$0x3FAA] =	sst s5  }
0xe: {  	[smem:$0x3FAB] =	sst s6  }
0xf: {  	[smem:$0x3FAC] =	sst s7  }
0x10: {  	[smem:$0x3FAD] =	sst s8  }
0x11: {  	[smem:$0x3FAE] =	sst s9;
	s0 =	simm.s32 @!p0 $0x0  }
0x12: {  	s1 =	sld [smem:$0x3F94];
	s0 =	simm.s32 @p0 $0x1  }
0x13: {  	[smem:$0x3FAF] =	sst s0;
	s0 =	simm.s32 @!p1 $0x0  }
0x14: {  	s2 =	sld [smem:$0x3F93];
	s0 =	simm.s32 @p1 $0x1  }
0x15: {  	[smem:$0x3FB0] =	sst s0;
	s0 =	simm.s32 @!p2 $0x0  }
0x16: {  	s3 =	sld [smem:$0x3FDB];
	s0 =	simm.s32 @p2 $0x1  }
0x17: {  	s4 =	simm.s32 $0x1BF5;
	[smem:$0x3FB2] =	sst s0  }
0x18: {  	s0 =	sld [smem:$0x3F95];
	_ =	swait.ge [sflag:s4], $0x0  }
0x19: {  	s7 =	sld [smem:$0x3F96]  }
0x1a: {  	s8 =	sadd.s32 $0xFFFFE003, lr  }
0x1b: {  	s9 =	sadd.s32 $0xFFFFFEF7, lr;
	s5 =	simm.s32 $0xFFFFFFFF;
	p2 =	slt.u32 s8, $0xFFFFF086  }
0x1c: {  	p1 =	slt.u32 s9, $0xF7A;
	s5 =	simm.s32 @!p2 $0x0  }
0x1d: {  	s5 =	simm.s32 @p1 $0x1;
	p0 =	seq.s32 s7, s2  }
0x1e: {  	s7 =	smul.u32 @!p0 $0xF7A, s2;
	p2 =	seq.s32 @!p0 s5, $0x0  }
0x1f: {  	s9 =	smul.u32 $0xF7A, s1;
	s8 =	simm.s32 @!p0 $0x1BF5;
	p2 =	por !p2, p0  }
0x20: {  	[sflag:s8] =	ssyncset.s32 @!p0 $0xFFFFF086;
	s6 =	sadd.s32 @!p0 s3, s7;
	s7 =	simm.s32 @!p0 $0x108  }
0x21: {  	s3 =	sadd.s32 s3, s9;
	s6 =	sadd.s32 @!p0 $0x88, s6;
	s7 =	simm.s32 @p2 $0x1082  }
0x22: {  	[simem:s7], [sflag:s8] =	dma.local @!p0 [hbm:s6], $0xF7A  }
0x23: {  	s9 =	sor.u32 $0xD0000000, s2;
	s6 =	simm.s32 $0x108;
	_ =	swait.ge @!p0 [sflag:s8], $0x0  }
0x24: {  	s3 =	sadd.s32 $0x88, s3;
	s6 =	simm.s32 @!p1 $0x1082;
	[sflag:s4] =	ssyncset.s32 $0xFFFFF086  }
0x25: {  	[simem:s6], [sflag:s4] =	dma.local [hbm:s3], $0xF7A  }
0x26: {  	[smem:$0x3F96] =	sst s1;
	(tag) =	ssettag s2;
	_ =	strace s9  }
0x27: {  	s1 =	sld [smem:$0x3FA6]  }
0x28: {  	s2 =	sld [smem:$0x3FA7]  }
0x29: {  	s4 =	sld [smem:$0x3FA9]  }
0x2a: {  	p0 =	seq.s32 s5, $0x0;
	s5 =	sld [smem:$0x3FAA]  }
0x2b: {  	s6 =	sld [smem:$0x3FAB]  }
0x2c: {  	s7 =	sld [smem:$0x3FAC]  }
0x2d: {  	s3 =	simm.s32 $0x108;
	s8 =	sld [smem:$0x3FAD]  }
0x2e: {  	s3 =	simm.s32 @!p0 $0x1082;
	s9 =	sld [smem:$0x3FAE]  }
0x2f: {  	lr =	sadd.s32 s0, s3;
	s0 =	sld [smem:$0x3FA5]  }
0x30: {  	s3 =	sld [smem:$0x3FA8]  }
0x31: {  	[smem:$0x3FB1] =	sst s10  }
0x32: {  	s10 =	sld [smem:$0x3FAF];
	_ =	sdelay $0x3  }
0x33: {  	p0 =	seq.s32 s10, $0x1;
	s10 =	sld [smem:$0x3FB1];
	_ =	sdelay $0x3  }
0x34: {  	[smem:$0x3FB1] =	sst s10  }
0x35: {  	s10 =	sld [smem:$0x3FB0];
	_ =	sdelay $0x3  }
0x36: {  	p1 =	seq.s32 s10, $0x1;
	s10 =	sld [smem:$0x3FB1];
	_ =	sdelay $0x3  }
0x37: {  	[smem:$0x3FB1] =	sst s10  }
0x38: {  	s10 =	sld [smem:$0x3FB2]  }
0x39: {  	_ = 	snop;
	(pc) =	sbr.ind lr, $3  }
0x3a: {  	_ = 	snop  }
0x3b: {  	_ = 	snop  }
0x3c: {  	p2 =	seq.s32 s10, $0x1;
	s10 =	sld [smem:$0x3FB1]  }
0x3d: {  	_ =	shalt  }
0x3e: {  	_ =	shalt  }
0x3f: {  	_ =	shalt  }
0x40: {  	_ =	shalt  }
0x41: {  	_ =	shalt  }
0x42: {  	_ =	shalt  }
0x43: {  	_ =	shalt  }
0x44: {  	_ =	shalt  }
0x45: {  	_ =	shalt  }
0x46: {  	_ =	shalt  }
0x47: {  	_ =	shalt  }
0x48: {  	_ =	shalt  }
0x49: {  	_ =	shalt  }
0x4a: {  	_ =	shalt  }
0x4b: {  	_ =	shalt  }
0x4c: {  	_ =	shalt  }
0x4d: {  	_ =	shalt  }
0x4e: {  	_ =	shalt  }
0x4f: {  	_ =	shalt  }
0x50: {  	_ =	shalt  }
0x51: {  	_ =	shalt  }
0x52: {  	_ =	shalt  }
0x53: {  	_ =	shalt  }
0x54: {  	_ =	shalt  }
0x55: {  	_ =	shalt  }
0x56: {  	_ =	shalt  }
0x57: {  	_ =	shalt  }
0x58: {  	_ =	shalt  }
0x59: {  	_ =	shalt  }
0x5a: {  	_ =	shalt  }
0x5b: {  	_ =	shalt  }
0x5c: {  	_ =	shalt  }
0x5d: {  	_ =	shalt  }
0x5e: {  	_ =	shalt  }
0x5f: {  	_ =	shalt  }
0x60: {  	_ =	shalt  }
0x61: {  	_ =	shalt  }
0x62: {  	_ =	shalt  }
0x63: {  	_ =	shalt  }
0x64: {  	_ =	shalt  }
0x65: {  	_ =	shalt  }
0x66: {  	_ =	shalt  }
0x67: {  	_ =	shalt  }
0x68: {  	_ =	shalt  }
0x69: {  	_ =	shalt  }
0x6a: {  	_ =	shalt  }
0x6b: {  	_ =	shalt  }
0x6c: {  	_ =	shalt  }
0x6d: {  	_ =	shalt  }
0x6e: {  	_ =	shalt  }
0x6f: {  	_ =	shalt  }
0x70: {  	_ =	shalt  }
0x71: {  	_ =	shalt  }
0x72: {  	_ =	shalt  }
0x73: {  	_ =	shalt  }
0x74: {  	_ =	shalt  }
0x75: {  	_ =	shalt  }
0x76: {  	_ =	shalt  }
0x77: {  	_ =	shalt  }
0x78: {  	_ =	shalt  }
0x79: {  	_ =	shalt  }
0x7a: {  	_ =	shalt  }
0x7b: {  	_ =	shalt  }
0x7c: {  	_ =	shalt  }
0x7d: {  	_ =	shalt  }
0x7e: {  	_ =	shalt  }
0x7f: {  	_ =	shalt  }
0x80: {  	_ =	shalt  }
0x81: {  	_ =	shalt  }
0x82: {  	_ =	shalt  }
0x83: {  	_ =	shalt  }
0x84: {  	_ =	shalt  }
0x85: {  	_ =	shalt  }
0x86: {  	_ =	shalt  }
0x87: {  	_ =	shalt  }
.Lfunc_end0:
.L_simem_size_0:
called_computation.2_lowered:
.L_overlay_start_0:
0x88: {  	s2 =	sld [smem:$0x3FD9]  }
0x89: {  	s3 =	sld [smem:$0x3FFE];
	_ =	sdelay $0x1  }
0x8a: {  	s1 =	srdreg.scid  }
0x8b: {  	s0 =	sand.u32 $0x1, s1  }
0x8c: {  	s16 =	sshll.u32 s0, $0xA;
	s2 =	sadd.s32 s3, s2  }
0x8d: {  	s2 =	sadd.s32 s2, s16  }
0x8e: {  	[smem:$0x3FBD] =	sst s2  }
0x8f: {  	_ = 	snop  }
0x90: {  	(tm) =	ssettm $0x1  }
0x91: {  	s17 =	sld [smem:$0x3FFB];
	_ =	sdelay $0x3  }
0x92: {  	_ =	strace s17  }
0x93: {  	s2 =	sld [smem:$0x3FFC];
	_ =	sdelay $0x3  }
0x94: {  	_ =	strace s2  }
0x95: {  	s2 =	sld [smem:$0x3FFD];
	_ =	sdelay $0x3  }
0x96: {  	_ =	strace s2  }
0x97: {  	_ =	strace $0x8FFFFFFF  }
0x98: {  	s18 =	sld [smem:$0x3FDB];
	_ =	sdelay $0x1  }
0x99: {  	s19 =	simm.s32 $_scs_section_size  }
0x9a: {  	s4 =	simm.s32 $_size__tile_overlayer_lowered;
	s5 =	simm.s32 $_tile_overlayer_lowered  }
0x9b: {  	s22 =	simm.s32 $0x1BFF;
	s21 =	sshll.u32 s5, $0x1;
	s2 =	sadd.s32 s19, s18  }
0x9c: {  	s6 =	simm.s32 $0x0;
	s20 =	sshll.u32 s4, $0x1;
	s4 =	sadd.s32 s21, s2  }
0x9d: {  	[timem:s6], [sflag:s22] =	dma.local [hbm:s4], s20  }
0x9e: {  	_ =	swait.ge [sflag:s22], s20  }
0x9f: {  	s3 =	ssub.s32 $0x0, s20;
	[sflag:s22] =	ssyncset.done $0x0  }
0xa0: {  	[sflag:s22] =	ssyncadd.s32 s3;
	_ =	sdelay $0x1  }
0xa1: {  	s23 =	simm.s32 $0x1B8B  }
0xa2: {  	_ =	swait.ge [sflag:s23], $0x1  }
0xa3: {  	[sflag:s23] =	ssyncset.done $0x0  }
0xa4: {  	s25 =	simm.s32 $0x1B8E;
	s24 =	sld [smem:$0x3FFE];
	[sflag:s23] =	ssyncadd.s32 $0xFFFFFFFF  }
0xa5: {  	s26 =	simm.s32 $execute0_lowered;
	[smem:$0x3FD2] =	sst s25  }
0xa6: {  	s4 =	sshll.u32 s26, $0x1;
	_ =	strace $0x8000004C;
	[dreg:$0x1] =	wrdreg $0xFFFFFFFF  }
0xa7: {  	s28 =	simm.s32 $_size_execute0_lowered;
	s2 =	sadd.s32 s2, s4;
	[dreg:$0x0] =	wrdreg $0x0  }
0xa8: {  	s4 =	sshll.u32 s28, $0x1;
	[dreg:$0x2] =	wrdreg s2  }
0xa9: {  	[dreg:$0x3] =	wrdreg s4  }
0xaa: {  	[dreg:$0x4] =	wrdreg $0xC0  }
0xab: {  	_ =	task [dreg:s6], $0x5FFFF  }
0xac: {  	[dreg:$0x1] =	wrdreg $0xFFFFFFFF  }
0xad: {  	[dreg:$0x0] =	wrdreg $0x60  }
0xae: {  	[dreg:$0x2] =	wrdreg s24  }
0xaf: {  	[dreg:$0x3] =	wrdreg $0x160800  }
0xb0: {  	[dreg:$0x4] =	wrdreg $0x9  }
0xb1: {  	_ =	task.clear_ibuf [dreg:s6], $0x5FFFF;
	_ =	strace $0x9000004C  }
0xb2: {  	s29 =	simm.s32 $0x9;
	_ =	strace $0x8000004E  }
0xb3: {  	_ =	swait.ge [sflag:s29], $0x1  }
0xb4: {  	[sflag:s29] =	ssyncadd.s32 $0xFFFFFFFF  }
0xb5: {  	_ =	strace $0x9000004E  }
0xb6: {  	_ =	sfence  }
0xb7: {  	s30 =	sld [smem:$0x0];
	_ =	sdelay $0x2  }
0xb8: {  	s31 =	sshll.u32 s1, $0xD;
	s1 =	sshrl.u32 s1, $0x2  }
0xb9: {  	s3 =	sand.u32 $0x4000, s31;
	s1 =	sadd.s32 s1, s30  }
0xba: {  	s0 =	sor.u32 s3, s0;
	s1 =	sshll.u32 s1, $0x11  }
0xbb: {  	s0 =	sor.u32 s1, s0  }
0xbc: {  	s0 =	sadd.s32 $0x8F2B, s0  }
0xbd: {  	[sflag:s0] =	ssyncadd.remote.s32 $0x1  }
0xbe: {  	_ =	sfence.sel $0xFFFF  }
0xbf: {  	[dreg:$0x0] =	wrdreg $0xFFFFFFFF;
	(pc) =	sbr.abs _section_cstart, $3  }
0xc0: {  	[dreg:$0x1] =	wrdreg $0xFFFFFFFF  }
0xc1: {  	_ =	task.clear_ibuf [dreg:s6], $0x2FFFF;
	_ =	strace $0x9FFFFFFF  }
0xc2: {  	(tm) =	ssettm $0x7FFFFFFF  }
0xc3: {  	_ =	shalt  }
tec
execute0_lowered:
.L_overlay_start_1:
0x0: {  	(tag) =	ssettag $0x1  }
0x1: {  	s1 =	srdreg.scid;
	s6 =	rddreg [dreg:$0x0]  }
0x2: {  	s0 =	stileid.u32;
	s2 =	rddreg [dreg:$0x1];
	s3 =	simm.s32 $0x0  }
0x3: {  	s13 =	simm.s32 $0x4E20;
	s14 =	simm.s32 $0x50;
	s15 =	simm.s32 $0x9C40  }
0x4: {  	s16 =	simm.s32 $0xB040;
	s17 =	simm.s32 $0x1;
	s18 =	simm.s32 $0x2  }
0x5: {  	s19 =	simm.s32 $0x4DD0;
	s20 =	simm.s32 $0x9BA0;
	s21 =	simm.s32 $0x9BF0  }
0x6: {  	s22 =	simm.s32 $0x40;
	s23 =	simm.s32 $0x80;
	s5 =	smul.u32 $0x4E20, s0  }
0x7: {  	s7 =	sand.u32 $0x1, s1;
	s1 =	rddreg [dreg:$0x2];
	s9 =	smul.u32 $0x13880, s0  }
0x8: {  	s24 =	simm.s32 $0x0;
	[smem:$0x7FF] =	sst s3;
	s12 =	smul.u32 $0x27100, s0  }
0x9: {  	s4 =	smul.u32 $0x4E200, s7;
	s11 =	sshll.u32 s7, $0x6;
	s7 =	ssub.s32 $0x2, s7  }
0xa: {  	_ =	strace $0x8000004D;
	s9 =	sor.u32 s11, s9;
	s31 =	sshrl.u32 s7, $0x1  }
0xb: {  	s12 =	sshrl.u32 s12, $0x2;
	s8 =	sadd.s32 s5, s4;
	s4 =	sadd.s32 $0x3AE00, s6  }
0xc: {  	s5 =	sshrl.u32 s5, $0x3;
	s9 =	sshrl.u32 s9, $0x3;
	s11 =	ssub.s32 s7, s31  }
0xd: {  	s8 =	sshrl.u32 s8, $0x3;
	s10 =	sadd.s32 s5, s6;
	s5 =	sadd.s32 $0xE600, s6  }
0xe: {  	s9 =	sadd.s32 s9, s6;
	s8 =	sadd.s32 s8, s6;
	s6 =	sadd.s32 s12, s2  }
0xf: {  	s9 =	sadd.s32 $0x62000, s9;
	s12 =	simm.s32 $0x3;
	s7 =	sadd.s32 $0x27400, s8  }
0x10: {  	s8 =	sadd.s32 $0x4800, s10;
	s10 =	smax.u32 s11, $0x1;
	s11 =	simm.s32 $0xC440  }
.LBB2_1:
0x11: {  	[tilespmem:s11], [sflag:$0x3] =	stream.linear.gather [hbm4b:s5+s3], $0x9C40, $0x38;
	[tilespmem:$0x1FCC0] =	vst v63  }
0x12: {  	_ =	swait.ge [sflag:s12], $0x9C40  }
0x13: {  	[sflag:s12] =	ssyncset.done $0x0  }
0x14: {  	[sflag:s12] =	ssyncadd.s32 $0xFFFF63C0  }
0x15: {  	[spmem:s6] =	stream.linear.scatter [tilespmem:s11], [sflag:$0x3], $0x9C40, $0x38;
	[tilespmem:$0x1FCC0] =	vst v63  }
0x16: {  	_ =	swait.ge [sflag:s12], $0x9C40  }
0x17: {  	[sflag:s12] =	ssyncset.done $0x0  }
0x18: {  	[sflag:s12] =	ssyncadd.s32 $0xFFFF63C0  }
0x19: {  	[tilespmem:s3], [sflag:$0x3] =	stream.linear.gather [hbm4b:s7+s3], $0x4E20, $0x38;
	[tilespmem:$0x1FCC0] =	vst v63  }
0x1a: {  	_ =	swait.ge [sflag:s12], $0x4E20  }
0x1b: {  	[sflag:s12] =	ssyncset.done $0x0  }
0x1c: {  	[sflag:s12] =	ssyncadd.s32 $0xFFFFB1E0  }
0x1d: {  	[tilespmem:s13], [sflag:$0x3] =	stream.linear.gather [hbm4b:s8+s3], $0x4E20, $0x38;
	[tilespmem:$0x1FCC0] =	vst v63  }
0x1e: {  	_ =	swait.ge [sflag:s12], $0x4E20  }
0x1f: {  	[sflag:s12] =	ssyncset.done $0x0  }
0x20: {  	[sflag:s12] =	ssyncadd.s32 $0xFFFFB1E0  }
0x21: {  	[tilespmem:s15], [sflag:$0x1] =	stream.indirect.gather [hbm4b:s4+s14], $0x40, s3, s14, $0xb8;
	[tilespmem:$0x1FCC0] =	vst v63  }
0x22: {  	s25 =	simm.s32 $0x50;
	[bflag:$0x0] =	sbarrier.arrive $0xFFFF  }
0x23: {  	[tilespmem:s16], [sflag:$0x2] =	stream.indirect.gather [hbm4b:s4+s14], $0x40, s25, s14, $0xb8;
	[tilespmem:$0x1FCC0] =	vst v63  }
0x24: {  	_ =	swait.ge [sflag:s17], $0x1400  }
0x25: {  	[sflag:s17] =	ssyncset.done $0x0  }
0x26: {  	s29 =	simm.s32 $0x4E20;
	[sflag:s17] =	ssyncadd.s32 $0xFFFFEC00  }
0x27: {  	[spmem:s2] =	stream.indirect.scatter.add.f32 [tilespmem:s15], [sflag:$0x3], $0x40, s29, s14, $0xb8;
	[tilespmem:$0x1FCC0] =	vst v63  }
0x28: {  	_ =	swait.ge [sflag:s12], $0x1400  }
0x29: {  	[sflag:s12] =	ssyncset.done $0x0  }
0x2a: {  	s30 =	simm.s32 $0xA0;
	[sflag:s12] =	ssyncadd.s32 $0xFFFFEC00  }
0x2b: {  	[tilespmem:s15], [sflag:$0x1] =	stream.indirect.gather [hbm4b:s4+s14], $0x40, s30, s14, $0xb8;
	[tilespmem:$0x1FCC0] =	vst v63  }
0x2c: {  	_ =	swait.ge [sflag:s18], $0x1400  }
0x2d: {  	[sflag:s18] =	ssyncset.done $0x0  }
0x2e: {  	s31 =	simm.s32 $0x4E70;
	[sflag:s18] =	ssyncadd.s32 $0xFFFFEC00  }
0x2f: {  	[spmem:s2] =	stream.indirect.scatter.add.f32 [tilespmem:s16], [sflag:$0x3], $0x40, s31, s14, $0xb8;
	[tilespmem:$0x1FCC0] =	vst v63  }
0x30: {  	_ =	swait.ge [sflag:s12], $0x1400  }
0x31: {  	s26 =	simm.s32 $0x500;
	s25 =	simm.s32 $0xA0;
	[sflag:s12] =	ssyncset.done $0x0  }
.LBB2_2:
0x32: {  	s28 =	sadd.s32 $0x50, s25  }
0x33: {  	[sflag:s12] =	ssyncadd.s32 $0xFFFFEC00;
	s29 =	smov.u32 s26;
	s30 =	sadd.s32 $0x280, s26  }
0x34: {  	[tilespmem:s16], [sflag:$0x2] =	stream.indirect.gather [hbm4b:s4+s14], $0x40, s28, s14, $0xb8;
	[tilespmem:$0x1FCC0] =	vst v63  }
0x35: {  	p0 =	sne.s32 s26, $0x13380;
	_ =	swait.ge [sflag:s17], $0x1400  }
0x36: {  	[sflag:s17] =	ssyncset.done $0x0  }
0x37: {  	s26 =	sadd.s32 $0x4E20, s25;
	[sflag:s17] =	ssyncadd.s32 $0xFFFFEC00  }
0x38: {  	[spmem:s2] =	stream.indirect.scatter.add.f32 [tilespmem:s15], [sflag:$0x3], $0x40, s26, s14, $0xb8;
	[tilespmem:$0x1FCC0] =	vst v63  }
0x39: {  	_ =	swait.ge [sflag:s12], $0x1400  }
0x3a: {  	[sflag:s12] =	ssyncset.done $0x0  }
0x3b: {  	s26 =	sadd.s32 $0xA0, s25;
	[sflag:s12] =	ssyncadd.s32 $0xFFFFEC00  }
0x3c: {  	[tilespmem:s15], [sflag:$0x1] =	stream.indirect.gather [hbm4b:s4+s14], $0x40, s26, s14, $0xb8;
	[tilespmem:$0x1FCC0] =	vst v63  }
0x3d: {  	_ =	swait.ge [sflag:s18], $0x1400  }
.Ltmp0:
0x3e: {  	[sflag:s18] =	ssyncset.done $0x0;
	(pc) =	sbr.rel @p0 .LBB2_2-.Ltmp0, $4  }
0x3f: {  	s25 =	sadd.s32 $0x4E70, s25;
	[sflag:s18] =	ssyncadd.s32 $0xFFFFEC00  }
0x40: {  	[spmem:s2] =	stream.indirect.scatter.add.f32 [tilespmem:s16], [sflag:$0x3], $0x40, s25, s14, $0xb8;
	[tilespmem:$0x1FCC0] =	vst v63  }
0x41: {  	_ =	swait.ge [sflag:s12], $0x1400  }
0x42: {  	s26 =	smov.u32 s30;
	s25 =	sshra.s32 s29, $0x2;
	[sflag:s12] =	ssyncset.done $0x0  }
0x43: {  	s26 =	sadd.s32 $0x50, s25;
	[sflag:s12] =	ssyncadd.s32 $0xFFFFEC00  }
0x44: {  	[tilespmem:s16], [sflag:$0x2] =	stream.indirect.gather [hbm4b:s4+s14], $0x40, s26, s14, $0xb8;
	[tilespmem:$0x1FCC0] =	vst v63  }
0x45: {  	_ =	swait.ge [sflag:s17], $0x1400  }
0x46: {  	[sflag:s17] =	ssyncset.done $0x0  }
0x47: {  	s29 =	sadd.s32 $0x4E20, s25;
	[sflag:s17] =	ssyncadd.s32 $0xFFFFEC00  }
0x48: {  	[spmem:s2] =	stream.indirect.scatter.add.f32 [tilespmem:s15], [sflag:$0x3], $0x40, s29, s14, $0xb8;
	[tilespmem:$0x1FCC0] =	vst v63  }
0x49: {  	_ =	swait.ge [sflag:s12], $0x1400  }
0x4a: {  	[sflag:s12] =	ssyncset.done $0x0  }
0x4b: {  	s30 =	sadd.s32 $0xA0, s25;
	[sflag:s12] =	ssyncadd.s32 $0xFFFFEC00  }
0x4c: {  	[tilespmem:s15], [sflag:$0x1] =	stream.indirect.gather [hbm4b:s4+s14], $0x40, s30, s14, $0xb8;
	[tilespmem:$0x1FCC0] =	vst v63  }
0x4d: {  	_ =	swait.ge [sflag:s18], $0x1400  }
0x4e: {  	[sflag:s18] =	ssyncset.done $0x0  }
0x4f: {  	s31 =	sadd.s32 $0x4E70, s25;
	[sflag:s18] =	ssyncadd.s32 $0xFFFFEC00  }
0x50: {  	[spmem:s2] =	stream.indirect.scatter.add.f32 [tilespmem:s16], [sflag:$0x3], $0x40, s31, s14, $0xb8;
	[tilespmem:$0x1FCC0] =	vst v63  }
0x51: {  	_ =	swait.ge [sflag:s12], $0x1400  }
0x52: {  	[sflag:s12] =	ssyncset.done $0x0  }
0x53: {  	[sflag:s12] =	ssyncadd.s32 $0xFFFFEC00  }
0x54: {  	[tilespmem:s16], [sflag:$0x2] =	stream.indirect.gather [hbm4b:s4+s14], $0x40, s19, s14, $0xb8;
	[tilespmem:$0x1FCC0] =	vst v63  }
0x55: {  	_ =	swait.ge [sflag:s17], $0x1400  }
0x56: {  	[sflag:s17] =	ssyncset.done $0x0  }
0x57: {  	[sflag:s17] =	ssyncadd.s32 $0xFFFFEC00  }
0x58: {  	[spmem:s2] =	stream.indirect.scatter.add.f32 [tilespmem:s15], [sflag:$0x3], $0x40, s20, s14, $0xb8;
	[tilespmem:$0x1FCC0] =	vst v63  }
0x59: {  	_ =	swait.ge [sflag:s12], $0x1400  }
0x5a: {  	[sflag:s12] =	ssyncset.done $0x0  }
0x5b: {  	[sflag:s12] =	ssyncadd.s32 $0xFFFFEC00  }
0x5c: {  	[tilespmem:s15], [sflag:$0x1] =	stream.indirect.gather [hbm4b:s4+s14], $0x40, s19, s14, $0xb8;
	[tilespmem:$0x1FCC0] =	vst v63  }
0x5d: {  	_ =	swait.ge [sflag:s18], $0x1400  }
0x5e: {  	[sflag:s18] =	ssyncset.done $0x0  }
0x5f: {  	[sflag:s18] =	ssyncadd.s32 $0xFFFFEC00  }
0x60: {  	[spmem:s2] =	stream.indirect.scatter.add.f32 [tilespmem:s16], [sflag:$0x3], $0x40, s21, s14, $0xb8;
	[tilespmem:$0x1FCC0] =	vst v63  }
0x61: {  	_ =	swait.ge [sflag:s12], $0x1400  }
0x62: {  	[sflag:s12] =	ssyncset.done $0x0  }
0x63: {  	[sflag:s12] =	ssyncadd.s32 $0xFFFFEC00  }
0x64: {  	_ =	swait.ge [sflag:s17], $0x1400  }
0x65: {  	[sflag:s17] =	ssyncset.done $0x0  }
0x66: {  	[sflag:s17] =	ssyncadd.s32 $0xFFFFEC00  }
0x67: {  	[bflag:$0x0] =	sbarrier.arrive $0xFFFF  }
0x68: {  	[tilespmem:s11], [sflag:$0x3] =	stream.linear.gather [spmem:s6], $0x9C40, $0x38;
	[tilespmem:$0x1FCC0] =	vst v63  }
0x69: {  	s24 =	sadd.s32 $0x1, s24;
	_ =	swait.ge [sflag:s12], $0x9C40  }
0x6a: {  	p0 =	sne.s32 s24, s10;
	[sflag:s12] =	ssyncset.done $0x0  }
.Ltmp1:
0x6b: {  	[sflag:s12] =	ssyncadd.s32 $0xFFFF63C0;
	(pc) =	sbr.rel @p0 .LBB2_1-.Ltmp1, $4  }
0x6c: {  	[hbm4b:s9+s22] =	stream.strided.scatter [tilespmem:s11], [sflag:$0x3], $0x9C40, s23, s22, $0x38;
	[tilespmem:$0x1FCC0] =	vst v63  }
0x6d: {  	_ =	swait.ge [sflag:s12], $0x9C40  }
0x6e: {  	[sflag:s12] =	ssyncset.done $0x0  }
0x6f: {  	[sflag:s12] =	ssyncadd.s32 $0xFFFF63C0  }
0x70: {  	_ =	sfence.sel $0x180000  }
0x71: {  	[bflag:$0x0] =	sbarrier.arrive $0xFFFF  }
0x72: {  	p0 =	sne.s32 s0, $0x0;
	_ =	strace $0x9000004D  }
0x73: {  	s0 =	sadd.s32 @!p0 $0x100000, s1;
	[bflag:$0x2] =	sbarrier.arrive $0xFFFF  }
0x74: {  	[sflag:s0] =	ssyncadd.tile.s32 @!p0 $0x1;
	_ =	shalt  }
.Lfunc_end2:
_tile_overlayer_lowered:
.L_overlay_start_2:
0x75: {  	(tag) =	ssettag $0x2  }
0x76: {  	s0 =	rddreg [dreg:$0x0];
	s2 =	stileid.u32  }
0x77: {  	s1 =	rddreg [dreg:$0x1];
	p0 =	sne.s32 s2, $0x0  }
0x78: {  	s3 =	rddreg [dreg:$0x2];
	[bflag:$0x3] =	sbarrier.arrive $0xFFFF;
	s2 =	simm.s32 @!p0 $0x1C03  }
0x79: {  	[timem:s3], [sflag:s2] =	dma.local @!p0 [hbm:s0], s1  }
0x7a: {  	s0 =	simm.s32 @!p0 $0x3  }
0x7b: {  	_ =	swait.ge @!p0 [sflag:s0], s1  }
0x7c: {  	s1 =	ssub.s32 @!p0 $0x0, s1;
	[sflag:s0] =	ssyncset.done @!p0 $0x0  }
0x7d: {  	[sflag:s0] =	ssyncadd.s32 @!p0 s1  }
0x7e: {  	[bflag:$0x3] =	sbarrier.arrive $0xFFFF  }
0x7f: {  	_ =	shalt  }

// kernel: kernel.19.cloned.1.call-start
scs
__scs_entry_jumppad:
0x0: {  	(pc) =	sbr.rel $0x88, $3  }
0x1: {  	(tag) =	ssettag $0x0;
	lr =	simm.s32 $0x1  }
0x2: {  	[smem:$0x3F96] =	sst lr;
	_ =	strace $0xD0000000  }
0x3: {  	_ = 	snop  }
0x4: {  	_ = 	snop  }
0x5: {  	_ = 	snop  }
0x6: {  	_ = 	snop  }
0x7: {  	_ = 	snop  }
__scs_overlays_trampoline_lowered:
0x8: {  	[smem:$0x3FA5] =	sst s0  }
0x9: {  	[smem:$0x3FA6] =	sst s1  }
0xa: {  	[smem:$0x3FA7] =	sst s2  }
0xb: {  	[smem:$0x3FA8] =	sst s3  }
0xc: {  	[smem:$0x3FA9] =	sst s4  }
0xd: {  	[smem:$0x3FAA] =	sst s5  }
0xe: {  	[smem:$0x3FAB] =	sst s6  }
0xf: {  	[smem:$0x3FAC] =	sst s7  }
0x10: {  	[smem:$0x3FAD] =	sst s8  }
0x11: {  	[smem:$0x3FAE] =	sst s9;
	s0 =	simm.s32 @!p0 $0x0  }
0x12: {  	s1 =	sld [smem:$0x3F94];
	s0 =	simm.s32 @p0 $0x1  }
0x13: {  	[smem:$0x3FAF] =	sst s0;
	s0 =	simm.s32 @!p1 $0x0  }
0x14: {  	s2 =	sld [smem:$0x3F93];
	s0 =	simm.s32 @p1 $0x1  }
0x15: {  	[smem:$0x3FB0] =	sst s0;
	s0 =	simm.s32 @!p2 $0x0  }
0x16: {  	s3 =	sld [smem:$0x3FDB];
	s0 =	simm.s32 @p2 $0x1  }
0x17: {  	s4 =	simm.s32 $0x1BF5;
	[smem:$0x3FB2] =	sst s0  }
0x18: {  	s0 =	sld [smem:$0x3F95];
	_ =	swait.ge [sflag:s4], $0x0  }
0x19: {  	s7 =	sld [smem:$0x3F96]  }
0x1a: {  	s8 =	sadd.s32 $0xFFFFE003, lr  }
0x1b: {  	s9 =	sadd.s32 $0xFFFFFEF7, lr;
	s5 =	simm.s32 $0xFFFFFFFF;
	p2 =	slt.u32 s8, $0xFFFFF086  }
0x1c: {  	p1 =	slt.u32 s9, $0xF7A;
	s5 =	simm.s32 @!p2 $0x0  }
0x1d: {  	s5 =	simm.s32 @p1 $0x1;
	p0 =	seq.s32 s7, s2  }
0x1e: {  	s7 =	smul.u32 @!p0 $0xF7A, s2;
	p2 =	seq.s32 @!p0 s5, $0x0  }
0x1f: {  	s9 =	smul.u32 $0xF7A, s1;
	s8 =	simm.s32 @!p0 $0x1BF5;
	p2 =	por !p2, p0  }
0x20: {  	[sflag:s8] =	ssyncset.s32 @!p0 $0xFFFFF086;
	s6 =	sadd.s32 @!p0 s3, s7;
	s7 =	simm.s32 @!p0 $0x108  }
0x21: {  	s3 =	sadd.s32 s3, s9;
	s6 =	sadd.s32 @!p0 $0x88, s6;
	s7 =	simm.s32 @p2 $0x1082  }
0x22: {  	[simem:s7], [sflag:s8] =	dma.local @!p0 [hbm:s6], $0xF7A  }
0x23: {  	s9 =	sor.u32 $0xD0000000, s2;
	s6 =	simm.s32 $0x108;
	_ =	swait.ge @!p0 [sflag:s8], $0x0  }
0x24: {  	s3 =	sadd.s32 $0x88, s3;
	s6 =	simm.s32 @!p1 $0x1082;
	[sflag:s4] =	ssyncset.s32 $0xFFFFF086  }
0x25: {  	[simem:s6], [sflag:s4] =	dma.local [hbm:s3], $0xF7A  }
0x26: {  	[smem:$0x3F96] =	sst s1;
	(tag) =	ssettag s2;
	_ =	strace s9  }
0x27: {  	s1 =	sld [smem:$0x3FA6]  }
0x28: {  	s2 =	sld [smem:$0x3FA7]  }
0x29: {  	s4 =	sld [smem:$0x3FA9]  }
0x2a: {  	p0 =	seq.s32 s5, $0x0;
	s5 =	sld [smem:$0x3FAA]  }
0x2b: {  	s6 =	sld [smem:$0x3FAB]  }
0x2c: {  	s7 =	sld [smem:$0x3FAC]  }
0x2d: {  	s3 =	simm.s32 $0x108;
	s8 =	sld [smem:$0x3FAD]  }
0x2e: {  	s3 =	simm.s32 @!p0 $0x1082;
	s9 =	sld [smem:$0x3FAE]  }
0x2f: {  	lr =	sadd.s32 s0, s3;
	s0 =	sld [smem:$0x3FA5]  }
0x30: {  	s3 =	sld [smem:$0x3FA8]  }
0x31: {  	[smem:$0x3FB1] =	sst s10  }
0x32: {  	s10 =	sld [smem:$0x3FAF];
	_ =	sdelay $0x3  }
0x33: {  	p0 =	seq.s32 s10, $0x1;
	s10 =	sld [smem:$0x3FB1];
	_ =	sdelay $0x3  }
0x34: {  	[smem:$0x3FB1] =	sst s10  }
0x35: {  	s10 =	sld [smem:$0x3FB0];
	_ =	sdelay $0x3  }
0x36: {  	p1 =	seq.s32 s10, $0x1;
	s10 =	sld [smem:$0x3FB1];
	_ =	sdelay $0x3  }
0x37: {  	[smem:$0x3FB1] =	sst s10  }
0x38: {  	s10 =	sld [smem:$0x3FB2]  }
0x39: {  	_ = 	snop;
	(pc) =	sbr.ind lr, $3  }
0x3a: {  	_ = 	snop  }
0x3b: {  	_ = 	snop  }
0x3c: {  	p2 =	seq.s32 s10, $0x1;
	s10 =	sld [smem:$0x3FB1]  }
0x3d: {  	_ =	shalt  }
0x3e: {  	_ =	shalt  }
0x3f: {  	_ =	shalt  }
0x40: {  	_ =	shalt  }
0x41: {  	_ =	shalt  }
0x42: {  	_ =	shalt  }
0x43: {  	_ =	shalt  }
0x44: {  	_ =	shalt  }
0x45: {  	_ =	shalt  }
0x46: {  	_ =	shalt  }
0x47: {  	_ =	shalt  }
0x48: {  	_ =	shalt  }
0x49: {  	_ =	shalt  }
0x4a: {  	_ =	shalt  }
0x4b: {  	_ =	shalt  }
0x4c: {  	_ =	shalt  }
0x4d: {  	_ =	shalt  }
0x4e: {  	_ =	shalt  }
0x4f: {  	_ =	shalt  }
0x50: {  	_ =	shalt  }
0x51: {  	_ =	shalt  }
0x52: {  	_ =	shalt  }
0x53: {  	_ =	shalt  }
0x54: {  	_ =	shalt  }
0x55: {  	_ =	shalt  }
0x56: {  	_ =	shalt  }
0x57: {  	_ =	shalt  }
0x58: {  	_ =	shalt  }
0x59: {  	_ =	shalt  }
0x5a: {  	_ =	shalt  }
0x5b: {  	_ =	shalt  }
0x5c: {  	_ =	shalt  }
0x5d: {  	_ =	shalt  }
0x5e: {  	_ =	shalt  }
0x5f: {  	_ =	shalt  }
0x60: {  	_ =	shalt  }
0x61: {  	_ =	shalt  }
0x62: {  	_ =	shalt  }
0x63: {  	_ =	shalt  }
0x64: {  	_ =	shalt  }
0x65: {  	_ =	shalt  }
0x66: {  	_ =	shalt  }
0x67: {  	_ =	shalt  }
0x68: {  	_ =	shalt  }
0x69: {  	_ =	shalt  }
0x6a: {  	_ =	shalt  }
0x6b: {  	_ =	shalt  }
0x6c: {  	_ =	shalt  }
0x6d: {  	_ =	shalt  }
0x6e: {  	_ =	shalt  }
0x6f: {  	_ =	shalt  }
0x70: {  	_ =	shalt  }
0x71: {  	_ =	shalt  }
0x72: {  	_ =	shalt  }
0x73: {  	_ =	shalt  }
0x74: {  	_ =	shalt  }
0x75: {  	_ =	shalt  }
0x76: {  	_ =	shalt  }
0x77: {  	_ =	shalt  }
0x78: {  	_ =	shalt  }
0x79: {  	_ =	shalt  }
0x7a: {  	_ =	shalt  }
0x7b: {  	_ =	shalt  }
0x7c: {  	_ =	shalt  }
0x7d: {  	_ =	shalt  }
0x7e: {  	_ =	shalt  }
0x7f: {  	_ =	shalt  }
0x80: {  	_ =	shalt  }
0x81: {  	_ =	shalt  }
0x82: {  	_ =	shalt  }
0x83: {  	_ =	shalt  }
0x84: {  	_ =	shalt  }
0x85: {  	_ =	shalt  }
0x86: {  	_ =	shalt  }
0x87: {  	_ =	shalt  }
.Lfunc_end0:
.L_simem_size_0:
called_computation.3_lowered:
.L_overlay_start_0:
0x88: {  	s2 =	sld [smem:$0x3FD9]  }
0x89: {  	s3 =	sld [smem:$0x3FFE];
	_ =	sdelay $0x1  }
0x8a: {  	s1 =	srdreg.scid  }
0x8b: {  	s0 =	sand.u32 $0x1, s1  }
0x8c: {  	s16 =	sshll.u32 s0, $0xA;
	s2 =	sadd.s32 s3, s2  }
0x8d: {  	s2 =	sadd.s32 s2, s16  }
0x8e: {  	[smem:$0x3FBD] =	sst s2  }
0x8f: {  	_ = 	snop  }
0x90: {  	(tm) =	ssettm $0x1  }
0x91: {  	s17 =	sld [smem:$0x3FFB];
	_ =	sdelay $0x3  }
0x92: {  	_ =	strace s17  }
0x93: {  	s2 =	sld [smem:$0x3FFC];
	_ =	sdelay $0x3  }
0x94: {  	_ =	strace s2  }
0x95: {  	s2 =	sld [smem:$0x3FFD];
	_ =	sdelay $0x3  }
0x96: {  	_ =	strace s2  }
0x97: {  	_ =	strace $0x8FFFFFFF  }
0x98: {  	s18 =	sld [smem:$0x3FDB];
	_ =	sdelay $0x1  }
0x99: {  	s19 =	simm.s32 $_scs_section_size  }
0x9a: {  	s4 =	simm.s32 $_size__tile_overlayer_lowered;
	s5 =	simm.s32 $_tile_overlayer_lowered  }
0x9b: {  	s22 =	simm.s32 $0x1BFF;
	s21 =	sshll.u32 s5, $0x1;
	s2 =	sadd.s32 s19, s18  }
0x9c: {  	s6 =	simm.s32 $0x0;
	s20 =	sshll.u32 s4, $0x1;
	s4 =	sadd.s32 s21, s2  }
0x9d: {  	[timem:s6], [sflag:s22] =	dma.local [hbm:s4], s20  }
0x9e: {  	_ =	swait.ge [sflag:s22], s20  }
0x9f: {  	s3 =	ssub.s32 $0x0, s20;
	[sflag:s22] =	ssyncset.done $0x0  }
0xa0: {  	[sflag:s22] =	ssyncadd.s32 s3;
	_ =	sdelay $0x1  }
0xa1: {  	s23 =	simm.s32 $0x1B8B  }
0xa2: {  	_ =	swait.ge [sflag:s23], $0x1  }
0xa3: {  	[sflag:s23] =	ssyncset.done $0x0  }
0xa4: {  	s25 =	simm.s32 $0x1B8E;
	s24 =	sld [smem:$0x3FFE];
	[sflag:s23] =	ssyncadd.s32 $0xFFFFFFFF  }
0xa5: {  	s26 =	simm.s32 $execute0_lowered;
	[smem:$0x3FD2] =	sst s25  }
0xa6: {  	s4 =	sshll.u32 s26, $0x1;
	_ =	strace $0x8000004F;
	[dreg:$0x1] =	wrdreg $0xFFFFFFFF  }
0xa7: {  	s28 =	simm.s32 $_size_execute0_lowered;
	s2 =	sadd.s32 s2, s4;
	[dreg:$0x0] =	wrdreg $0x0  }
0xa8: {  	s4 =	sshll.u32 s28, $0x1;
	[dreg:$0x2] =	wrdreg s2  }
0xa9: {  	[dreg:$0x3] =	wrdreg s4  }
0xaa: {  	[dreg:$0x4] =	wrdreg $0xC0  }
0xab: {  	_ =	task [dreg:s6], $0x5FFFF  }
0xac: {  	[dreg:$0x1] =	wrdreg $0xFFFFFFFF  }
0xad: {  	[dreg:$0x0] =	wrdreg $0x60  }
0xae: {  	[dreg:$0x2] =	wrdreg s24  }
0xaf: {  	[dreg:$0x3] =	wrdreg $0x160800  }
0xb0: {  	[dreg:$0x4] =	wrdreg $0x9  }
0xb1: {  	_ =	task.clear_ibuf [dreg:s6], $0x5FFFF;
	_ =	strace $0x9000004F  }
0xb2: {  	s29 =	simm.s32 $0x9;
	_ =	strace $0x80000051  }
0xb3: {  	_ =	swait.ge [sflag:s29], $0x1  }
0xb4: {  	[sflag:s29] =	ssyncadd.s32 $0xFFFFFFFF  }
0xb5: {  	_ =	strace $0x90000051  }
0xb6: {  	_ =	sfence  }
0xb7: {  	s30 =	sld [smem:$0x0];
	_ =	sdelay $0x2  }
0xb8: {  	s31 =	sshll.u32 s1, $0xD;
	s1 =	sshrl.u32 s1, $0x2  }
0xb9: {  	s3 =	sand.u32 $0x4000, s31;
	s1 =	sadd.s32 s1, s30  }
0xba: {  	s0 =	sor.u32 s3, s0;
	s1 =	sshll.u32 s1, $0x11  }
0xbb: {  	s0 =	sor.u32 s1, s0  }
0xbc: {  	s0 =	sadd.s32 $0x8F2B, s0  }
0xbd: {  	[sflag:s0] =	ssyncadd.remote.s32 $0x1  }
0xbe: {  	_ =	sfence.sel $0xFFFF  }
0xbf: {  	[dreg:$0x0] =	wrdreg $0xFFFFFFFF;
	(pc) =	sbr.abs _section_cstart, $3  }
0xc0: {  	[dreg:$0x1] =	wrdreg $0xFFFFFFFF  }
0xc1: {  	_ =	task.clear_ibuf [dreg:s6], $0x2FFFF;
	_ =	strace $0x9FFFFFFF  }
0xc2: {  	(tm) =	ssettm $0x7FFFFFFF  }
0xc3: {  	_ =	shalt  }
tec
execute0_lowered:
.L_overlay_start_1:
0x0: {  	(tag) =	ssettag $0x1  }
0x1: {  	s1 =	srdreg.scid;
	s6 =	rddreg [dreg:$0x0]  }
0x2: {  	s0 =	stileid.u32;
	s2 =	rddreg [dreg:$0x1];
	s3 =	simm.s32 $0x0  }
0x3: {  	s13 =	simm.s32 $0x4E20;
	s14 =	simm.s32 $0x50;
	s15 =	simm.s32 $0x9C40  }
0x4: {  	s16 =	simm.s32 $0xB040;
	s17 =	simm.s32 $0x1;
	s18 =	simm.s32 $0x2  }
0x5: {  	s19 =	simm.s32 $0x4DD0;
	s20 =	simm.s32 $0x9BA0;
	s21 =	simm.s32 $0x9BF0  }
0x6: {  	s22 =	simm.s32 $0x40;
	s23 =	simm.s32 $0x80;
	s5 =	smul.u32 $0x4E20, s0  }
0x7: {  	s7 =	sand.u32 $0x1, s1;
	s1 =	rddreg [dreg:$0x2];
	s9 =	smul.u32 $0x13880, s0  }
0x8: {  	s24 =	simm.s32 $0x0;
	[smem:$0x7FF] =	sst s3;
	s12 =	smul.u32 $0x27100, s0  }
0x9: {  	s4 =	smul.u32 $0x4E200, s7;
	s11 =	sshll.u32 s7, $0x6;
	s7 =	ssub.s32 $0x2, s7  }
0xa: {  	_ =	strace $0x80000050;
	s9 =	sor.u32 s11, s9;
	s31 =	sshrl.u32 s7, $0x1  }
0xb: {  	s12 =	sshrl.u32 s12, $0x2;
	s8 =	sadd.s32 s5, s4;
	s4 =	sadd.s32 $0x3AE00, s6  }
0xc: {  	s5 =	sshrl.u32 s5, $0x3;
	s9 =	sshrl.u32 s9, $0x3;
	s11 =	ssub.s32 s7, s31  }
0xd: {  	s8 =	sshrl.u32 s8, $0x3;
	s10 =	sadd.s32 s5, s6;
	s5 =	sadd.s32 $0xE600, s6  }
0xe: {  	s9 =	sadd.s32 s9, s6;
	s8 =	sadd.s32 s8, s6;
	s6 =	sadd.s32 s12, s2  }
0xf: {  	s9 =	sadd.s32 $0x62000, s9;
	s12 =	simm.s32 $0x3;
	s7 =	sadd.s32 $0x27400, s8  }
0x10: {  	s8 =	sadd.s32 $0x4800, s10;
	s10 =	smax.u32 s11, $0x1;
	s11 =	simm.s32 $0xC440  }
.LBB2_1:
0x11: {  	[tilespmem:s11], [sflag:$0x3] =	stream.linear.gather [hbm4b:s5+s3], $0x9C40, $0x38;
	[tilespmem:$0x1FCC0] =	vst v63  }
0x12: {  	_ =	swait.ge [sflag:s12], $0x9C40  }
0x13: {  	[sflag:s12] =	ssyncset.done $0x0  }
0x14: {  	[sflag:s12] =	ssyncadd.s32 $0xFFFF63C0  }
0x15: {  	[spmem:s6] =	stream.linear.scatter [tilespmem:s11], [sflag:$0x3], $0x9C40, $0x38;
	[tilespmem:$0x1FCC0] =	vst v63  }
0x16: {  	_ =	swait.ge [sflag:s12], $0x9C40  }
0x17: {  	[sflag:s12] =	ssyncset.done $0x0  }
0x18: {  	[sflag:s12] =	ssyncadd.s32 $0xFFFF63C0  }
0x19: {  	[tilespmem:s3], [sflag:$0x3] =	stream.linear.gather [hbm4b:s7+s3], $0x4E20, $0x38;
	[tilespmem:$0x1FCC0] =	vst v63  }
0x1a: {  	_ =	swait.ge [sflag:s12], $0x4E20  }
0x1b: {  	[sflag:s12] =	ssyncset.done $0x0  }
0x1c: {  	[sflag:s12] =	ssyncadd.s32 $0xFFFFB1E0  }
0x1d: {  	[tilespmem:s13], [sflag:$0x3] =	stream.linear.gather [hbm4b:s8+s3], $0x4E20, $0x38;
	[tilespmem:$0x1FCC0] =	vst v63  }
0x1e: {  	_ =	swait.ge [sflag:s12], $0x4E20  }
0x1f: {  	[sflag:s12] =	ssyncset.done $0x0  }
0x20: {  	[sflag:s12] =	ssyncadd.s32 $0xFFFFB1E0  }
0x21: {  	[tilespmem:s15], [sflag:$0x1] =	stream.indirect.gather [hbm4b:s4+s14], $0x40, s3, s14, $0xb8;
	[tilespmem:$0x1FCC0] =	vst v63  }
0x22: {  	s25 =	simm.s32 $0x50;
	[bflag:$0x0] =	sbarrier.arrive $0xFFFF  }
0x23: {  	[tilespmem:s16], [sflag:$0x2] =	stream.indirect.gather [hbm4b:s4+s14], $0x40, s25, s14, $0xb8;
	[tilespmem:$0x1FCC0] =	vst v63  }
0x24: {  	_ =	swait.ge [sflag:s17], $0x1400  }
0x25: {  	[sflag:s17] =	ssyncset.done $0x0  }
0x26: {  	s29 =	simm.s32 $0x4E20;
	[sflag:s17] =	ssyncadd.s32 $0xFFFFEC00  }
0x27: {  	[spmem:s2] =	stream.indirect.scatter.add.f32 [tilespmem:s15], [sflag:$0x3], $0x40, s29, s14, $0xb8;
	[tilespmem:$0x1FCC0] =	vst v63  }
0x28: {  	_ =	swait.ge [sflag:s12], $0x1400  }
0x29: {  	[sflag:s12] =	ssyncset.done $0x0  }
0x2a: {  	s30 =	simm.s32 $0xA0;
	[sflag:s12] =	ssyncadd.s32 $0xFFFFEC00  }
0x2b: {  	[tilespmem:s15], [sflag:$0x1] =	stream.indirect.gather [hbm4b:s4+s14], $0x40, s30, s14, $0xb8;
	[tilespmem:$0x1FCC0] =	vst v63  }
0x2c: {  	_ =	swait.ge [sflag:s18], $0x1400  }
0x2d: {  	[sflag:s18] =	ssyncset.done $0x0  }
0x2e: {  	s31 =	simm.s32 $0x4E70;
	[sflag:s18] =	ssyncadd.s32 $0xFFFFEC00  }
0x2f: {  	[spmem:s2] =	stream.indirect.scatter.add.f32 [tilespmem:s16], [sflag:$0x3], $0x40, s31, s14, $0xb8;
	[tilespmem:$0x1FCC0] =	vst v63  }
0x30: {  	_ =	swait.ge [sflag:s12], $0x1400  }
0x31: {  	s26 =	simm.s32 $0x500;
	s25 =	simm.s32 $0xA0;
	[sflag:s12] =	ssyncset.done $0x0  }
.LBB2_2:
0x32: {  	s28 =	sadd.s32 $0x50, s25  }
0x33: {  	[sflag:s12] =	ssyncadd.s32 $0xFFFFEC00;
	s29 =	smov.u32 s26;
	s30 =	sadd.s32 $0x280, s26  }
0x34: {  	[tilespmem:s16], [sflag:$0x2] =	stream.indirect.gather [hbm4b:s4+s14], $0x40, s28, s14, $0xb8;
	[tilespmem:$0x1FCC0] =	vst v63  }
0x35: {  	p0 =	sne.s32 s26, $0x13380;
	_ =	swait.ge [sflag:s17], $0x1400  }
0x36: {  	[sflag:s17] =	ssyncset.done $0x0  }
0x37: {  	s26 =	sadd.s32 $0x4E20, s25;
	[sflag:s17] =	ssyncadd.s32 $0xFFFFEC00  }
0x38: {  	[spmem:s2] =	stream.indirect.scatter.add.f32 [tilespmem:s15], [sflag:$0x3], $0x40, s26, s14, $0xb8;
	[tilespmem:$0x1FCC0] =	vst v63  }
0x39: {  	_ =	swait.ge [sflag:s12], $0x1400  }
0x3a: {  	[sflag:s12] =	ssyncset.done $0x0  }
0x3b: {  	s26 =	sadd.s32 $0xA0, s25;
	[sflag:s12] =	ssyncadd.s32 $0xFFFFEC00  }
0x3c: {  	[tilespmem:s15], [sflag:$0x1] =	stream.indirect.gather [hbm4b:s4+s14], $0x40, s26, s14, $0xb8;
	[tilespmem:$0x1FCC0] =	vst v63  }
0x3d: {  	_ =	swait.ge [sflag:s18], $0x1400  }
.Ltmp0:
0x3e: {  	[sflag:s18] =	ssyncset.done $0x0;
	(pc) =	sbr.rel @p0 .LBB2_2-.Ltmp0, $4  }
0x3f: {  	s25 =	sadd.s32 $0x4E70, s25;
	[sflag:s18] =	ssyncadd.s32 $0xFFFFEC00  }
0x40: {  	[spmem:s2] =	stream.indirect.scatter.add.f32 [tilespmem:s16], [sflag:$0x3], $0x40, s25, s14, $0xb8;
	[tilespmem:$0x1FCC0] =	vst v63  }
0x41: {  	_ =	swait.ge [sflag:s12], $0x1400  }
0x42: {  	s26 =	smov.u32 s30;
	s25 =	sshra.s32 s29, $0x2;
	[sflag:s12] =	ssyncset.done $0x0  }
0x43: {  	s26 =	sadd.s32 $0x50, s25;
	[sflag:s12] =	ssyncadd.s32 $0xFFFFEC00  }
0x44: {  	[tilespmem:s16], [sflag:$0x2] =	stream.indirect.gather [hbm4b:s4+s14], $0x40, s26, s14, $0xb8;
	[tilespmem:$0x1FCC0] =	vst v63  }
0x45: {  	_ =	swait.ge [sflag:s17], $0x1400  }
0x46: {  	[sflag:s17] =	ssyncset.done $0x0  }
0x47: {  	s29 =	sadd.s32 $0x4E20, s25;
	[sflag:s17] =	ssyncadd.s32 $0xFFFFEC00  }
0x48: {  	[spmem:s2] =	stream.indirect.scatter.add.f32 [tilespmem:s15], [sflag:$0x3], $0x40, s29, s14, $0xb8;
	[tilespmem:$0x1FCC0] =	vst v63  }
0x49: {  	_ =	swait.ge [sflag:s12], $0x1400  }
0x4a: {  	[sflag:s12] =	ssyncset.done $0x0  }
0x4b: {  	s30 =	sadd.s32 $0xA0, s25;
	[sflag:s12] =	ssyncadd.s32 $0xFFFFEC00  }
0x4c: {  	[tilespmem:s15], [sflag:$0x1] =	stream.indirect.gather [hbm4b:s4+s14], $0x40, s30, s14, $0xb8;
	[tilespmem:$0x1FCC0] =	vst v63  }
0x4d: {  	_ =	swait.ge [sflag:s18], $0x1400  }
0x4e: {  	[sflag:s18] =	ssyncset.done $0x0  }
0x4f: {  	s31 =	sadd.s32 $0x4E70, s25;
	[sflag:s18] =	ssyncadd.s32 $0xFFFFEC00  }
0x50: {  	[spmem:s2] =	stream.indirect.scatter.add.f32 [tilespmem:s16], [sflag:$0x3], $0x40, s31, s14, $0xb8;
	[tilespmem:$0x1FCC0] =	vst v63  }
0x51: {  	_ =	swait.ge [sflag:s12], $0x1400  }
0x52: {  	[sflag:s12] =	ssyncset.done $0x0  }
0x53: {  	[sflag:s12] =	ssyncadd.s32 $0xFFFFEC00  }
0x54: {  	[tilespmem:s16], [sflag:$0x2] =	stream.indirect.gather [hbm4b:s4+s14], $0x40, s19, s14, $0xb8;
	[tilespmem:$0x1FCC0] =	vst v63  }
0x55: {  	_ =	swait.ge [sflag:s17], $0x1400  }
0x56: {  	[sflag:s17] =	ssyncset.done $0x0  }
0x57: {  	[sflag:s17] =	ssyncadd.s32 $0xFFFFEC00  }
0x58: {  	[spmem:s2] =	stream.indirect.scatter.add.f32 [tilespmem:s15], [sflag:$0x3], $0x40, s20, s14, $0xb8;
	[tilespmem:$0x1FCC0] =	vst v63  }
0x59: {  	_ =	swait.ge [sflag:s12], $0x1400  }
0x5a: {  	[sflag:s12] =	ssyncset.done $0x0  }
0x5b: {  	[sflag:s12] =	ssyncadd.s32 $0xFFFFEC00  }
0x5c: {  	[tilespmem:s15], [sflag:$0x1] =	stream.indirect.gather [hbm4b:s4+s14], $0x40, s19, s14, $0xb8;
	[tilespmem:$0x1FCC0] =	vst v63  }
0x5d: {  	_ =	swait.ge [sflag:s18], $0x1400  }
0x5e: {  	[sflag:s18] =	ssyncset.done $0x0  }
0x5f: {  	[sflag:s18] =	ssyncadd.s32 $0xFFFFEC00  }
0x60: {  	[spmem:s2] =	stream.indirect.scatter.add.f32 [tilespmem:s16], [sflag:$0x3], $0x40, s21, s14, $0xb8;
	[tilespmem:$0x1FCC0] =	vst v63  }
0x61: {  	_ =	swait.ge [sflag:s12], $0x1400  }
0x62: {  	[sflag:s12] =	ssyncset.done $0x0  }
0x63: {  	[sflag:s12] =	ssyncadd.s32 $0xFFFFEC00  }
0x64: {  	_ =	swait.ge [sflag:s17], $0x1400  }
0x65: {  	[sflag:s17] =	ssyncset.done $0x0  }
0x66: {  	[sflag:s17] =	ssyncadd.s32 $0xFFFFEC00  }
0x67: {  	[bflag:$0x0] =	sbarrier.arrive $0xFFFF  }
0x68: {  	[tilespmem:s11], [sflag:$0x3] =	stream.linear.gather [spmem:s6], $0x9C40, $0x38;
	[tilespmem:$0x1FCC0] =	vst v63  }
0x69: {  	s24 =	sadd.s32 $0x1, s24;
	_ =	swait.ge [sflag:s12], $0x9C40  }
0x6a: {  	p0 =	sne.s32 s24, s10;
	[sflag:s12] =	ssyncset.done $0x0  }
.Ltmp1:
0x6b: {  	[sflag:s12] =	ssyncadd.s32 $0xFFFF63C0;
	(pc) =	sbr.rel @p0 .LBB2_1-.Ltmp1, $4  }
0x6c: {  	[hbm4b:s9+s22] =	stream.strided.scatter [tilespmem:s11], [sflag:$0x3], $0x9C40, s23, s22, $0x38;
	[tilespmem:$0x1FCC0] =	vst v63  }
0x6d: {  	_ =	swait.ge [sflag:s12], $0x9C40  }
0x6e: {  	[sflag:s12] =	ssyncset.done $0x0  }
0x6f: {  	[sflag:s12] =	ssyncadd.s32 $0xFFFF63C0  }
0x70: {  	_ =	sfence.sel $0x180000  }
0x71: {  	[bflag:$0x0] =	sbarrier.arrive $0xFFFF  }
0x72: {  	p0 =	sne.s32 s0, $0x0;
	_ =	strace $0x90000050  }
0x73: {  	s0 =	sadd.s32 @!p0 $0x100000, s1;
	[bflag:$0x2] =	sbarrier.arrive $0xFFFF  }
0x74: {  	[sflag:s0] =	ssyncadd.tile.s32 @!p0 $0x1;
	_ =	shalt  }
.Lfunc_end2:
_tile_overlayer_lowered:
.L_overlay_start_2:
0x75: {  	(tag) =	ssettag $0x2  }
0x76: {  	s0 =	rddreg [dreg:$0x0];
	s2 =	stileid.u32  }
0x77: {  	s1 =	rddreg [dreg:$0x1];
	p0 =	sne.s32 s2, $0x0  }
0x78: {  	s3 =	rddreg [dreg:$0x2];
	[bflag:$0x3] =	sbarrier.arrive $0xFFFF;
	s2 =	simm.s32 @!p0 $0x1C03  }
0x79: {  	[timem:s3], [sflag:s2] =	dma.local @!p0 [hbm:s0], s1  }
0x7a: {  	s0 =	simm.s32 @!p0 $0x3  }
0x7b: {  	_ =	swait.ge @!p0 [sflag:s0], s1  }
0x7c: {  	s1 =	ssub.s32 @!p0 $0x0, s1;
	[sflag:s0] =	ssyncset.done @!p0 $0x0  }
0x7d: {  	[sflag:s0] =	ssyncadd.s32 @!p0 s1  }
0x7e: {  	[bflag:$0x3] =	sbarrier.arrive $0xFFFF  }
0x7f: {  	_ =	shalt  }

</sc_bundles>
